<compile_context>
chip_gen: v7x
topology: tpu7x:2x2x1
jax: 0.10.2.dev20260603
libtpu: 0.0.44.dev20260713+nightly
codegen_flags: <defaults>
</compile_context>

<pallas_src>
import functools

import jax
import jax.numpy as jnp
from jax import lax
from jax.experimental import pallas as pl
from jax.experimental.pallas import tpu as pltpu
from jax.experimental.pallas import tpu_sc as plsc

B, C, H, W = 4, 19, 512, 512
M = 2048
NBINS = 2 * C * M
NKEYS = B * C * H * W
NKEYS_W = NKEYS // 2
PLANE_W = (H * W) // 2
NW = 32
PER_TILE_W = NKEYS_W // NW
CHUNK_W = 8192
NCHUNKS = PER_TILE_W // CHUNK_W
_UNROLL = 8


_HB = 64
_STEP_W = C * _HB * W // 2


def _keys_body(logits_ref, targets_ref, keys_ref):
    x = logits_ref[...]
    ex = jnp.exp(x)
    t = ex * (M / jnp.sum(ex, axis=1, keepdims=True))
    lab = targets_ref[...]
    cidx = lax.broadcasted_iota(jnp.int32, t.shape, 1)
    fg = lab[:, None, :, :] == cidx
    tb = jnp.where(fg, M - t, t)
    bins = jnp.minimum(tb.astype(jnp.int32), M - 1)
    k = (jnp.where(fg, M, 0) + bins)[0]
    packed = k[:, : _HB // 2, :] | (k[:, _HB // 2 :, :] << 16)
    keys_ref[...] = packed.reshape(C * (_HB // 2), W)


def _make_keys(logits, targets, nb):
    grid = (nb, H // _HB)
    rows = C * (_HB // 2)
    return pl.pallas_call(
        _keys_body,
        grid=grid,
        in_specs=[
            pl.BlockSpec((1, C, _HB, W), lambda b, h: (b, 0, h, 0)),
            pl.BlockSpec((1, _HB, W), lambda b, h: (b, h, 0)),
        ],
        out_specs=pl.BlockSpec((rows, W), lambda b, h: (b * (H // _HB) + h, 0)),
        out_shape=jax.ShapeDtypeStruct((nb * (H // _HB) * rows, W), jnp.int32),
    )(logits, targets)


_SEG_R = _HB // 2


def _hist_body(rows_per_tile, chunk_r, keys_hbm, out_hbm, kbuf0, kbuf1,
               kbuf2, kbuf3, hist_v, sem0, sem1, sem2, sem3):
    nchunks = rows_per_tile // chunk_r
    wid = lax.axis_index("s") * 2 + lax.axis_index("c")
    base_r = wid * rows_per_tile

    zeros = jnp.zeros((16,), jnp.int32)

    def _zero(i, _):
        for j in range(8):
            hist_v[pl.ds((i * 8 + j) * 16, 16)] = zeros
        return 0

    lax.fori_loop(0, NBINS // 128, _zero, 0)

    ones = jnp.ones((16,), jnp.int32)
    lomask = jnp.full((16,), 0xFFFF, jnp.int32)
    bufs = (kbuf0, kbuf1, kbuf2, kbuf3)
    sems = (sem0, sem1, sem2, sem3)

    def _start(g, slot):
        pltpu.async_copy(
            keys_hbm.at[pl.ds(base_r + g * chunk_r, chunk_r), :],
            bufs[slot],
            sems[slot],
        )

    def _drain(slot):
        pltpu.make_async_copy(
            keys_hbm.at[pl.ds(0, chunk_r), :], bufs[slot], sems[slot]
        ).wait()

    def _scan(g, slot):
        buf = bufs[slot]
        c = lax.rem(base_r + g * chunk_r, C * _SEG_R) // _SEG_R
        off = jnp.broadcast_to(c * (2 * M), (16,))

        def _row(r, _):
            for quad in range(4):
                co = quad * 128
                vs = [buf[r, pl.ds(co + j * 16, 16)] for j in range(8)]
                addrs = []
                for v in vs:
                    addrs.append((v & lomask) + off)
                    addrs.append(lax.shift_right_logical(v, 16) + off)
                for a in addrs:
                    plsc.addupdate_scatter(hist_v, [a], ones)
            return 0

        lax.fori_loop(0, chunk_r, _row, 0)

    for s in range(4):
        _start(s, s)

    def _quad(q, _):
        g = q * 4
        for s in range(4):
            _drain(s)
            _scan(g + s, s)

            @pl.when(g + s + 4 < nchunks)
            def _():
                _start(g + s + 4, s)

        return 0

    lax.fori_loop(0, nchunks // 4, _quad, 0)
    pltpu.sync_copy(hist_v, out_hbm.at[wid])


def _histogram(keys_words, rows_per_tile, chunk_r):
    mesh = plsc.VectorSubcoreMesh(core_axis_name="c", subcore_axis_name="s")
    fn = functools.partial(
        pl.kernel,
        mesh=mesh,
        out_type=jax.ShapeDtypeStruct((NW, NBINS), jnp.int32),
        scratch_types=[
            pltpu.VMEM((chunk_r, W), jnp.int32),
            pltpu.VMEM((chunk_r, W), jnp.int32),
            pltpu.VMEM((chunk_r, W), jnp.int32),
            pltpu.VMEM((chunk_r, W), jnp.int32),
            pltpu.VMEM((NBINS,), jnp.int32),
            pltpu.SemaphoreType.DMA,
            pltpu.SemaphoreType.DMA,
            pltpu.SemaphoreType.DMA,
            pltpu.SemaphoreType.DMA,
        ],
        compiler_params=pltpu.CompilerParams(needs_layout_passes=False),
    )(functools.partial(_hist_body, rows_per_tile, chunk_r))
    return fn(keys_words)


def _final_body(hist_ref, out_ref):
    h = jnp.sum(hist_ref[...], axis=0).astype(jnp.float32)
    hfg = h[:, 1, :]
    htot = h[:, 0, :] + hfg
    x = jnp.concatenate([htot, hfg], axis=0)
    rows = lax.broadcasted_iota(jnp.int32, (M, M), 0)
    cols = lax.broadcasted_iota(jnp.int32, (M, M), 1)
    tri = (rows >= cols).astype(jnp.float32)
    cum = jnp.dot(x, tri, preferred_element_type=jnp.float32)
    cumN = cum[:C]
    cumP = cum[C:]
    gts = cumP[:, 0:1]
    union = jnp.maximum(gts + cumN - cumP, 1.0)
    jac = jnp.where(cumN > 0, 1.0 - (gts - cumP) / union, 0.0)
    loss_c = (jnp.sum(jac, axis=1) - 0.5 * jac[:, 0]) * (1.0 / M)
    out_ref[...] = jnp.mean(loss_c)[None, None]


def _finalize(hist):
    return pl.pallas_call(
        _final_body,
        out_shape=jax.ShapeDtypeStruct((1, 1), jnp.float32),
    )(hist)


def kernel(logits, targets):
    words = _make_keys(logits, targets, B)
    rpt = B * (H // _HB) * C * (_HB // 2) // NW
    hist = _histogram(words, rpt, 8)
    out = _finalize(hist.reshape(NW, C, 2, M))
    return out[0, 0]

# --- scband reference (transcript-rebuilt; emitter-appended) ---
"""Pipeline reference for scband-lovasz-softmax-89970974916937 (READ-ONLY COPY).

The authoritative reference and input builder live on the scoring server;
editing this copy changes nothing except your own understanding.
"""

import jax, jax.numpy as jnp
import numpy as np

B, C, H, W = 4, 19, 512, 512


def lovasz_grad(gt_sorted):
    gts = gt_sorted.sum()
    intersection = gts - jnp.cumsum(gt_sorted, axis=0)
    union = gts + jnp.cumsum(1.0 - gt_sorted, axis=0)
    jaccard = 1.0 - intersection / union
    jaccard = jnp.concatenate([jaccard[:1], jaccard[1:] - jaccard[:-1]], axis=0)
    return jaccard


def lovasz_softmax_flat(probas, labels):
    # classes='all': loop over every class
    n_classes = probas.shape[1]
    losses = []
    for c in range(n_classes):
        fg = (labels == c).astype(probas.dtype)
        class_pred = probas[:, c]
        errors = jnp.abs(fg - class_pred)
        perm = jnp.argsort(-errors)  # descending sort order
        errors_sorted = errors[perm]
        fg_sorted = fg[perm]
        losses.append(jnp.dot(errors_sorted, lovasz_grad(fg_sorted)))
    return jnp.stack(losses).mean()


def setup_inputs(seed: int = 0) -> dict:
    key = jax.random.key(seed)
    k1, k2 = jax.random.split(key)
    logits = jax.random.normal(k1, (B, C, H, W), dtype=jnp.float32)
    targets = jax.random.randint(k2, (B, H, W), 0, C, dtype=jnp.int32)
    return {"logits": logits, "targets": targets}


def reference(logits, targets):
    probs = jax.nn.softmax(logits, axis=1)
    b, c, h, w = probs.shape
    # flatten_probas: [B,C,H,W] -> [B*H*W, C], labels -> [B*H*W]
    probas = jnp.transpose(probs, (0, 2, 3, 1)).reshape(-1, c)
    labels = targets.reshape(-1)
    return lovasz_softmax_flat(probas, labels)

if __name__ == "__main__":
    import jax
    _d = setup_inputs()
    print(jax.jit(kernel)(*tuple(_d.values())))

</pallas_src>

<mosaic_0001>
#map = affine_map<(d0, d1) -> (0, 0)>
module attributes {stable_mosaic.version = 14 : i64} {
  func.func @_hist_body(%arg0: i32, %arg1: i32, %arg2: memref<19456x512xi32, #tpu.memory_space<hbm>>, %arg3: memref<32x77824xi32, #tpu.memory_space<hbm>>, %arg4: memref<8x512xi32, #tpu.memory_space<vmem>>, %arg5: memref<8x512xi32, #tpu.memory_space<vmem>>, %arg6: memref<8x512xi32, #tpu.memory_space<vmem>>, %arg7: memref<8x512xi32, #tpu.memory_space<vmem>>, %arg8: memref<77824xi32, #tpu.memory_space<vmem>>, %arg9: memref<!tpu.dma_semaphore, #tpu.memory_space<semaphore_mem>>, %arg10: memref<!tpu.dma_semaphore, #tpu.memory_space<semaphore_mem>>, %arg11: memref<!tpu.dma_semaphore, #tpu.memory_space<semaphore_mem>>, %arg12: memref<!tpu.dma_semaphore, #tpu.memory_space<semaphore_mem>>) attributes {dimension_semantics = [#tpu.dimension_semantics<core_parallel>, #tpu.dimension_semantics<subcore_parallel>], iteration_bounds = array<i64: 2, 16>, scalar_prefetch = 0 : i64, scratch_operands = 9 : i64, tpu.core_type = #tpu.core_type<sc_vector_subcore>, window_params = [{transform_indices = #map}, {transform_indices = #map}]} {
    %mul3A = arith.constant 2 : i32
    %mul3A_0 = arith.muli %arg1, %mul3A : i32
    %add3A = arith.addi %mul3A_0, %arg0 : i32
    %mul3A_1 = arith.constant 608 : i32
    %mul3A_2 = arith.muli %add3A, %mul3A_1 : i32
    %broadcast_in_dim3A = arith.constant 0 : i32
    %broadcast_in_dim3A_3 = vector.broadcast %broadcast_in_dim3A : i32 to vector<16xi32>
    %scan3A = arith.constant 0 : i32
    %scan3A_4 = arith.constant 0 : i32
    %scan3A_5 = arith.constant 608 : i32
    %scan3A_6 = arith.addi %scan3A_4, %scan3A_5 : i32
    %scan3A_7 = arith.constant 1 : i32
    %scan3A_8 = scf.for %scan3A_44 = %scan3A_4 to %scan3A_6 step %scan3A_7 iter_args(%scan3A_45 = %scan3A) -> (i32)  : i32 {
      %mul3A_46 = arith.constant 8 : i32
      %mul3A_47 = arith.muli %scan3A_44, %mul3A_46 : i32
      %add3A_48 = arith.constant 0 : i32
      %add3A_49 = arith.addi %mul3A_47, %add3A_48 : i32
      %mul3A_50 = arith.constant 16 : i32
      %mul3A_51 = arith.muli %add3A_49, %mul3A_50 : i32
      %swap3A = arith.index_cast %mul3A_51 : i32 to index
      %swap3A_52 = tpu.vector_load %arg8[%swap3A] {strides = array<i32>} : memref<77824xi32, #tpu.memory_space<vmem>>, vector<16xi32>,
      tpu.vector_store %arg8[%swap3A], %broadcast_in_dim3A_3 {strides = array<i32>} : memref<77824xi32, #tpu.memory_space<vmem>>, vector<16xi32>,
      %mul3A_53 = arith.constant 8 : i32
      %mul3A_54 = arith.muli %scan3A_44, %mul3A_53 : i32
      %add3A_55 = arith.constant 1 : i32
      %add3A_56 = arith.addi %mul3A_54, %add3A_55 : i32
      %mul3A_57 = arith.constant 16 : i32
      %mul3A_58 = arith.muli %add3A_56, %mul3A_57 : i32
      %swap3A_59 = arith.index_cast %mul3A_58 : i32 to index
      %swap3A_60 = tpu.vector_load %arg8[%swap3A_59] {strides = array<i32>} : memref<77824xi32, #tpu.memory_space<vmem>>, vector<16xi32>,
      tpu.vector_store %arg8[%swap3A_59], %broadcast_in_dim3A_3 {strides = array<i32>} : memref<77824xi32, #tpu.memory_space<vmem>>, vector<16xi32>,
      %mul3A_61 = arith.constant 8 : i32
      %mul3A_62 = arith.muli %scan3A_44, %mul3A_61 : i32
      %add3A_63 = arith.constant 2 : i32
      %add3A_64 = arith.addi %mul3A_62, %add3A_63 : i32
      %mul3A_65 = arith.constant 16 : i32
      %mul3A_66 = arith.muli %add3A_64, %mul3A_65 : i32
      %swap3A_67 = arith.index_cast %mul3A_66 : i32 to index
      %swap3A_68 = tpu.vector_load %arg8[%swap3A_67] {strides = array<i32>} : memref<77824xi32, #tpu.memory_space<vmem>>, vector<16xi32>,
      tpu.vector_store %arg8[%swap3A_67], %broadcast_in_dim3A_3 {strides = array<i32>} : memref<77824xi32, #tpu.memory_space<vmem>>, vector<16xi32>,
      %mul3A_69 = arith.constant 8 : i32
      %mul3A_70 = arith.muli %scan3A_44, %mul3A_69 : i32
      %add3A_71 = arith.constant 3 : i32
      %add3A_72 = arith.addi %mul3A_70, %add3A_71 : i32
      %mul3A_73 = arith.constant 16 : i32
      %mul3A_74 = arith.muli %add3A_72, %mul3A_73 : i32
      %swap3A_75 = arith.index_cast %mul3A_74 : i32 to index
      %swap3A_76 = tpu.vector_load %arg8[%swap3A_75] {strides = array<i32>} : memref<77824xi32, #tpu.memory_space<vmem>>, vector<16xi32>,
      tpu.vector_store %arg8[%swap3A_75], %broadcast_in_dim3A_3 {strides = array<i32>} : memref<77824xi32, #tpu.memory_space<vmem>>, vector<16xi32>,
      %mul3A_77 = arith.constant 8 : i32
      %mul3A_78 = arith.muli %scan3A_44, %mul3A_77 : i32
      %add3A_79 = arith.constant 4 : i32
      %add3A_80 = arith.addi %mul3A_78, %add3A_79 : i32
      %mul3A_81 = arith.constant 16 : i32
      %mul3A_82 = arith.muli %add3A_80, %mul3A_81 : i32
      %swap3A_83 = arith.index_cast %mul3A_82 : i32 to index
      %swap3A_84 = tpu.vector_load %arg8[%swap3A_83] {strides = array<i32>} : memref<77824xi32, #tpu.memory_space<vmem>>, vector<16xi32>,
      tpu.vector_store %arg8[%swap3A_83], %broadcast_in_dim3A_3 {strides = array<i32>} : memref<77824xi32, #tpu.memory_space<vmem>>, vector<16xi32>,
      %mul3A_85 = arith.constant 8 : i32
      %mul3A_86 = arith.muli %scan3A_44, %mul3A_85 : i32
      %add3A_87 = arith.constant 5 : i32
      %add3A_88 = arith.addi %mul3A_86, %add3A_87 : i32
      %mul3A_89 = arith.constant 16 : i32
      %mul3A_90 = arith.muli %add3A_88, %mul3A_89 : i32
      %swap3A_91 = arith.index_cast %mul3A_90 : i32 to index
      %swap3A_92 = tpu.vector_load %arg8[%swap3A_91] {strides = array<i32>} : memref<77824xi32, #tpu.memory_space<vmem>>, vector<16xi32>,
      tpu.vector_store %arg8[%swap3A_91], %broadcast_in_dim3A_3 {strides = array<i32>} : memref<77824xi32, #tpu.memory_space<vmem>>, vector<16xi32>,
      %mul3A_93 = arith.constant 8 : i32
      %mul3A_94 = arith.muli %scan3A_44, %mul3A_93 : i32
      %add3A_95 = arith.constant 6 : i32
      %add3A_96 = arith.addi %mul3A_94, %add3A_95 : i32
      %mul3A_97 = arith.constant 16 : i32
      %mul3A_98 = arith.muli %add3A_96, %mul3A_97 : i32
      %swap3A_99 = arith.index_cast %mul3A_98 : i32 to index
      %swap3A_100 = tpu.vector_load %arg8[%swap3A_99] {strides = array<i32>} : memref<77824xi32, #tpu.memory_space<vmem>>, vector<16xi32>,
      tpu.vector_store %arg8[%swap3A_99], %broadcast_in_dim3A_3 {strides = array<i32>} : memref<77824xi32, #tpu.memory_space<vmem>>, vector<16xi32>,
      %mul3A_101 = arith.constant 8 : i32
      %mul3A_102 = arith.muli %scan3A_44, %mul3A_101 : i32
      %add3A_103 = arith.constant 7 : i32
      %add3A_104 = arith.addi %mul3A_102, %add3A_103 : i32
      %mul3A_105 = arith.constant 16 : i32
      %mul3A_106 = arith.muli %add3A_104, %mul3A_105 : i32
      %swap3A_107 = arith.index_cast %mul3A_106 : i32 to index
      %swap3A_108 = tpu.vector_load %arg8[%swap3A_107] {strides = array<i32>} : memref<77824xi32, #tpu.memory_space<vmem>>, vector<16xi32>,
      tpu.vector_store %arg8[%swap3A_107], %broadcast_in_dim3A_3 {strides = array<i32>} : memref<77824xi32, #tpu.memory_space<vmem>>, vector<16xi32>,
      %scan3A_109 = arith.constant 0 : i32
      scf.yield %scan3A_109 : i32
    }
    %scan3A_9 = arith.constant 608 : i32
    %broadcast_in_dim3A_10 = arith.constant 1 : i32
    %broadcast_in_dim3A_11 = vector.broadcast %broadcast_in_dim3A_10 : i32 to vector<16xi32>
    %broadcast_in_dim3A_12 = arith.constant 65535 : i32
    %broadcast_in_dim3A_13 = vector.broadcast %broadcast_in_dim3A_12 : i32 to vector<16xi32>
    %add3A_14 = arith.constant 0 : i32
    %add3A_15 = arith.addi %mul3A_2, %add3A_14 : i32
    %dma_start3A = arith.constant 0 : i32
    %dma_start3A_16 = tpu.memref_slice %arg2[%add3A_15, %dma_start3A] : memref<19456x512xi32, #tpu.memory_space<hbm>> -> memref<8x512xi32, #tpu.memory_space<hbm>>
    %dma_start3A_17 = arith.constant 0 : i32
    %dma_start3A_18 = tpu.memref_slice %arg2[%add3A_15, %dma_start3A_17] : memref<19456x512xi32, #tpu.memory_space<hbm>> -> memref<8x512xi32, #tpu.memory_space<hbm>>
    tpu.enqueue_dma source(%dma_start3A_18 : memref<8x512xi32, #tpu.memory_space<hbm>>) target(%arg4 : memref<8x512xi32, #tpu.memory_space<vmem>>) target_semaphore(%arg9 : memref<!tpu.dma_semaphore, #tpu.memory_space<semaphore_mem>>)
    %add3A_19 = arith.constant 8 : i32
    %add3A_20 = arith.addi %mul3A_2, %add3A_19 : i32
    %dma_start3A_21 = arith.constant 0 : i32
    %dma_start3A_22 = tpu.memref_slice %arg2[%add3A_20, %dma_start3A_21] : memref<19456x512xi32, #tpu.memory_space<hbm>> -> memref<8x512xi32, #tpu.memory_space<hbm>>
    %dma_start3A_23 = arith.constant 0 : i32
    %dma_start3A_24 = tpu.memref_slice %arg2[%add3A_20, %dma_start3A_23] : memref<19456x512xi32, #tpu.memory_space<hbm>> -> memref<8x512xi32, #tpu.memory_space<hbm>>
    tpu.enqueue_dma source(%dma_start3A_24 : memref<8x512xi32, #tpu.memory_space<hbm>>) target(%arg5 : memref<8x512xi32, #tpu.memory_space<vmem>>) target_semaphore(%arg10 : memref<!tpu.dma_semaphore, #tpu.memory_space<semaphore_mem>>)
    %add3A_25 = arith.constant 16 : i32
    %add3A_26 = arith.addi %mul3A_2, %add3A_25 : i32
    %dma_start3A_27 = arith.constant 0 : i32
    %dma_start3A_28 = tpu.memref_slice %arg2[%add3A_26, %dma_start3A_27] : memref<19456x512xi32, #tpu.memory_space<hbm>> -> memref<8x512xi32, #tpu.memory_space<hbm>>
    %dma_start3A_29 = arith.constant 0 : i32
    %dma_start3A_30 = tpu.memref_slice %arg2[%add3A_26, %dma_start3A_29] : memref<19456x512xi32, #tpu.memory_space<hbm>> -> memref<8x512xi32, #tpu.memory_space<hbm>>
    tpu.enqueue_dma source(%dma_start3A_30 : memref<8x512xi32, #tpu.memory_space<hbm>>) target(%arg6 : memref<8x512xi32, #tpu.memory_space<vmem>>) target_semaphore(%arg11 : memref<!tpu.dma_semaphore, #tpu.memory_space<semaphore_mem>>)
    %add3A_31 = arith.constant 24 : i32
    %add3A_32 = arith.addi %mul3A_2, %add3A_31 : i32
    %dma_start3A_33 = arith.constant 0 : i32
    %dma_start3A_34 = tpu.memref_slice %arg2[%add3A_32, %dma_start3A_33] : memref<19456x512xi32, #tpu.memory_space<hbm>> -> memref<8x512xi32, #tpu.memory_space<hbm>>
    %dma_start3A_35 = arith.constant 0 : i32
    %dma_start3A_36 = tpu.memref_slice %arg2[%add3A_32, %dma_start3A_35] : memref<19456x512xi32, #tpu.memory_space<hbm>> -> memref<8x512xi32, #tpu.memory_space<hbm>>
    tpu.enqueue_dma source(%dma_start3A_36 : memref<8x512xi32, #tpu.memory_space<hbm>>) target(%arg7 : memref<8x512xi32, #tpu.memory_space<vmem>>) target_semaphore(%arg12 : memref<!tpu.dma_semaphore, #tpu.memory_space<semaphore_mem>>)
    %scan3A_37 = arith.constant 0 : i32
    %scan3A_38 = arith.constant 0 : i32
    %scan3A_39 = arith.constant 19 : i32
    %scan3A_40 = arith.addi %scan3A_38, %scan3A_39 : i32
    %scan3A_41 = arith.constant 1 : i32
    %scan3A_42 = scf.for %scan3A_44 = %scan3A_38 to %scan3A_40 step %scan3A_41 iter_args(%scan3A_45 = %scan3A_37) -> (i32)  : i32 {
      %mul3A_46 = arith.constant 4 : i32
      %mul3A_47 = arith.muli %scan3A_44, %mul3A_46 : i32
      %dma_wait3A = arith.constant 0 : i32
      %dma_wait3A_48 = arith.constant 0 : i32
      %dma_wait3A_49 = tpu.memref_slice %arg2[%dma_wait3A, %dma_wait3A_48] : memref<19456x512xi32, #tpu.memory_space<hbm>> -> memref<8x512xi32, #tpu.memory_space<hbm>>
      %dma_wait3A_50 = arith.constant 0 : i32
      %dma_wait3A_51 = arith.constant 0 : i32
      %dma_wait3A_52 = tpu.memref_slice %arg2[%dma_wait3A_50, %dma_wait3A_51] : memref<19456x512xi32, #tpu.memory_space<hbm>> -> memref<8x512xi32, #tpu.memory_space<hbm>>
      tpu.wait_dma2 semaphore(%arg9 : memref<!tpu.dma_semaphore, #tpu.memory_space<semaphore_mem>>) src(%dma_wait3A_52 : memref<8x512xi32, #tpu.memory_space<hbm>>) dst(%arg4 : memref<8x512xi32, #tpu.memory_space<vmem>>)
      %add3A_53 = arith.constant 0 : i32
      %add3A_54 = arith.addi %mul3A_47, %add3A_53 : i32
      %mul3A_55 = arith.constant 8 : i32
      %mul3A_56 = arith.muli %add3A_54, %mul3A_55 : i32
      %add3A_57 = arith.addi %mul3A_2, %mul3A_56 : i32
      %rem3A = arith.constant 608 : i32
      %rem3A_58 = arith.remsi %add3A_57, %rem3A : i32
      %jit3A = arith.constant 32 : i32
      %div3A = arith.divsi %rem3A_58, %jit3A : i32
      %sign3A = arith.constant 0 : i32
      %sign3A_59 = arith.cmpi sgt, %rem3A_58, %sign3A : i32
      %sign3A_60 = arith.extui %sign3A_59 : i1 to i32
      %sign3A_61 = arith.constant 0 : i32
      %sign3A_62 = arith.cmpi slt, %rem3A_58, %sign3A_61 : i32
      %sign3A_63 = arith.extui %sign3A_62 : i1 to i32
      %sign3A_64 = arith.subi %sign3A_60, %sign3A_63 : i32
      %sign3A_65 = arith.constant 0 : i32
      %sign3A_66 = arith.cmpi sgt, %jit3A, %sign3A_65 : i32
      %sign3A_67 = arith.extui %sign3A_66 : i1 to i32
      %sign3A_68 = arith.constant 0 : i32
      %sign3A_69 = arith.cmpi slt, %jit3A, %sign3A_68 : i32
      %sign3A_70 = arith.extui %sign3A_69 : i1 to i32
      %sign3A_71 = arith.subi %sign3A_67, %sign3A_70 : i32
      %ne3A = arith.cmpi ne, %sign3A_64, %sign3A_71 : i32
      %rem3A_72 = arith.remsi %rem3A_58, %jit3A : i32
      %ne3A_73 = arith.constant 0 : i32
      %ne3A_74 = arith.cmpi ne, %rem3A_72, %ne3A_73 : i32
      %and3A = arith.andi %ne3A, %ne3A_74 : i1
      %sub3A = arith.constant 1 : i32
      %sub3A_75 = arith.subi %div3A, %sub3A : i32
      %select_n3A = arith.select %and3A, %sub3A_75, %div3A : i32
      %mul3A_76 = arith.constant 4096 : i32
      %mul3A_77 = arith.muli %select_n3A, %mul3A_76 : i32
      %broadcast_in_dim3A_78 = vector.broadcast %mul3A_77 : i32 to vector<16xi32>
      %scan3A_79 = arith.constant 0 : i32
      %scan3A_80 = arith.constant 0 : i32
      %scan3A_81 = arith.constant 8 : i32
      %scan3A_82 = arith.addi %scan3A_80, %scan3A_81 : i32
      %scan3A_83 = arith.constant 1 : i32
      %scan3A_84 = scf.for %scan3A_261 = %scan3A_80 to %scan3A_82 step %scan3A_83 iter_args(%scan3A_262 = %scan3A_79) -> (i32)  : i32 {
        %get3A = arith.index_cast %scan3A_261 : i32 to index
        %get3A_263 = arith.constant 0 : index
        %get3A_264 = tpu.vector_load %arg4[%get3A, %get3A_263] {strides = array<i32>} : memref<8x512xi32, #tpu.memory_space<vmem>>, vector<16xi32>,
        %get3A_265 = arith.index_cast %scan3A_261 : i32 to index
        %get3A_266 = arith.constant 16 : index
        %get3A_267 = tpu.vector_load %arg4[%get3A_265, %get3A_266] {strides = array<i32>} : memref<8x512xi32, #tpu.memory_space<vmem>>, vector<16xi32>,
        %get3A_268 = arith.index_cast %scan3A_261 : i32 to index
        %get3A_269 = arith.constant 32 : index
        %get3A_270 = tpu.vector_load %arg4[%get3A_268, %get3A_269] {strides = array<i32>} : memref<8x512xi32, #tpu.memory_space<vmem>>, vector<16xi32>,
        %get3A_271 = arith.index_cast %scan3A_261 : i32 to index
        %get3A_272 = arith.constant 48 : index
        %get3A_273 = tpu.vector_load %arg4[%get3A_271, %get3A_272] {strides = array<i32>} : memref<8x512xi32, #tpu.memory_space<vmem>>, vector<16xi32>,
        %get3A_274 = arith.index_cast %scan3A_261 : i32 to index
        %get3A_275 = arith.constant 64 : index
        %get3A_276 = tpu.vector_load %arg4[%get3A_274, %get3A_275] {strides = array<i32>} : memref<8x512xi32, #tpu.memory_space<vmem>>, vector<16xi32>,
        %get3A_277 = arith.index_cast %scan3A_261 : i32 to index
        %get3A_278 = arith.constant 80 : index
        %get3A_279 = tpu.vector_load %arg4[%get3A_277, %get3A_278] {strides = array<i32>} : memref<8x512xi32, #tpu.memory_space<vmem>>, vector<16xi32>,
        %get3A_280 = arith.index_cast %scan3A_261 : i32 to index
        %get3A_281 = arith.constant 96 : index
        %get3A_282 = tpu.vector_load %arg4[%get3A_280, %get3A_281] {strides = array<i32>} : memref<8x512xi32, #tpu.memory_space<vmem>>, vector<16xi32>,
        %get3A_283 = arith.index_cast %scan3A_261 : i32 to index
        %get3A_284 = arith.constant 112 : index
        %get3A_285 = tpu.vector_load %arg4[%get3A_283, %get3A_284] {strides = array<i32>} : memref<8x512xi32, #tpu.memory_space<vmem>>, vector<16xi32>,
        %and3A_286 = arith.andi %get3A_264, %broadcast_in_dim3A_13 : vector<16xi32>
        %add3A_287 = arith.addi %and3A_286, %broadcast_in_dim3A_78 : vector<16xi32>
        %shift_right_logical3A = arith.constant 16 : i32
        %shift_right_logical3A_288 = vector.broadcast %shift_right_logical3A : i32 to vector<16xi32>
        %shift_right_logical3A_289 = arith.shrui %get3A_264, %shift_right_logical3A_288 : vector<16xi32>
        %add3A_290 = arith.addi %shift_right_logical3A_289, %broadcast_in_dim3A_78 : vector<16xi32>
        %and3A_291 = arith.andi %get3A_267, %broadcast_in_dim3A_13 : vector<16xi32>
        %add3A_292 = arith.addi %and3A_291, %broadcast_in_dim3A_78 : vector<16xi32>
        %shift_right_logical3A_293 = arith.constant 16 : i32
        %shift_right_logical3A_294 = vector.broadcast %shift_right_logical3A_293 : i32 to vector<16xi32>
        %shift_right_logical3A_295 = arith.shrui %get3A_267, %shift_right_logical3A_294 : vector<16xi32>
        %add3A_296 = arith.addi %shift_right_logical3A_295, %broadcast_in_dim3A_78 : vector<16xi32>
        %and3A_297 = arith.andi %get3A_270, %broadcast_in_dim3A_13 : vector<16xi32>
        %add3A_298 = arith.addi %and3A_297, %broadcast_in_dim3A_78 : vector<16xi32>
        %shift_right_logical3A_299 = arith.constant 16 : i32
        %shift_right_logical3A_300 = vector.broadcast %shift_right_logical3A_299 : i32 to vector<16xi32>
        %shift_right_logical3A_301 = arith.shrui %get3A_270, %shift_right_logical3A_300 : vector<16xi32>
        %add3A_302 = arith.addi %shift_right_logical3A_301, %broadcast_in_dim3A_78 : vector<16xi32>
        %and3A_303 = arith.andi %get3A_273, %broadcast_in_dim3A_13 : vector<16xi32>
        %add3A_304 = arith.addi %and3A_303, %broadcast_in_dim3A_78 : vector<16xi32>
        %shift_right_logical3A_305 = arith.constant 16 : i32
        %shift_right_logical3A_306 = vector.broadcast %shift_right_logical3A_305 : i32 to vector<16xi32>
        %shift_right_logical3A_307 = arith.shrui %get3A_273, %shift_right_logical3A_306 : vector<16xi32>
        %add3A_308 = arith.addi %shift_right_logical3A_307, %broadcast_in_dim3A_78 : vector<16xi32>
        %and3A_309 = arith.andi %get3A_276, %broadcast_in_dim3A_13 : vector<16xi32>
        %add3A_310 = arith.addi %and3A_309, %broadcast_in_dim3A_78 : vector<16xi32>
        %shift_right_logical3A_311 = arith.constant 16 : i32
        %shift_right_logical3A_312 = vector.broadcast %shift_right_logical3A_311 : i32 to vector<16xi32>
        %shift_right_logical3A_313 = arith.shrui %get3A_276, %shift_right_logical3A_312 : vector<16xi32>
        %add3A_314 = arith.addi %shift_right_logical3A_313, %broadcast_in_dim3A_78 : vector<16xi32>
        %and3A_315 = arith.andi %get3A_279, %broadcast_in_dim3A_13 : vector<16xi32>
        %add3A_316 = arith.addi %and3A_315, %broadcast_in_dim3A_78 : vector<16xi32>
        %shift_right_logical3A_317 = arith.constant 16 : i32
        %shift_right_logical3A_318 = vector.broadcast %shift_right_logical3A_317 : i32 to vector<16xi32>
        %shift_right_logical3A_319 = arith.shrui %get3A_279, %shift_right_logical3A_318 : vector<16xi32>
        %add3A_320 = arith.addi %shift_right_logical3A_319, %broadcast_in_dim3A_78 : vector<16xi32>
        %and3A_321 = arith.andi %get3A_282, %broadcast_in_dim3A_13 : vector<16xi32>
        %add3A_322 = arith.addi %and3A_321, %broadcast_in_dim3A_78 : vector<16xi32>
        %shift_right_logical3A_323 = arith.constant 16 : i32
        %shift_right_logical3A_324 = vector.broadcast %shift_right_logical3A_323 : i32 to vector<16xi32>
        %shift_right_logical3A_325 = arith.shrui %get3A_282, %shift_right_logical3A_324 : vector<16xi32>
        %add3A_326 = arith.addi %shift_right_logical3A_325, %broadcast_in_dim3A_78 : vector<16xi32>
        %and3A_327 = arith.andi %get3A_285, %broadcast_in_dim3A_13 : vector<16xi32>
        %add3A_328 = arith.addi %and3A_327, %broadcast_in_dim3A_78 : vector<16xi32>
        %shift_right_logical3A_329 = arith.constant 16 : i32
        %shift_right_logical3A_330 = vector.broadcast %shift_right_logical3A_329 : i32 to vector<16xi32>
        %shift_right_logical3A_331 = arith.shrui %get3A_285, %shift_right_logical3A_330 : vector<16xi32>
        %add3A_332 = arith.addi %shift_right_logical3A_331, %broadcast_in_dim3A_78 : vector<16xi32>
        tpu.vector_store_idx %arg8[%add3A_287], %broadcast_in_dim3A_11 {add = true} : memref<77824xi32, #tpu.memory_space<vmem>>[vector<16xi32>], vector<16xi32>,
        tpu.vector_store_idx %arg8[%add3A_290], %broadcast_in_dim3A_11 {add = true} : memref<77824xi32, #tpu.memory_space<vmem>>[vector<16xi32>], vector<16xi32>,
        tpu.vector_store_idx %arg8[%add3A_292], %broadcast_in_dim3A_11 {add = true} : memref<77824xi32, #tpu.memory_space<vmem>>[vector<16xi32>], vector<16xi32>,
        tpu.vector_store_idx %arg8[%add3A_296], %broadcast_in_dim3A_11 {add = true} : memref<77824xi32, #tpu.memory_space<vmem>>[vector<16xi32>], vector<16xi32>,
        tpu.vector_store_idx %arg8[%add3A_298], %broadcast_in_dim3A_11 {add = true} : memref<77824xi32, #tpu.memory_space<vmem>>[vector<16xi32>], vector<16xi32>,
        tpu.vector_store_idx %arg8[%add3A_302], %broadcast_in_dim3A_11 {add = true} : memref<77824xi32, #tpu.memory_space<vmem>>[vector<16xi32>], vector<16xi32>,
        tpu.vector_store_idx %arg8[%add3A_304], %broadcast_in_dim3A_11 {add = true} : memref<77824xi32, #tpu.memory_space<vmem>>[vector<16xi32>], vector<16xi32>,
        tpu.vector_store_idx %arg8[%add3A_308], %broadcast_in_dim3A_11 {add = true} : memref<77824xi32, #tpu.memory_space<vmem>>[vector<16xi32>], vector<16xi32>,
        tpu.vector_store_idx %arg8[%add3A_310], %broadcast_in_dim3A_11 {add = true} : memref<77824xi32, #tpu.memory_space<vmem>>[vector<16xi32>], vector<16xi32>,
        tpu.vector_store_idx %arg8[%add3A_314], %broadcast_in_dim3A_11 {add = true} : memref<77824xi32, #tpu.memory_space<vmem>>[vector<16xi32>], vector<16xi32>,
        tpu.vector_store_idx %arg8[%add3A_316], %broadcast_in_dim3A_11 {add = true} : memref<77824xi32, #tpu.memory_space<vmem>>[vector<16xi32>], vector<16xi32>,
        tpu.vector_store_idx %arg8[%add3A_320], %broadcast_in_dim3A_11 {add = true} : memref<77824xi32, #tpu.memory_space<vmem>>[vector<16xi32>], vector<16xi32>,
        tpu.vector_store_idx %arg8[%add3A_322], %broadcast_in_dim3A_11 {add = true} : memref<77824xi32, #tpu.memory_space<vmem>>[vector<16xi32>], vector<16xi32>,
        tpu.vector_store_idx %arg8[%add3A_326], %broadcast_in_dim3A_11 {add = true} : memref<77824xi32, #tpu.memory_space<vmem>>[vector<16xi32>], vector<16xi32>,
        tpu.vector_store_idx %arg8[%add3A_328], %broadcast_in_dim3A_11 {add = true} : memref<77824xi32, #tpu.memory_space<vmem>>[vector<16xi32>], vector<16xi32>,
        tpu.vector_store_idx %arg8[%add3A_332], %broadcast_in_dim3A_11 {add = true} : memref<77824xi32, #tpu.memory_space<vmem>>[vector<16xi32>], vector<16xi32>,
        %get3A_333 = arith.index_cast %scan3A_261 : i32 to index
        %get3A_334 = arith.constant 128 : index
        %get3A_335 = tpu.vector_load %arg4[%get3A_333, %get3A_334] {strides = array<i32>} : memref<8x512xi32, #tpu.memory_space<vmem>>, vector<16xi32>,
        %get3A_336 = arith.index_cast %scan3A_261 : i32 to index
        %get3A_337 = arith.constant 144 : index
        %get3A_338 = tpu.vector_load %arg4[%get3A_336, %get3A_337] {strides = array<i32>} : memref<8x512xi32, #tpu.memory_space<vmem>>, vector<16xi32>,
        %get3A_339 = arith.index_cast %scan3A_261 : i32 to index
        %get3A_340 = arith.constant 160 : index
        %get3A_341 = tpu.vector_load %arg4[%get3A_339, %get3A_340] {strides = array<i32>} : memref<8x512xi32, #tpu.memory_space<vmem>>, vector<16xi32>,
        %get3A_342 = arith.index_cast %scan3A_261 : i32 to index
        %get3A_343 = arith.constant 176 : index
        %get3A_344 = tpu.vector_load %arg4[%get3A_342, %get3A_343] {strides = array<i32>} : memref<8x512xi32, #tpu.memory_space<vmem>>, vector<16xi32>,
        %get3A_345 = arith.index_cast %scan3A_261 : i32 to index
        %get3A_346 = arith.constant 192 : index
        %get3A_347 = tpu.vector_load %arg4[%get3A_345, %get3A_346] {strides = array<i32>} : memref<8x512xi32, #tpu.memory_space<vmem>>, vector<16xi32>,
        %get3A_348 = arith.index_cast %scan3A_261 : i32 to index
        %get3A_349 = arith.constant 208 : index
        %get3A_350 = tpu.vector_load %arg4[%get3A_348, %get3A_349] {strides = array<i32>} : memref<8x512xi32, #tpu.memory_space<vmem>>, vector<16xi32>,
        %get3A_351 = arith.index_cast %scan3A_261 : i32 to index
        %get3A_352 = arith.constant 224 : index
        %get3A_353 = tpu.vector_load %arg4[%get3A_351, %get3A_352] {strides = array<i32>} : memref<8x512xi32, #tpu.memory_space<vmem>>, vector<16xi32>,
        %get3A_354 = arith.index_cast %scan3A_261 : i32 to index
        %get3A_355 = arith.constant 240 : index
        %get3A_356 = tpu.vector_load %arg4[%get3A_354, %get3A_355] {strides = array<i32>} : memref<8x512xi32, #tpu.memory_space<vmem>>, vector<16xi32>,
        %and3A_357 = arith.andi %get3A_335, %broadcast_in_dim3A_13 : vector<16xi32>
        %add3A_358 = arith.addi %and3A_357, %broadcast_in_dim3A_78 : vector<16xi32>
        %shift_right_logical3A_359 = arith.constant 16 : i32
        %shift_right_logical3A_360 = vector.broadcast %shift_right_logical3A_359 : i32 to vector<16xi32>
        %shift_right_logical3A_361 = arith.shrui %get3A_335, %shift_right_logical3A_360 : vector<16xi32>
        %add3A_362 = arith.addi %shift_right_logical3A_361, %broadcast_in_dim3A_78 : vector<16xi32>
        %and3A_363 = arith.andi %get3A_338, %broadcast_in_dim3A_13 : vector<16xi32>
        %add3A_364 = arith.addi %and3A_363, %broadcast_in_dim3A_78 : vector<16xi32>
        %shift_right_logical3A_365 = arith.constant 16 : i32
        %shift_right_logical3A_366 = vector.broadcast %shift_right_logical3A_365 : i32 to vector<16xi32>
        %shift_right_logical3A_367 = arith.shrui %get3A_338, %shift_right_logical3A_366 : vector<16xi32>
        %add3A_368 = arith.addi %shift_right_logical3A_367, %broadcast_in_dim3A_78 : vector<16xi32>
        %and3A_369 = arith.andi %get3A_341, %broadcast_in_dim3A_13 : vector<16xi32>
        %add3A_370 = arith.addi %and3A_369, %broadcast_in_dim3A_78 : vector<16xi32>
        %shift_right_logical3A_371 = arith.constant 16 : i32
        %shift_right_logical3A_372 = vector.broadcast %shift_right_logical3A_371 : i32 to vector<16xi32>
        %shift_right_logical3A_373 = arith.shrui %get3A_341, %shift_right_logical3A_372 : vector<16xi32>
        %add3A_374 = arith.addi %shift_right_logical3A_373, %broadcast_in_dim3A_78 : vector<16xi32>
        %and3A_375 = arith.andi %get3A_344, %broadcast_in_dim3A_13 : vector<16xi32>
        %add3A_376 = arith.addi %and3A_375, %broadcast_in_dim3A_78 : vector<16xi32>
        %shift_right_logical3A_377 = arith.constant 16 : i32
        %shift_right_logical3A_378 = vector.broadcast %shift_right_logical3A_377 : i32 to vector<16xi32>
        %shift_right_logical3A_379 = arith.shrui %get3A_344, %shift_right_logical3A_378 : vector<16xi32>
        %add3A_380 = arith.addi %shift_right_logical3A_379, %broadcast_in_dim3A_78 : vector<16xi32>
        %and3A_381 = arith.andi %get3A_347, %broadcast_in_dim3A_13 : vector<16xi32>
        %add3A_382 = arith.addi %and3A_381, %broadcast_in_dim3A_78 : vector<16xi32>
        %shift_right_logical3A_383 = arith.constant 16 : i32
        %shift_right_logical3A_384 = vector.broadcast %shift_right_logical3A_383 : i32 to vector<16xi32>
        %shift_right_logical3A_385 = arith.shrui %get3A_347, %shift_right_logical3A_384 : vector<16xi32>
        %add3A_386 = arith.addi %shift_right_logical3A_385, %broadcast_in_dim3A_78 : vector<16xi32>
        %and3A_387 = arith.andi %get3A_350, %broadcast_in_dim3A_13 : vector<16xi32>
        %add3A_388 = arith.addi %and3A_387, %broadcast_in_dim3A_78 : vector<16xi32>
        %shift_right_logical3A_389 = arith.constant 16 : i32
        %shift_right_logical3A_390 = vector.broadcast %shift_right_logical3A_389 : i32 to vector<16xi32>
        %shift_right_logical3A_391 = arith.shrui %get3A_350, %shift_right_logical3A_390 : vector<16xi32>
        %add3A_392 = arith.addi %shift_right_logical3A_391, %broadcast_in_dim3A_78 : vector<16xi32>
        %and3A_393 = arith.andi %get3A_353, %broadcast_in_dim3A_13 : vector<16xi32>
        %add3A_394 = arith.addi %and3A_393, %broadcast_in_dim3A_78 : vector<16xi32>
        %shift_right_logical3A_395 = arith.constant 16 : i32
        %shift_right_logical3A_396 = vector.broadcast %shift_right_logical3A_395 : i32 to vector<16xi32>
        %shift_right_logical3A_397 = arith.shrui %get3A_353, %shift_right_logical3A_396 : vector<16xi32>
        %add3A_398 = arith.addi %shift_right_logical3A_397, %broadcast_in_dim3A_78 : vector<16xi32>
        %and3A_399 = arith.andi %get3A_356, %broadcast_in_dim3A_13 : vector<16xi32>
        %add3A_400 = arith.addi %and3A_399, %broadcast_in_dim3A_78 : vector<16xi32>
        %shift_right_logical3A_401 = arith.constant 16 : i32
        %shift_right_logical3A_402 = vector.broadcast %shift_right_logical3A_401 : i32 to vector<16xi32>
        %shift_right_logical3A_403 = arith.shrui %get3A_356, %shift_right_logical3A_402 : vector<16xi32>
        %add3A_404 = arith.addi %shift_right_logical3A_403, %broadcast_in_dim3A_78 : vector<16xi32>
        tpu.vector_store_idx %arg8[%add3A_358], %broadcast_in_dim3A_11 {add = true} : memref<77824xi32, #tpu.memory_space<vmem>>[vector<16xi32>], vector<16xi32>,
        tpu.vector_store_idx %arg8[%add3A_362], %broadcast_in_dim3A_11 {add = true} : memref<77824xi32, #tpu.memory_space<vmem>>[vector<16xi32>], vector<16xi32>,
        tpu.vector_store_idx %arg8[%add3A_364], %broadcast_in_dim3A_11 {add = true} : memref<77824xi32, #tpu.memory_space<vmem>>[vector<16xi32>], vector<16xi32>,
        tpu.vector_store_idx %arg8[%add3A_368], %broadcast_in_dim3A_11 {add = true} : memref<77824xi32, #tpu.memory_space<vmem>>[vector<16xi32>], vector<16xi32>,
        tpu.vector_store_idx %arg8[%add3A_370], %broadcast_in_dim3A_11 {add = true} : memref<77824xi32, #tpu.memory_space<vmem>>[vector<16xi32>], vector<16xi32>,
        tpu.vector_store_idx %arg8[%add3A_374], %broadcast_in_dim3A_11 {add = true} : memref<77824xi32, #tpu.memory_space<vmem>>[vector<16xi32>], vector<16xi32>,
        tpu.vector_store_idx %arg8[%add3A_376], %broadcast_in_dim3A_11 {add = true} : memref<77824xi32, #tpu.memory_space<vmem>>[vector<16xi32>], vector<16xi32>,
        tpu.vector_store_idx %arg8[%add3A_380], %broadcast_in_dim3A_11 {add = true} : memref<77824xi32, #tpu.memory_space<vmem>>[vector<16xi32>], vector<16xi32>,
        tpu.vector_store_idx %arg8[%add3A_382], %broadcast_in_dim3A_11 {add = true} : memref<77824xi32, #tpu.memory_space<vmem>>[vector<16xi32>], vector<16xi32>,
        tpu.vector_store_idx %arg8[%add3A_386], %broadcast_in_dim3A_11 {add = true} : memref<77824xi32, #tpu.memory_space<vmem>>[vector<16xi32>], vector<16xi32>,
        tpu.vector_store_idx %arg8[%add3A_388], %broadcast_in_dim3A_11 {add = true} : memref<77824xi32, #tpu.memory_space<vmem>>[vector<16xi32>], vector<16xi32>,
        tpu.vector_store_idx %arg8[%add3A_392], %broadcast_in_dim3A_11 {add = true} : memref<77824xi32, #tpu.memory_space<vmem>>[vector<16xi32>], vector<16xi32>,
        tpu.vector_store_idx %arg8[%add3A_394], %broadcast_in_dim3A_11 {add = true} : memref<77824xi32, #tpu.memory_space<vmem>>[vector<16xi32>], vector<16xi32>,
        tpu.vector_store_idx %arg8[%add3A_398], %broadcast_in_dim3A_11 {add = true} : memref<77824xi32, #tpu.memory_space<vmem>>[vector<16xi32>], vector<16xi32>,
        tpu.vector_store_idx %arg8[%add3A_400], %broadcast_in_dim3A_11 {add = true} : memref<77824xi32, #tpu.memory_space<vmem>>[vector<16xi32>], vector<16xi32>,
        tpu.vector_store_idx %arg8[%add3A_404], %broadcast_in_dim3A_11 {add = true} : memref<77824xi32, #tpu.memory_space<vmem>>[vector<16xi32>], vector<16xi32>,
        %get3A_405 = arith.index_cast %scan3A_261 : i32 to index
        %get3A_406 = arith.constant 256 : index
        %get3A_407 = tpu.vector_load %arg4[%get3A_405, %get3A_406] {strides = array<i32>} : memref<8x512xi32, #tpu.memory_space<vmem>>, vector<16xi32>,
        %get3A_408 = arith.index_cast %scan3A_261 : i32 to index
        %get3A_409 = arith.constant 272 : index
        %get3A_410 = tpu.vector_load %arg4[%get3A_408, %get3A_409] {strides = array<i32>} : memref<8x512xi32, #tpu.memory_space<vmem>>, vector<16xi32>,
        %get3A_411 = arith.index_cast %scan3A_261 : i32 to index
        %get3A_412 = arith.constant 288 : index
        %get3A_413 = tpu.vector_load %arg4[%get3A_411, %get3A_412] {strides = array<i32>} : memref<8x512xi32, #tpu.memory_space<vmem>>, vector<16xi32>,
        %get3A_414 = arith.index_cast %scan3A_261 : i32 to index
        %get3A_415 = arith.constant 304 : index
        %get3A_416 = tpu.vector_load %arg4[%get3A_414, %get3A_415] {strides = array<i32>} : memref<8x512xi32, #tpu.memory_space<vmem>>, vector<16xi32>,
        %get3A_417 = arith.index_cast %scan3A_261 : i32 to index
        %get3A_418 = arith.constant 320 : index
        %get3A_419 = tpu.vector_load %arg4[%get3A_417, %get3A_418] {strides = array<i32>} : memref<8x512xi32, #tpu.memory_space<vmem>>, vector<16xi32>,
        %get3A_420 = arith.index_cast %scan3A_261 : i32 to index
        %get3A_421 = arith.constant 336 : index
        %get3A_422 = tpu.vector_load %arg4[%get3A_420, %get3A_421] {strides = array<i32>} : memref<8x512xi32, #tpu.memory_space<vmem>>, vector<16xi32>,
        %get3A_423 = arith.index_cast %scan3A_261 : i32 to index
        %get3A_424 = arith.constant 352 : index
        %get3A_425 = tpu.vector_load %arg4[%get3A_423, %get3A_424] {strides = array<i32>} : memref<8x512xi32, #tpu.memory_space<vmem>>, vector<16xi32>,
        %get3A_426 = arith.index_cast %scan3A_261 : i32 to index
        %get3A_427 = arith.constant 368 : index
        %get3A_428 = tpu.vector_load %arg4[%get3A_426, %get3A_427] {strides = array<i32>} : memref<8x512xi32, #tpu.memory_space<vmem>>, vector<16xi32>,
        %and3A_429 = arith.andi %get3A_407, %broadcast_in_dim3A_13 : vector<16xi32>
        %add3A_430 = arith.addi %and3A_429, %broadcast_in_dim3A_78 : vector<16xi32>
        %shift_right_logical3A_431 = arith.constant 16 : i32
        %shift_right_logical3A_432 = vector.broadcast %shift_right_logical3A_431 : i32 to vector<16xi32>
        %shift_right_logical3A_433 = arith.shrui %get3A_407, %shift_right_logical3A_432 : vector<16xi32>
        %add3A_434 = arith.addi %shift_right_logical3A_433, %broadcast_in_dim3A_78 : vector<16xi32>
        %and3A_435 = arith.andi %get3A_410, %broadcast_in_dim3A_13 : vector<16xi32>
        %add3A_436 = arith.addi %and3A_435, %broadcast_in_dim3A_78 : vector<16xi32>
        %shift_right_logical3A_437 = arith.constant 16 : i32
        %shift_right_logical3A_438 = vector.broadcast %shift_right_logical3A_437 : i32 to vector<16xi32>
        %shift_right_logical3A_439 = arith.shrui %get3A_410, %shift_right_logical3A_438 : vector<16xi32>
        %add3A_440 = arith.addi %shift_right_logical3A_439, %broadcast_in_dim3A_78 : vector<16xi32>
        %and3A_441 = arith.andi %get3A_413, %broadcast_in_dim3A_13 : vector<16xi32>
        %add3A_442 = arith.addi %and3A_441, %broadcast_in_dim3A_78 : vector<16xi32>
        %shift_right_logical3A_443 = arith.constant 16 : i32
        %shift_right_logical3A_444 = vector.broadcast %shift_right_logical3A_443 : i32 to vector<16xi32>
        %shift_right_logical3A_445 = arith.shrui %get3A_413, %shift_right_logical3A_444 : vector<16xi32>
        %add3A_446 = arith.addi %shift_right_logical3A_445, %broadcast_in_dim3A_78 : vector<16xi32>
        %and3A_447 = arith.andi %get3A_416, %broadcast_in_dim3A_13 : vector<16xi32>
        %add3A_448 = arith.addi %and3A_447, %broadcast_in_dim3A_78 : vector<16xi32>
        %shift_right_logical3A_449 = arith.constant 16 : i32
        %shift_right_logical3A_450 = vector.broadcast %shift_right_logical3A_449 : i32 to vector<16xi32>
        %shift_right_logical3A_451 = arith.shrui %get3A_416, %shift_right_logical3A_450 : vector<16xi32>
        %add3A_452 = arith.addi %shift_right_logical3A_451, %broadcast_in_dim3A_78 : vector<16xi32>
        %and3A_453 = arith.andi %get3A_419, %broadcast_in_dim3A_13 : vector<16xi32>
        %add3A_454 = arith.addi %and3A_453, %broadcast_in_dim3A_78 : vector<16xi32>
        %shift_right_logical3A_455 = arith.constant 16 : i32
        %shift_right_logical3A_456 = vector.broadcast %shift_right_logical3A_455 : i32 to vector<16xi32>
        %shift_right_logical3A_457 = arith.shrui %get3A_419, %shift_right_logical3A_456 : vector<16xi32>
        %add3A_458 = arith.addi %shift_right_logical3A_457, %broadcast_in_dim3A_78 : vector<16xi32>
        %and3A_459 = arith.andi %get3A_422, %broadcast_in_dim3A_13 : vector<16xi32>
        %add3A_460 = arith.addi %and3A_459, %broadcast_in_dim3A_78 : vector<16xi32>
        %shift_right_logical3A_461 = arith.constant 16 : i32
        %shift_right_logical3A_462 = vector.broadcast %shift_right_logical3A_461 : i32 to vector<16xi32>
        %shift_right_logical3A_463 = arith.shrui %get3A_422, %shift_right_logical3A_462 : vector<16xi32>
        %add3A_464 = arith.addi %shift_right_logical3A_463, %broadcast_in_dim3A_78 : vector<16xi32>
        %and3A_465 = arith.andi %get3A_425, %broadcast_in_dim3A_13 : vector<16xi32>
        %add3A_466 = arith.addi %and3A_465, %broadcast_in_dim3A_78 : vector<16xi32>
        %shift_right_logical3A_467 = arith.constant 16 : i32
        %shift_right_logical3A_468 = vector.broadcast %shift_right_logical3A_467 : i32 to vector<16xi32>
        %shift_right_logical3A_469 = arith.shrui %get3A_425, %shift_right_logical3A_468 : vector<16xi32>
        %add3A_470 = arith.addi %shift_right_logical3A_469, %broadcast_in_dim3A_78 : vector<16xi32>
        %and3A_471 = arith.andi %get3A_428, %broadcast_in_dim3A_13 : vector<16xi32>
        %add3A_472 = arith.addi %and3A_471, %broadcast_in_dim3A_78 : vector<16xi32>
        %shift_right_logical3A_473 = arith.constant 16 : i32
        %shift_right_logical3A_474 = vector.broadcast %shift_right_logical3A_473 : i32 to vector<16xi32>
        %shift_right_logical3A_475 = arith.shrui %get3A_428, %shift_right_logical3A_474 : vector<16xi32>
        %add3A_476 = arith.addi %shift_right_logical3A_475, %broadcast_in_dim3A_78 : vector<16xi32>
        tpu.vector_store_idx %arg8[%add3A_430], %broadcast_in_dim3A_11 {add = true} : memref<77824xi32, #tpu.memory_space<vmem>>[vector<16xi32>], vector<16xi32>,
        tpu.vector_store_idx %arg8[%add3A_434], %broadcast_in_dim3A_11 {add = true} : memref<77824xi32, #tpu.memory_space<vmem>>[vector<16xi32>], vector<16xi32>,
        tpu.vector_store_idx %arg8[%add3A_436], %broadcast_in_dim3A_11 {add = true} : memref<77824xi32, #tpu.memory_space<vmem>>[vector<16xi32>], vector<16xi32>,
        tpu.vector_store_idx %arg8[%add3A_440], %broadcast_in_dim3A_11 {add = true} : memref<77824xi32, #tpu.memory_space<vmem>>[vector<16xi32>], vector<16xi32>,
        tpu.vector_store_idx %arg8[%add3A_442], %broadcast_in_dim3A_11 {add = true} : memref<77824xi32, #tpu.memory_space<vmem>>[vector<16xi32>], vector<16xi32>,
        tpu.vector_store_idx %arg8[%add3A_446], %broadcast_in_dim3A_11 {add = true} : memref<77824xi32, #tpu.memory_space<vmem>>[vector<16xi32>], vector<16xi32>,
        tpu.vector_store_idx %arg8[%add3A_448], %broadcast_in_dim3A_11 {add = true} : memref<77824xi32, #tpu.memory_space<vmem>>[vector<16xi32>], vector<16xi32>,
        tpu.vector_store_idx %arg8[%add3A_452], %broadcast_in_dim3A_11 {add = true} : memref<77824xi32, #tpu.memory_space<vmem>>[vector<16xi32>], vector<16xi32>,
        tpu.vector_store_idx %arg8[%add3A_454], %broadcast_in_dim3A_11 {add = true} : memref<77824xi32, #tpu.memory_space<vmem>>[vector<16xi32>], vector<16xi32>,
        tpu.vector_store_idx %arg8[%add3A_458], %broadcast_in_dim3A_11 {add = true} : memref<77824xi32, #tpu.memory_space<vmem>>[vector<16xi32>], vector<16xi32>,
        tpu.vector_store_idx %arg8[%add3A_460], %broadcast_in_dim3A_11 {add = true} : memref<77824xi32, #tpu.memory_space<vmem>>[vector<16xi32>], vector<16xi32>,
        tpu.vector_store_idx %arg8[%add3A_464], %broadcast_in_dim3A_11 {add = true} : memref<77824xi32, #tpu.memory_space<vmem>>[vector<16xi32>], vector<16xi32>,
        tpu.vector_store_idx %arg8[%add3A_466], %broadcast_in_dim3A_11 {add = true} : memref<77824xi32, #tpu.memory_space<vmem>>[vector<16xi32>], vector<16xi32>,
        tpu.vector_store_idx %arg8[%add3A_470], %broadcast_in_dim3A_11 {add = true} : memref<77824xi32, #tpu.memory_space<vmem>>[vector<16xi32>], vector<16xi32>,
        tpu.vector_store_idx %arg8[%add3A_472], %broadcast_in_dim3A_11 {add = true} : memref<77824xi32, #tpu.memory_space<vmem>>[vector<16xi32>], vector<16xi32>,
        tpu.vector_store_idx %arg8[%add3A_476], %broadcast_in_dim3A_11 {add = true} : memref<77824xi32, #tpu.memory_space<vmem>>[vector<16xi32>], vector<16xi32>,
        %get3A_477 = arith.index_cast %scan3A_261 : i32 to index
        %get3A_478 = arith.constant 384 : index
        %get3A_479 = tpu.vector_load %arg4[%get3A_477, %get3A_478] {strides = array<i32>} : memref<8x512xi32, #tpu.memory_space<vmem>>, vector<16xi32>,
        %get3A_480 = arith.index_cast %scan3A_261 : i32 to index
        %get3A_481 = arith.constant 400 : index
        %get3A_482 = tpu.vector_load %arg4[%get3A_480, %get3A_481] {strides = array<i32>} : memref<8x512xi32, #tpu.memory_space<vmem>>, vector<16xi32>,
        %get3A_483 = arith.index_cast %scan3A_261 : i32 to index
        %get3A_484 = arith.constant 416 : index
        %get3A_485 = tpu.vector_load %arg4[%get3A_483, %get3A_484] {strides = array<i32>} : memref<8x512xi32, #tpu.memory_space<vmem>>, vector<16xi32>,
        %get3A_486 = arith.index_cast %scan3A_261 : i32 to index
        %get3A_487 = arith.constant 432 : index
        %get3A_488 = tpu.vector_load %arg4[%get3A_486, %get3A_487] {strides = array<i32>} : memref<8x512xi32, #tpu.memory_space<vmem>>, vector<16xi32>,
        %get3A_489 = arith.index_cast %scan3A_261 : i32 to index
        %get3A_490 = arith.constant 448 : index
        %get3A_491 = tpu.vector_load %arg4[%get3A_489, %get3A_490] {strides = array<i32>} : memref<8x512xi32, #tpu.memory_space<vmem>>, vector<16xi32>,
        %get3A_492 = arith.index_cast %scan3A_261 : i32 to index
        %get3A_493 = arith.constant 464 : index
        %get3A_494 = tpu.vector_load %arg4[%get3A_492, %get3A_493] {strides = array<i32>} : memref<8x512xi32, #tpu.memory_space<vmem>>, vector<16xi32>,
        %get3A_495 = arith.index_cast %scan3A_261 : i32 to index
        %get3A_496 = arith.constant 480 : index
        %get3A_497 = tpu.vector_load %arg4[%get3A_495, %get3A_496] {strides = array<i32>} : memref<8x512xi32, #tpu.memory_space<vmem>>, vector<16xi32>,
        %get3A_498 = arith.index_cast %scan3A_261 : i32 to index
        %get3A_499 = arith.constant 496 : index
        %get3A_500 = tpu.vector_load %arg4[%get3A_498, %get3A_499] {strides = array<i32>} : memref<8x512xi32, #tpu.memory_space<vmem>>, vector<16xi32>,
        %and3A_501 = arith.andi %get3A_479, %broadcast_in_dim3A_13 : vector<16xi32>
        %add3A_502 = arith.addi %and3A_501, %broadcast_in_dim3A_78 : vector<16xi32>
        %shift_right_logical3A_503 = arith.constant 16 : i32
        %shift_right_logical3A_504 = vector.broadcast %shift_right_logical3A_503 : i32 to vector<16xi32>
        %shift_right_logical3A_505 = arith.shrui %get3A_479, %shift_right_logical3A_504 : vector<16xi32>
        %add3A_506 = arith.addi %shift_right_logical3A_505, %broadcast_in_dim3A_78 : vector<16xi32>
        %and3A_507 = arith.andi %get3A_482, %broadcast_in_dim3A_13 : vector<16xi32>
        %add3A_508 = arith.addi %and3A_507, %broadcast_in_dim3A_78 : vector<16xi32>
        %shift_right_logical3A_509 = arith.constant 16 : i32
        %shift_right_logical3A_510 = vector.broadcast %shift_right_logical3A_509 : i32 to vector<16xi32>
        %shift_right_logical3A_511 = arith.shrui %get3A_482, %shift_right_logical3A_510 : vector<16xi32>
        %add3A_512 = arith.addi %shift_right_logical3A_511, %broadcast_in_dim3A_78 : vector<16xi32>
        %and3A_513 = arith.andi %get3A_485, %broadcast_in_dim3A_13 : vector<16xi32>
        %add3A_514 = arith.addi %and3A_513, %broadcast_in_dim3A_78 : vector<16xi32>
        %shift_right_logical3A_515 = arith.constant 16 : i32
        %shift_right_logical3A_516 = vector.broadcast %shift_right_logical3A_515 : i32 to vector<16xi32>
        %shift_right_logical3A_517 = arith.shrui %get3A_485, %shift_right_logical3A_516 : vector<16xi32>
        %add3A_518 = arith.addi %shift_right_logical3A_517, %broadcast_in_dim3A_78 : vector<16xi32>
        %and3A_519 = arith.andi %get3A_488, %broadcast_in_dim3A_13 : vector<16xi32>
        %add3A_520 = arith.addi %and3A_519, %broadcast_in_dim3A_78 : vector<16xi32>
        %shift_right_logical3A_521 = arith.constant 16 : i32
        %shift_right_logical3A_522 = vector.broadcast %shift_right_logical3A_521 : i32 to vector<16xi32>
        %shift_right_logical3A_523 = arith.shrui %get3A_488, %shift_right_logical3A_522 : vector<16xi32>
        %add3A_524 = arith.addi %shift_right_logical3A_523, %broadcast_in_dim3A_78 : vector<16xi32>
        %and3A_525 = arith.andi %get3A_491, %broadcast_in_dim3A_13 : vector<16xi32>
        %add3A_526 = arith.addi %and3A_525, %broadcast_in_dim3A_78 : vector<16xi32>
        %shift_right_logical3A_527 = arith.constant 16 : i32
        %shift_right_logical3A_528 = vector.broadcast %shift_right_logical3A_527 : i32 to vector<16xi32>
        %shift_right_logical3A_529 = arith.shrui %get3A_491, %shift_right_logical3A_528 : vector<16xi32>
        %add3A_530 = arith.addi %shift_right_logical3A_529, %broadcast_in_dim3A_78 : vector<16xi32>
        %and3A_531 = arith.andi %get3A_494, %broadcast_in_dim3A_13 : vector<16xi32>
        %add3A_532 = arith.addi %and3A_531, %broadcast_in_dim3A_78 : vector<16xi32>
        %shift_right_logical3A_533 = arith.constant 16 : i32
        %shift_right_logical3A_534 = vector.broadcast %shift_right_logical3A_533 : i32 to vector<16xi32>
        %shift_right_logical3A_535 = arith.shrui %get3A_494, %shift_right_logical3A_534 : vector<16xi32>
        %add3A_536 = arith.addi %shift_right_logical3A_535, %broadcast_in_dim3A_78 : vector<16xi32>
        %and3A_537 = arith.andi %get3A_497, %broadcast_in_dim3A_13 : vector<16xi32>
        %add3A_538 = arith.addi %and3A_537, %broadcast_in_dim3A_78 : vector<16xi32>
        %shift_right_logical3A_539 = arith.constant 16 : i32
        %shift_right_logical3A_540 = vector.broadcast %shift_right_logical3A_539 : i32 to vector<16xi32>
        %shift_right_logical3A_541 = arith.shrui %get3A_497, %shift_right_logical3A_540 : vector<16xi32>
        %add3A_542 = arith.addi %shift_right_logical3A_541, %broadcast_in_dim3A_78 : vector<16xi32>
        %and3A_543 = arith.andi %get3A_500, %broadcast_in_dim3A_13 : vector<16xi32>
        %add3A_544 = arith.addi %and3A_543, %broadcast_in_dim3A_78 : vector<16xi32>
        %shift_right_logical3A_545 = arith.constant 16 : i32
        %shift_right_logical3A_546 = vector.broadcast %shift_right_logical3A_545 : i32 to vector<16xi32>
        %shift_right_logical3A_547 = arith.shrui %get3A_500, %shift_right_logical3A_546 : vector<16xi32>
        %add3A_548 = arith.addi %shift_right_logical3A_547, %broadcast_in_dim3A_78 : vector<16xi32>
        tpu.vector_store_idx %arg8[%add3A_502], %broadcast_in_dim3A_11 {add = true} : memref<77824xi32, #tpu.memory_space<vmem>>[vector<16xi32>], vector<16xi32>,
        tpu.vector_store_idx %arg8[%add3A_506], %broadcast_in_dim3A_11 {add = true} : memref<77824xi32, #tpu.memory_space<vmem>>[vector<16xi32>], vector<16xi32>,
        tpu.vector_store_idx %arg8[%add3A_508], %broadcast_in_dim3A_11 {add = true} : memref<77824xi32, #tpu.memory_space<vmem>>[vector<16xi32>], vector<16xi32>,
        tpu.vector_store_idx %arg8[%add3A_512], %broadcast_in_dim3A_11 {add = true} : memref<77824xi32, #tpu.memory_space<vmem>>[vector<16xi32>], vector<16xi32>,
        tpu.vector_store_idx %arg8[%add3A_514], %broadcast_in_dim3A_11 {add = true} : memref<77824xi32, #tpu.memory_space<vmem>>[vector<16xi32>], vector<16xi32>,
        tpu.vector_store_idx %arg8[%add3A_518], %broadcast_in_dim3A_11 {add = true} : memref<77824xi32, #tpu.memory_space<vmem>>[vector<16xi32>], vector<16xi32>,
        tpu.vector_store_idx %arg8[%add3A_520], %broadcast_in_dim3A_11 {add = true} : memref<77824xi32, #tpu.memory_space<vmem>>[vector<16xi32>], vector<16xi32>,
        tpu.vector_store_idx %arg8[%add3A_524], %broadcast_in_dim3A_11 {add = true} : memref<77824xi32, #tpu.memory_space<vmem>>[vector<16xi32>], vector<16xi32>,
        tpu.vector_store_idx %arg8[%add3A_526], %broadcast_in_dim3A_11 {add = true} : memref<77824xi32, #tpu.memory_space<vmem>>[vector<16xi32>], vector<16xi32>,
        tpu.vector_store_idx %arg8[%add3A_530], %broadcast_in_dim3A_11 {add = true} : memref<77824xi32, #tpu.memory_space<vmem>>[vector<16xi32>], vector<16xi32>,
        tpu.vector_store_idx %arg8[%add3A_532], %broadcast_in_dim3A_11 {add = true} : memref<77824xi32, #tpu.memory_space<vmem>>[vector<16xi32>], vector<16xi32>,
        tpu.vector_store_idx %arg8[%add3A_536], %broadcast_in_dim3A_11 {add = true} : memref<77824xi32, #tpu.memory_space<vmem>>[vector<16xi32>], vector<16xi32>,
        tpu.vector_store_idx %arg8[%add3A_538], %broadcast_in_dim3A_11 {add = true} : memref<77824xi32, #tpu.memory_space<vmem>>[vector<16xi32>], vector<16xi32>,
        tpu.vector_store_idx %arg8[%add3A_542], %broadcast_in_dim3A_11 {add = true} : memref<77824xi32, #tpu.memory_space<vmem>>[vector<16xi32>], vector<16xi32>,
        tpu.vector_store_idx %arg8[%add3A_544], %broadcast_in_dim3A_11 {add = true} : memref<77824xi32, #tpu.memory_space<vmem>>[vector<16xi32>], vector<16xi32>,
        tpu.vector_store_idx %arg8[%add3A_548], %broadcast_in_dim3A_11 {add = true} : memref<77824xi32, #tpu.memory_space<vmem>>[vector<16xi32>], vector<16xi32>,
        %scan3A_549 = arith.constant 0 : i32
        scf.yield %scan3A_549 : i32
      }
      %scan3A_85 = arith.constant 8 : i32
      %add3A_86 = arith.constant 0 : i32
      %add3A_87 = arith.addi %mul3A_47, %add3A_86 : i32
      %add3A_88 = arith.constant 4 : i32
      %add3A_89 = arith.addi %add3A_87, %add3A_88 : i32
      %lt3A = arith.constant 76 : i32
      %lt3A_90 = arith.cmpi slt, %add3A_89, %lt3A : i32
      %convert_element_type3A = arith.extui %lt3A_90 : i1 to i32
      %cond3A = arith.constant 0 : i32
      %cond3A_91 = arith.cmpi ne, %convert_element_type3A, %cond3A : i32
      scf.if %cond3A_91 {
        %add3A_261 = arith.constant 0 : i32
        %add3A_262 = arith.addi %mul3A_47, %add3A_261 : i32
        %add3A_263 = arith.constant 4 : i32
        %add3A_264 = arith.addi %add3A_262, %add3A_263 : i32
        %mul3A_265 = arith.constant 8 : i32
        %mul3A_266 = arith.muli %add3A_264, %mul3A_265 : i32
        %add3A_267 = arith.addi %mul3A_2, %mul3A_266 : i32
        %dma_start3A_268 = arith.constant 0 : i32
        %dma_start3A_269 = tpu.memref_slice %arg2[%add3A_267, %dma_start3A_268] : memref<19456x512xi32, #tpu.memory_space<hbm>> -> memref<8x512xi32, #tpu.memory_space<hbm>>
        %dma_start3A_270 = arith.constant 0 : i32
        %dma_start3A_271 = tpu.memref_slice %arg2[%add3A_267, %dma_start3A_270] : memref<19456x512xi32, #tpu.memory_space<hbm>> -> memref<8x512xi32, #tpu.memory_space<hbm>>
        tpu.enqueue_dma source(%dma_start3A_271 : memref<8x512xi32, #tpu.memory_space<hbm>>) target(%arg4 : memref<8x512xi32, #tpu.memory_space<vmem>>) target_semaphore(%arg9 : memref<!tpu.dma_semaphore, #tpu.memory_space<semaphore_mem>>)
      } else {
      }
      %dma_wait3A_92 = arith.constant 0 : i32
      %dma_wait3A_93 = arith.constant 0 : i32
      %dma_wait3A_94 = tpu.memref_slice %arg2[%dma_wait3A_92, %dma_wait3A_93] : memref<19456x512xi32, #tpu.memory_space<hbm>> -> memref<8x512xi32, #tpu.memory_space<hbm>>
      %dma_wait3A_95 = arith.constant 0 : i32
      %dma_wait3A_96 = arith.constant 0 : i32
      %dma_wait3A_97 = tpu.memref_slice %arg2[%dma_wait3A_95, %dma_wait3A_96] : memref<19456x512xi32, #tpu.memory_space<hbm>> -> memref<8x512xi32, #tpu.memory_space<hbm>>
      tpu.wait_dma2 semaphore(%arg10 : memref<!tpu.dma_semaphore, #tpu.memory_space<semaphore_mem>>) src(%dma_wait3A_97 : memref<8x512xi32, #tpu.memory_space<hbm>>) dst(%arg5 : memref<8x512xi32, #tpu.memory_space<vmem>>)
      %add3A_98 = arith.constant 1 : i32
      %add3A_99 = arith.addi %mul3A_47, %add3A_98 : i32
      %mul3A_100 = arith.constant 8 : i32
      %mul3A_101 = arith.muli %add3A_99, %mul3A_100 : i32
      %add3A_102 = arith.addi %mul3A_2, %mul3A_101 : i32
      %rem3A_103 = arith.constant 608 : i32
      %rem3A_104 = arith.remsi %add3A_102, %rem3A_103 : i32
      %jit3A_105 = arith.constant 32 : i32
      %div3A_106 = arith.divsi %rem3A_104, %jit3A_105 : i32
      %sign3A_107 = arith.constant 0 : i32
      %sign3A_108 = arith.cmpi sgt, %rem3A_104, %sign3A_107 : i32
      %sign3A_109 = arith.extui %sign3A_108 : i1 to i32
      %sign3A_110 = arith.constant 0 : i32
      %sign3A_111 = arith.cmpi slt, %rem3A_104, %sign3A_110 : i32
      %sign3A_112 = arith.extui %sign3A_111 : i1 to i32
      %sign3A_113 = arith.subi %sign3A_109, %sign3A_112 : i32
      %sign3A_114 = arith.constant 0 : i32
      %sign3A_115 = arith.cmpi sgt, %jit3A_105, %sign3A_114 : i32
      %sign3A_116 = arith.extui %sign3A_115 : i1 to i32
      %sign3A_117 = arith.constant 0 : i32
      %sign3A_118 = arith.cmpi slt, %jit3A_105, %sign3A_117 : i32
      %sign3A_119 = arith.extui %sign3A_118 : i1 to i32
      %sign3A_120 = arith.subi %sign3A_116, %sign3A_119 : i32
      %ne3A_121 = arith.cmpi ne, %sign3A_113, %sign3A_120 : i32
      %rem3A_122 = arith.remsi %rem3A_104, %jit3A_105 : i32
      %ne3A_123 = arith.constant 0 : i32
      %ne3A_124 = arith.cmpi ne, %rem3A_122, %ne3A_123 : i32
      %and3A_125 = arith.andi %ne3A_121, %ne3A_124 : i1
      %sub3A_126 = arith.constant 1 : i32
      %sub3A_127 = arith.subi %div3A_106, %sub3A_126 : i32
      %select_n3A_128 = arith.select %and3A_125, %sub3A_127, %div3A_106 : i32
      %mul3A_129 = arith.constant 4096 : i32
      %mul3A_130 = arith.muli %select_n3A_128, %mul3A_129 : i32
      %broadcast_in_dim3A_131 = vector.broadcast %mul3A_130 : i32 to vector<16xi32>
      %scan3A_132 = arith.constant 0 : i32
      %scan3A_133 = arith.constant 0 : i32
      %scan3A_134 = arith.constant 8 : i32
      %scan3A_135 = arith.addi %scan3A_133, %scan3A_134 : i32
      %scan3A_136 = arith.constant 1 : i32
      %scan3A_137 = scf.for %scan3A_261 = %scan3A_133 to %scan3A_135 step %scan3A_136 iter_args(%scan3A_262 = %scan3A_132) -> (i32)  : i32 {
        %get3A = arith.index_cast %scan3A_261 : i32 to index
        %get3A_263 = arith.constant 0 : index
        %get3A_264 = tpu.vector_load %arg5[%get3A, %get3A_263] {strides = array<i32>} : memref<8x512xi32, #tpu.memory_space<vmem>>, vector<16xi32>,
        %get3A_265 = arith.index_cast %scan3A_261 : i32 to index
        %get3A_266 = arith.constant 16 : index
        %get3A_267 = tpu.vector_load %arg5[%get3A_265, %get3A_266] {strides = array<i32>} : memref<8x512xi32, #tpu.memory_space<vmem>>, vector<16xi32>,
        %get3A_268 = arith.index_cast %scan3A_261 : i32 to index
        %get3A_269 = arith.constant 32 : index
        %get3A_270 = tpu.vector_load %arg5[%get3A_268, %get3A_269] {strides = array<i32>} : memref<8x512xi32, #tpu.memory_space<vmem>>, vector<16xi32>,
        %get3A_271 = arith.index_cast %scan3A_261 : i32 to index
        %get3A_272 = arith.constant 48 : index
        %get3A_273 = tpu.vector_load %arg5[%get3A_271, %get3A_272] {strides = array<i32>} : memref<8x512xi32, #tpu.memory_space<vmem>>, vector<16xi32>,
        %get3A_274 = arith.index_cast %scan3A_261 : i32 to index
        %get3A_275 = arith.constant 64 : index
        %get3A_276 = tpu.vector_load %arg5[%get3A_274, %get3A_275] {strides = array<i32>} : memref<8x512xi32, #tpu.memory_space<vmem>>, vector<16xi32>,
        %get3A_277 = arith.index_cast %scan3A_261 : i32 to index
        %get3A_278 = arith.constant 80 : index
        %get3A_279 = tpu.vector_load %arg5[%get3A_277, %get3A_278] {strides = array<i32>} : memref<8x512xi32, #tpu.memory_space<vmem>>, vector<16xi32>,
        %get3A_280 = arith.index_cast %scan3A_261 : i32 to index
        %get3A_281 = arith.constant 96 : index
        %get3A_282 = tpu.vector_load %arg5[%get3A_280, %get3A_281] {strides = array<i32>} : memref<8x512xi32, #tpu.memory_space<vmem>>, vector<16xi32>,
        %get3A_283 = arith.index_cast %scan3A_261 : i32 to index
        %get3A_284 = arith.constant 112 : index
        %get3A_285 = tpu.vector_load %arg5[%get3A_283, %get3A_284] {strides = array<i32>} : memref<8x512xi32, #tpu.memory_space<vmem>>, vector<16xi32>,
        %and3A_286 = arith.andi %get3A_264, %broadcast_in_dim3A_13 : vector<16xi32>
        %add3A_287 = arith.addi %and3A_286, %broadcast_in_dim3A_131 : vector<16xi32>
        %shift_right_logical3A = arith.constant 16 : i32
        %shift_right_logical3A_288 = vector.broadcast %shift_right_logical3A : i32 to vector<16xi32>
        %shift_right_logical3A_289 = arith.shrui %get3A_264, %shift_right_logical3A_288 : vector<16xi32>
        %add3A_290 = arith.addi %shift_right_logical3A_289, %broadcast_in_dim3A_131 : vector<16xi32>
        %and3A_291 = arith.andi %get3A_267, %broadcast_in_dim3A_13 : vector<16xi32>
        %add3A_292 = arith.addi %and3A_291, %broadcast_in_dim3A_131 : vector<16xi32>
        %shift_right_logical3A_293 = arith.constant 16 : i32
        %shift_right_logical3A_294 = vector.broadcast %shift_right_logical3A_293 : i32 to vector<16xi32>
        %shift_right_logical3A_295 = arith.shrui %get3A_267, %shift_right_logical3A_294 : vector<16xi32>
        %add3A_296 = arith.addi %shift_right_logical3A_295, %broadcast_in_dim3A_131 : vector<16xi32>
        %and3A_297 = arith.andi %get3A_270, %broadcast_in_dim3A_13 : vector<16xi32>
        %add3A_298 = arith.addi %and3A_297, %broadcast_in_dim3A_131 : vector<16xi32>
        %shift_right_logical3A_299 = arith.constant 16 : i32
        %shift_right_logical3A_300 = vector.broadcast %shift_right_logical3A_299 : i32 to vector<16xi32>
        %shift_right_logical3A_301 = arith.shrui %get3A_270, %shift_right_logical3A_300 : vector<16xi32>
        %add3A_302 = arith.addi %shift_right_logical3A_301, %broadcast_in_dim3A_131 : vector<16xi32>
        %and3A_303 = arith.andi %get3A_273, %broadcast_in_dim3A_13 : vector<16xi32>
        %add3A_304 = arith.addi %and3A_303, %broadcast_in_dim3A_131 : vector<16xi32>
        %shift_right_logical3A_305 = arith.constant 16 : i32
        %shift_right_logical3A_306 = vector.broadcast %shift_right_logical3A_305 : i32 to vector<16xi32>
        %shift_right_logical3A_307 = arith.shrui %get3A_273, %shift_right_logical3A_306 : vector<16xi32>
        %add3A_308 = arith.addi %shift_right_logical3A_307, %broadcast_in_dim3A_131 : vector<16xi32>
        %and3A_309 = arith.andi %get3A_276, %broadcast_in_dim3A_13 : vector<16xi32>
        %add3A_310 = arith.addi %and3A_309, %broadcast_in_dim3A_131 : vector<16xi32>
        %shift_right_logical3A_311 = arith.constant 16 : i32
        %shift_right_logical3A_312 = vector.broadcast %shift_right_logical3A_311 : i32 to vector<16xi32>
        %shift_right_logical3A_313 = arith.shrui %get3A_276, %shift_right_logical3A_312 : vector<16xi32>
        %add3A_314 = arith.addi %shift_right_logical3A_313, %broadcast_in_dim3A_131 : vector<16xi32>
        %and3A_315 = arith.andi %get3A_279, %broadcast_in_dim3A_13 : vector<16xi32>
        %add3A_316 = arith.addi %and3A_315, %broadcast_in_dim3A_131 : vector<16xi32>
        %shift_right_logical3A_317 = arith.constant 16 : i32
        %shift_right_logical3A_318 = vector.broadcast %shift_right_logical3A_317 : i32 to vector<16xi32>
        %shift_right_logical3A_319 = arith.shrui %get3A_279, %shift_right_logical3A_318 : vector<16xi32>
        %add3A_320 = arith.addi %shift_right_logical3A_319, %broadcast_in_dim3A_131 : vector<16xi32>
        %and3A_321 = arith.andi %get3A_282, %broadcast_in_dim3A_13 : vector<16xi32>
        %add3A_322 = arith.addi %and3A_321, %broadcast_in_dim3A_131 : vector<16xi32>
        %shift_right_logical3A_323 = arith.constant 16 : i32
        %shift_right_logical3A_324 = vector.broadcast %shift_right_logical3A_323 : i32 to vector<16xi32>
        %shift_right_logical3A_325 = arith.shrui %get3A_282, %shift_right_logical3A_324 : vector<16xi32>
        %add3A_326 = arith.addi %shift_right_logical3A_325, %broadcast_in_dim3A_131 : vector<16xi32>
        %and3A_327 = arith.andi %get3A_285, %broadcast_in_dim3A_13 : vector<16xi32>
        %add3A_328 = arith.addi %and3A_327, %broadcast_in_dim3A_131 : vector<16xi32>
        %shift_right_logical3A_329 = arith.constant 16 : i32
        %shift_right_logical3A_330 = vector.broadcast %shift_right_logical3A_329 : i32 to vector<16xi32>
        %shift_right_logical3A_331 = arith.shrui %get3A_285, %shift_right_logical3A_330 : vector<16xi32>
        %add3A_332 = arith.addi %shift_right_logical3A_331, %broadcast_in_dim3A_131 : vector<16xi32>
        tpu.vector_store_idx %arg8[%add3A_287], %broadcast_in_dim3A_11 {add = true} : memref<77824xi32, #tpu.memory_space<vmem>>[vector<16xi32>], vector<16xi32>,
        tpu.vector_store_idx %arg8[%add3A_290], %broadcast_in_dim3A_11 {add = true} : memref<77824xi32, #tpu.memory_space<vmem>>[vector<16xi32>], vector<16xi32>,
        tpu.vector_store_idx %arg8[%add3A_292], %broadcast_in_dim3A_11 {add = true} : memref<77824xi32, #tpu.memory_space<vmem>>[vector<16xi32>], vector<16xi32>,
        tpu.vector_store_idx %arg8[%add3A_296], %broadcast_in_dim3A_11 {add = true} : memref<77824xi32, #tpu.memory_space<vmem>>[vector<16xi32>], vector<16xi32>,
        tpu.vector_store_idx %arg8[%add3A_298], %broadcast_in_dim3A_11 {add = true} : memref<77824xi32, #tpu.memory_space<vmem>>[vector<16xi32>], vector<16xi32>,
        tpu.vector_store_idx %arg8[%add3A_302], %broadcast_in_dim3A_11 {add = true} : memref<77824xi32, #tpu.memory_space<vmem>>[vector<16xi32>], vector<16xi32>,
        tpu.vector_store_idx %arg8[%add3A_304], %broadcast_in_dim3A_11 {add = true} : memref<77824xi32, #tpu.memory_space<vmem>>[vector<16xi32>], vector<16xi32>,
        tpu.vector_store_idx %arg8[%add3A_308], %broadcast_in_dim3A_11 {add = true} : memref<77824xi32, #tpu.memory_space<vmem>>[vector<16xi32>], vector<16xi32>,
        tpu.vector_store_idx %arg8[%add3A_310], %broadcast_in_dim3A_11 {add = true} : memref<77824xi32, #tpu.memory_space<vmem>>[vector<16xi32>], vector<16xi32>,
        tpu.vector_store_idx %arg8[%add3A_314], %broadcast_in_dim3A_11 {add = true} : memref<77824xi32, #tpu.memory_space<vmem>>[vector<16xi32>], vector<16xi32>,
        tpu.vector_store_idx %arg8[%add3A_316], %broadcast_in_dim3A_11 {add = true} : memref<77824xi32, #tpu.memory_space<vmem>>[vector<16xi32>], vector<16xi32>,
        tpu.vector_store_idx %arg8[%add3A_320], %broadcast_in_dim3A_11 {add = true} : memref<77824xi32, #tpu.memory_space<vmem>>[vector<16xi32>], vector<16xi32>,
        tpu.vector_store_idx %arg8[%add3A_322], %broadcast_in_dim3A_11 {add = true} : memref<77824xi32, #tpu.memory_space<vmem>>[vector<16xi32>], vector<16xi32>,
        tpu.vector_store_idx %arg8[%add3A_326], %broadcast_in_dim3A_11 {add = true} : memref<77824xi32, #tpu.memory_space<vmem>>[vector<16xi32>], vector<16xi32>,
        tpu.vector_store_idx %arg8[%add3A_328], %broadcast_in_dim3A_11 {add = true} : memref<77824xi32, #tpu.memory_space<vmem>>[vector<16xi32>], vector<16xi32>,
        tpu.vector_store_idx %arg8[%add3A_332], %broadcast_in_dim3A_11 {add = true} : memref<77824xi32, #tpu.memory_space<vmem>>[vector<16xi32>], vector<16xi32>,
        %get3A_333 = arith.index_cast %scan3A_261 : i32 to index
        %get3A_334 = arith.constant 128 : index
        %get3A_335 = tpu.vector_load %arg5[%get3A_333, %get3A_334] {strides = array<i32>} : memref<8x512xi32, #tpu.memory_space<vmem>>, vector<16xi32>,
        %get3A_336 = arith.index_cast %scan3A_261 : i32 to index
        %get3A_337 = arith.constant 144 : index
        %get3A_338 = tpu.vector_load %arg5[%get3A_336, %get3A_337] {strides = array<i32>} : memref<8x512xi32, #tpu.memory_space<vmem>>, vector<16xi32>,
        %get3A_339 = arith.index_cast %scan3A_261 : i32 to index
        %get3A_340 = arith.constant 160 : index
        %get3A_341 = tpu.vector_load %arg5[%get3A_339, %get3A_340] {strides = array<i32>} : memref<8x512xi32, #tpu.memory_space<vmem>>, vector<16xi32>,
        %get3A_342 = arith.index_cast %scan3A_261 : i32 to index
        %get3A_343 = arith.constant 176 : index
        %get3A_344 = tpu.vector_load %arg5[%get3A_342, %get3A_343] {strides = array<i32>} : memref<8x512xi32, #tpu.memory_space<vmem>>, vector<16xi32>,
        %get3A_345 = arith.index_cast %scan3A_261 : i32 to index
        %get3A_346 = arith.constant 192 : index
        %get3A_347 = tpu.vector_load %arg5[%get3A_345, %get3A_346] {strides = array<i32>} : memref<8x512xi32, #tpu.memory_space<vmem>>, vector<16xi32>,
        %get3A_348 = arith.index_cast %scan3A_261 : i32 to index
        %get3A_349 = arith.constant 208 : index
        %get3A_350 = tpu.vector_load %arg5[%get3A_348, %get3A_349] {strides = array<i32>} : memref<8x512xi32, #tpu.memory_space<vmem>>, vector<16xi32>,
        %get3A_351 = arith.index_cast %scan3A_261 : i32 to index
        %get3A_352 = arith.constant 224 : index
        %get3A_353 = tpu.vector_load %arg5[%get3A_351, %get3A_352] {strides = array<i32>} : memref<8x512xi32, #tpu.memory_space<vmem>>, vector<16xi32>,
        %get3A_354 = arith.index_cast %scan3A_261 : i32 to index
        %get3A_355 = arith.constant 240 : index
        %get3A_356 = tpu.vector_load %arg5[%get3A_354, %get3A_355] {strides = array<i32>} : memref<8x512xi32, #tpu.memory_space<vmem>>, vector<16xi32>,
        %and3A_357 = arith.andi %get3A_335, %broadcast_in_dim3A_13 : vector<16xi32>
        %add3A_358 = arith.addi %and3A_357, %broadcast_in_dim3A_131 : vector<16xi32>
        %shift_right_logical3A_359 = arith.constant 16 : i32
        %shift_right_logical3A_360 = vector.broadcast %shift_right_logical3A_359 : i32 to vector<16xi32>
        %shift_right_logical3A_361 = arith.shrui %get3A_335, %shift_right_logical3A_360 : vector<16xi32>
        %add3A_362 = arith.addi %shift_right_logical3A_361, %broadcast_in_dim3A_131 : vector<16xi32>
        %and3A_363 = arith.andi %get3A_338, %broadcast_in_dim3A_13 : vector<16xi32>
        %add3A_364 = arith.addi %and3A_363, %broadcast_in_dim3A_131 : vector<16xi32>
        %shift_right_logical3A_365 = arith.constant 16 : i32
        %shift_right_logical3A_366 = vector.broadcast %shift_right_logical3A_365 : i32 to vector<16xi32>
        %shift_right_logical3A_367 = arith.shrui %get3A_338, %shift_right_logical3A_366 : vector<16xi32>
        %add3A_368 = arith.addi %shift_right_logical3A_367, %broadcast_in_dim3A_131 : vector<16xi32>
        %and3A_369 = arith.andi %get3A_341, %broadcast_in_dim3A_13 : vector<16xi32>
        %add3A_370 = arith.addi %and3A_369, %broadcast_in_dim3A_131 : vector<16xi32>
        %shift_right_logical3A_371 = arith.constant 16 : i32
        %shift_right_logical3A_372 = vector.broadcast %shift_right_logical3A_371 : i32 to vector<16xi32>
        %shift_right_logical3A_373 = arith.shrui %get3A_341, %shift_right_logical3A_372 : vector<16xi32>
        %add3A_374 = arith.addi %shift_right_logical3A_373, %broadcast_in_dim3A_131 : vector<16xi32>
        %and3A_375 = arith.andi %get3A_344, %broadcast_in_dim3A_13 : vector<16xi32>
        %add3A_376 = arith.addi %and3A_375, %broadcast_in_dim3A_131 : vector<16xi32>
        %shift_right_logical3A_377 = arith.constant 16 : i32
        %shift_right_logical3A_378 = vector.broadcast %shift_right_logical3A_377 : i32 to vector<16xi32>
        %shift_right_logical3A_379 = arith.shrui %get3A_344, %shift_right_logical3A_378 : vector<16xi32>
        %add3A_380 = arith.addi %shift_right_logical3A_379, %broadcast_in_dim3A_131 : vector<16xi32>
        %and3A_381 = arith.andi %get3A_347, %broadcast_in_dim3A_13 : vector<16xi32>
        %add3A_382 = arith.addi %and3A_381, %broadcast_in_dim3A_131 : vector<16xi32>
        %shift_right_logical3A_383 = arith.constant 16 : i32
        %shift_right_logical3A_384 = vector.broadcast %shift_right_logical3A_383 : i32 to vector<16xi32>
        %shift_right_logical3A_385 = arith.shrui %get3A_347, %shift_right_logical3A_384 : vector<16xi32>
        %add3A_386 = arith.addi %shift_right_logical3A_385, %broadcast_in_dim3A_131 : vector<16xi32>
        %and3A_387 = arith.andi %get3A_350, %broadcast_in_dim3A_13 : vector<16xi32>
        %add3A_388 = arith.addi %and3A_387, %broadcast_in_dim3A_131 : vector<16xi32>
        %shift_right_logical3A_389 = arith.constant 16 : i32
        %shift_right_logical3A_390 = vector.broadcast %shift_right_logical3A_389 : i32 to vector<16xi32>
        %shift_right_logical3A_391 = arith.shrui %get3A_350, %shift_right_logical3A_390 : vector<16xi32>
        %add3A_392 = arith.addi %shift_right_logical3A_391, %broadcast_in_dim3A_131 : vector<16xi32>
        %and3A_393 = arith.andi %get3A_353, %broadcast_in_dim3A_13 : vector<16xi32>
        %add3A_394 = arith.addi %and3A_393, %broadcast_in_dim3A_131 : vector<16xi32>
        %shift_right_logical3A_395 = arith.constant 16 : i32
        %shift_right_logical3A_396 = vector.broadcast %shift_right_logical3A_395 : i32 to vector<16xi32>
        %shift_right_logical3A_397 = arith.shrui %get3A_353, %shift_right_logical3A_396 : vector<16xi32>
        %add3A_398 = arith.addi %shift_right_logical3A_397, %broadcast_in_dim3A_131 : vector<16xi32>
        %and3A_399 = arith.andi %get3A_356, %broadcast_in_dim3A_13 : vector<16xi32>
        %add3A_400 = arith.addi %and3A_399, %broadcast_in_dim3A_131 : vector<16xi32>
        %shift_right_logical3A_401 = arith.constant 16 : i32
        %shift_right_logical3A_402 = vector.broadcast %shift_right_logical3A_401 : i32 to vector<16xi32>
        %shift_right_logical3A_403 = arith.shrui %get3A_356, %shift_right_logical3A_402 : vector<16xi32>
        %add3A_404 = arith.addi %shift_right_logical3A_403, %broadcast_in_dim3A_131 : vector<16xi32>
        tpu.vector_store_idx %arg8[%add3A_358], %broadcast_in_dim3A_11 {add = true} : memref<77824xi32, #tpu.memory_space<vmem>>[vector<16xi32>], vector<16xi32>,
        tpu.vector_store_idx %arg8[%add3A_362], %broadcast_in_dim3A_11 {add = true} : memref<77824xi32, #tpu.memory_space<vmem>>[vector<16xi32>], vector<16xi32>,
        tpu.vector_store_idx %arg8[%add3A_364], %broadcast_in_dim3A_11 {add = true} : memref<77824xi32, #tpu.memory_space<vmem>>[vector<16xi32>], vector<16xi32>,
        tpu.vector_store_idx %arg8[%add3A_368], %broadcast_in_dim3A_11 {add = true} : memref<77824xi32, #tpu.memory_space<vmem>>[vector<16xi32>], vector<16xi32>,
        tpu.vector_store_idx %arg8[%add3A_370], %broadcast_in_dim3A_11 {add = true} : memref<77824xi32, #tpu.memory_space<vmem>>[vector<16xi32>], vector<16xi32>,
        tpu.vector_store_idx %arg8[%add3A_374], %broadcast_in_dim3A_11 {add = true} : memref<77824xi32, #tpu.memory_space<vmem>>[vector<16xi32>], vector<16xi32>,
        tpu.vector_store_idx %arg8[%add3A_376], %broadcast_in_dim3A_11 {add = true} : memref<77824xi32, #tpu.memory_space<vmem>>[vector<16xi32>], vector<16xi32>,
        tpu.vector_store_idx %arg8[%add3A_380], %broadcast_in_dim3A_11 {add = true} : memref<77824xi32, #tpu.memory_space<vmem>>[vector<16xi32>], vector<16xi32>,
        tpu.vector_store_idx %arg8[%add3A_382], %broadcast_in_dim3A_11 {add = true} : memref<77824xi32, #tpu.memory_space<vmem>>[vector<16xi32>], vector<16xi32>,
        tpu.vector_store_idx %arg8[%add3A_386], %broadcast_in_dim3A_11 {add = true} : memref<77824xi32, #tpu.memory_space<vmem>>[vector<16xi32>], vector<16xi32>,
        tpu.vector_store_idx %arg8[%add3A_388], %broadcast_in_dim3A_11 {add = true} : memref<77824xi32, #tpu.memory_space<vmem>>[vector<16xi32>], vector<16xi32>,
        tpu.vector_store_idx %arg8[%add3A_392], %broadcast_in_dim3A_11 {add = true} : memref<77824xi32, #tpu.memory_space<vmem>>[vector<16xi32>], vector<16xi32>,
        tpu.vector_store_idx %arg8[%add3A_394], %broadcast_in_dim3A_11 {add = true} : memref<77824xi32, #tpu.memory_space<vmem>>[vector<16xi32>], vector<16xi32>,
        tpu.vector_store_idx %arg8[%add3A_398], %broadcast_in_dim3A_11 {add = true} : memref<77824xi32, #tpu.memory_space<vmem>>[vector<16xi32>], vector<16xi32>,
        tpu.vector_store_idx %arg8[%add3A_400], %broadcast_in_dim3A_11 {add = true} : memref<77824xi32, #tpu.memory_space<vmem>>[vector<16xi32>], vector<16xi32>,
        tpu.vector_store_idx %arg8[%add3A_404], %broadcast_in_dim3A_11 {add = true} : memref<77824xi32, #tpu.memory_space<vmem>>[vector<16xi32>], vector<16xi32>,
        %get3A_405 = arith.index_cast %scan3A_261 : i32 to index
        %get3A_406 = arith.constant 256 : index
        %get3A_407 = tpu.vector_load %arg5[%get3A_405, %get3A_406] {strides = array<i32>} : memref<8x512xi32, #tpu.memory_space<vmem>>, vector<16xi32>,
        %get3A_408 = arith.index_cast %scan3A_261 : i32 to index
        %get3A_409 = arith.constant 272 : index
        %get3A_410 = tpu.vector_load %arg5[%get3A_408, %get3A_409] {strides = array<i32>} : memref<8x512xi32, #tpu.memory_space<vmem>>, vector<16xi32>,
        %get3A_411 = arith.index_cast %scan3A_261 : i32 to index
        %get3A_412 = arith.constant 288 : index
        %get3A_413 = tpu.vector_load %arg5[%get3A_411, %get3A_412] {strides = array<i32>} : memref<8x512xi32, #tpu.memory_space<vmem>>, vector<16xi32>,
        %get3A_414 = arith.index_cast %scan3A_261 : i32 to index
        %get3A_415 = arith.constant 304 : index
        %get3A_416 = tpu.vector_load %arg5[%get3A_414, %get3A_415] {strides = array<i32>} : memref<8x512xi32, #tpu.memory_space<vmem>>, vector<16xi32>,
        %get3A_417 = arith.index_cast %scan3A_261 : i32 to index
        %get3A_418 = arith.constant 320 : index
        %get3A_419 = tpu.vector_load %arg5[%get3A_417, %get3A_418] {strides = array<i32>} : memref<8x512xi32, #tpu.memory_space<vmem>>, vector<16xi32>,
        %get3A_420 = arith.index_cast %scan3A_261 : i32 to index
        %get3A_421 = arith.constant 336 : index
        %get3A_422 = tpu.vector_load %arg5[%get3A_420, %get3A_421] {strides = array<i32>} : memref<8x512xi32, #tpu.memory_space<vmem>>, vector<16xi32>,
        %get3A_423 = arith.index_cast %scan3A_261 : i32 to index
        %get3A_424 = arith.constant 352 : index
        %get3A_425 = tpu.vector_load %arg5[%get3A_423, %get3A_424] {strides = array<i32>} : memref<8x512xi32, #tpu.memory_space<vmem>>, vector<16xi32>,
        %get3A_426 = arith.index_cast %scan3A_261 : i32 to index
        %get3A_427 = arith.constant 368 : index
        %get3A_428 = tpu.vector_load %arg5[%get3A_426, %get3A_427] {strides = array<i32>} : memref<8x512xi32, #tpu.memory_space<vmem>>, vector<16xi32>,
        %and3A_429 = arith.andi %get3A_407, %broadcast_in_dim3A_13 : vector<16xi32>
        %add3A_430 = arith.addi %and3A_429, %broadcast_in_dim3A_131 : vector<16xi32>
        %shift_right_logical3A_431 = arith.constant 16 : i32
        %shift_right_logical3A_432 = vector.broadcast %shift_right_logical3A_431 : i32 to vector<16xi32>
        %shift_right_logical3A_433 = arith.shrui %get3A_407, %shift_right_logical3A_432 : vector<16xi32>
        %add3A_434 = arith.addi %shift_right_logical3A_433, %broadcast_in_dim3A_131 : vector<16xi32>
        %and3A_435 = arith.andi %get3A_410, %broadcast_in_dim3A_13 : vector<16xi32>
        %add3A_436 = arith.addi %and3A_435, %broadcast_in_dim3A_131 : vector<16xi32>
        %shift_right_logical3A_437 = arith.constant 16 : i32
        %shift_right_logical3A_438 = vector.broadcast %shift_right_logical3A_437 : i32 to vector<16xi32>
        %shift_right_logical3A_439 = arith.shrui %get3A_410, %shift_right_logical3A_438 : vector<16xi32>
        %add3A_440 = arith.addi %shift_right_logical3A_439, %broadcast_in_dim3A_131 : vector<16xi32>
        %and3A_441 = arith.andi %get3A_413, %broadcast_in_dim3A_13 : vector<16xi32>
        %add3A_442 = arith.addi %and3A_441, %broadcast_in_dim3A_131 : vector<16xi32>
        %shift_right_logical3A_443 = arith.constant 16 : i32
        %shift_right_logical3A_444 = vector.broadcast %shift_right_logical3A_443 : i32 to vector<16xi32>
        %shift_right_logical3A_445 = arith.shrui %get3A_413, %shift_right_logical3A_444 : vector<16xi32>
        %add3A_446 = arith.addi %shift_right_logical3A_445, %broadcast_in_dim3A_131 : vector<16xi32>
        %and3A_447 = arith.andi %get3A_416, %broadcast_in_dim3A_13 : vector<16xi32>
        %add3A_448 = arith.addi %and3A_447, %broadcast_in_dim3A_131 : vector<16xi32>
        %shift_right_logical3A_449 = arith.constant 16 : i32
        %shift_right_logical3A_450 = vector.broadcast %shift_right_logical3A_449 : i32 to vector<16xi32>
        %shift_right_logical3A_451 = arith.shrui %get3A_416, %shift_right_logical3A_450 : vector<16xi32>
        %add3A_452 = arith.addi %shift_right_logical3A_451, %broadcast_in_dim3A_131 : vector<16xi32>
        %and3A_453 = arith.andi %get3A_419, %broadcast_in_dim3A_13 : vector<16xi32>
        %add3A_454 = arith.addi %and3A_453, %broadcast_in_dim3A_131 : vector<16xi32>
        %shift_right_logical3A_455 = arith.constant 16 : i32
        %shift_right_logical3A_456 = vector.broadcast %shift_right_logical3A_455 : i32 to vector<16xi32>
        %shift_right_logical3A_457 = arith.shrui %get3A_419, %shift_right_logical3A_456 : vector<16xi32>
        %add3A_458 = arith.addi %shift_right_logical3A_457, %broadcast_in_dim3A_131 : vector<16xi32>
        %and3A_459 = arith.andi %get3A_422, %broadcast_in_dim3A_13 : vector<16xi32>
        %add3A_460 = arith.addi %and3A_459, %broadcast_in_dim3A_131 : vector<16xi32>
        %shift_right_logical3A_461 = arith.constant 16 : i32
        %shift_right_logical3A_462 = vector.broadcast %shift_right_logical3A_461 : i32 to vector<16xi32>
        %shift_right_logical3A_463 = arith.shrui %get3A_422, %shift_right_logical3A_462 : vector<16xi32>
        %add3A_464 = arith.addi %shift_right_logical3A_463, %broadcast_in_dim3A_131 : vector<16xi32>
        %and3A_465 = arith.andi %get3A_425, %broadcast_in_dim3A_13 : vector<16xi32>
        %add3A_466 = arith.addi %and3A_465, %broadcast_in_dim3A_131 : vector<16xi32>
        %shift_right_logical3A_467 = arith.constant 16 : i32
        %shift_right_logical3A_468 = vector.broadcast %shift_right_logical3A_467 : i32 to vector<16xi32>
        %shift_right_logical3A_469 = arith.shrui %get3A_425, %shift_right_logical3A_468 : vector<16xi32>
        %add3A_470 = arith.addi %shift_right_logical3A_469, %broadcast_in_dim3A_131 : vector<16xi32>
        %and3A_471 = arith.andi %get3A_428, %broadcast_in_dim3A_13 : vector<16xi32>
        %add3A_472 = arith.addi %and3A_471, %broadcast_in_dim3A_131 : vector<16xi32>
        %shift_right_logical3A_473 = arith.constant 16 : i32
        %shift_right_logical3A_474 = vector.broadcast %shift_right_logical3A_473 : i32 to vector<16xi32>
        %shift_right_logical3A_475 = arith.shrui %get3A_428, %shift_right_logical3A_474 : vector<16xi32>
        %add3A_476 = arith.addi %shift_right_logical3A_475, %broadcast_in_dim3A_131 : vector<16xi32>
        tpu.vector_store_idx %arg8[%add3A_430], %broadcast_in_dim3A_11 {add = true} : memref<77824xi32, #tpu.memory_space<vmem>>[vector<16xi32>], vector<16xi32>,
        tpu.vector_store_idx %arg8[%add3A_434], %broadcast_in_dim3A_11 {add = true} : memref<77824xi32, #tpu.memory_space<vmem>>[vector<16xi32>], vector<16xi32>,
        tpu.vector_store_idx %arg8[%add3A_436], %broadcast_in_dim3A_11 {add = true} : memref<77824xi32, #tpu.memory_space<vmem>>[vector<16xi32>], vector<16xi32>,
        tpu.vector_store_idx %arg8[%add3A_440], %broadcast_in_dim3A_11 {add = true} : memref<77824xi32, #tpu.memory_space<vmem>>[vector<16xi32>], vector<16xi32>,
        tpu.vector_store_idx %arg8[%add3A_442], %broadcast_in_dim3A_11 {add = true} : memref<77824xi32, #tpu.memory_space<vmem>>[vector<16xi32>], vector<16xi32>,
        tpu.vector_store_idx %arg8[%add3A_446], %broadcast_in_dim3A_11 {add = true} : memref<77824xi32, #tpu.memory_space<vmem>>[vector<16xi32>], vector<16xi32>,
        tpu.vector_store_idx %arg8[%add3A_448], %broadcast_in_dim3A_11 {add = true} : memref<77824xi32, #tpu.memory_space<vmem>>[vector<16xi32>], vector<16xi32>,
        tpu.vector_store_idx %arg8[%add3A_452], %broadcast_in_dim3A_11 {add = true} : memref<77824xi32, #tpu.memory_space<vmem>>[vector<16xi32>], vector<16xi32>,
        tpu.vector_store_idx %arg8[%add3A_454], %broadcast_in_dim3A_11 {add = true} : memref<77824xi32, #tpu.memory_space<vmem>>[vector<16xi32>], vector<16xi32>,
        tpu.vector_store_idx %arg8[%add3A_458], %broadcast_in_dim3A_11 {add = true} : memref<77824xi32, #tpu.memory_space<vmem>>[vector<16xi32>], vector<16xi32>,
        tpu.vector_store_idx %arg8[%add3A_460], %broadcast_in_dim3A_11 {add = true} : memref<77824xi32, #tpu.memory_space<vmem>>[vector<16xi32>], vector<16xi32>,
        tpu.vector_store_idx %arg8[%add3A_464], %broadcast_in_dim3A_11 {add = true} : memref<77824xi32, #tpu.memory_space<vmem>>[vector<16xi32>], vector<16xi32>,
        tpu.vector_store_idx %arg8[%add3A_466], %broadcast_in_dim3A_11 {add = true} : memref<77824xi32, #tpu.memory_space<vmem>>[vector<16xi32>], vector<16xi32>,
        tpu.vector_store_idx %arg8[%add3A_470], %broadcast_in_dim3A_11 {add = true} : memref<77824xi32, #tpu.memory_space<vmem>>[vector<16xi32>], vector<16xi32>,
        tpu.vector_store_idx %arg8[%add3A_472], %broadcast_in_dim3A_11 {add = true} : memref<77824xi32, #tpu.memory_space<vmem>>[vector<16xi32>], vector<16xi32>,
        tpu.vector_store_idx %arg8[%add3A_476], %broadcast_in_dim3A_11 {add = true} : memref<77824xi32, #tpu.memory_space<vmem>>[vector<16xi32>], vector<16xi32>,
        %get3A_477 = arith.index_cast %scan3A_261 : i32 to index
        %get3A_478 = arith.constant 384 : index
        %get3A_479 = tpu.vector_load %arg5[%get3A_477, %get3A_478] {strides = array<i32>} : memref<8x512xi32, #tpu.memory_space<vmem>>, vector<16xi32>,
        %get3A_480 = arith.index_cast %scan3A_261 : i32 to index
        %get3A_481 = arith.constant 400 : index
        %get3A_482 = tpu.vector_load %arg5[%get3A_480, %get3A_481] {strides = array<i32>} : memref<8x512xi32, #tpu.memory_space<vmem>>, vector<16xi32>,
        %get3A_483 = arith.index_cast %scan3A_261 : i32 to index
        %get3A_484 = arith.constant 416 : index
        %get3A_485 = tpu.vector_load %arg5[%get3A_483, %get3A_484] {strides = array<i32>} : memref<8x512xi32, #tpu.memory_space<vmem>>, vector<16xi32>,
        %get3A_486 = arith.index_cast %scan3A_261 : i32 to index
        %get3A_487 = arith.constant 432 : index
        %get3A_488 = tpu.vector_load %arg5[%get3A_486, %get3A_487] {strides = array<i32>} : memref<8x512xi32, #tpu.memory_space<vmem>>, vector<16xi32>,
        %get3A_489 = arith.index_cast %scan3A_261 : i32 to index
        %get3A_490 = arith.constant 448 : index
        %get3A_491 = tpu.vector_load %arg5[%get3A_489, %get3A_490] {strides = array<i32>} : memref<8x512xi32, #tpu.memory_space<vmem>>, vector<16xi32>,
        %get3A_492 = arith.index_cast %scan3A_261 : i32 to index
        %get3A_493 = arith.constant 464 : index
        %get3A_494 = tpu.vector_load %arg5[%get3A_492, %get3A_493] {strides = array<i32>} : memref<8x512xi32, #tpu.memory_space<vmem>>, vector<16xi32>,
        %get3A_495 = arith.index_cast %scan3A_261 : i32 to index
        %get3A_496 = arith.constant 480 : index
        %get3A_497 = tpu.vector_load %arg5[%get3A_495, %get3A_496] {strides = array<i32>} : memref<8x512xi32, #tpu.memory_space<vmem>>, vector<16xi32>,
        %get3A_498 = arith.index_cast %scan3A_261 : i32 to index
        %get3A_499 = arith.constant 496 : index
        %get3A_500 = tpu.vector_load %arg5[%get3A_498, %get3A_499] {strides = array<i32>} : memref<8x512xi32, #tpu.memory_space<vmem>>, vector<16xi32>,
        %and3A_501 = arith.andi %get3A_479, %broadcast_in_dim3A_13 : vector<16xi32>
        %add3A_502 = arith.addi %and3A_501, %broadcast_in_dim3A_131 : vector<16xi32>
        %shift_right_logical3A_503 = arith.constant 16 : i32
        %shift_right_logical3A_504 = vector.broadcast %shift_right_logical3A_503 : i32 to vector<16xi32>
        %shift_right_logical3A_505 = arith.shrui %get3A_479, %shift_right_logical3A_504 : vector<16xi32>
        %add3A_506 = arith.addi %shift_right_logical3A_505, %broadcast_in_dim3A_131 : vector<16xi32>
        %and3A_507 = arith.andi %get3A_482, %broadcast_in_dim3A_13 : vector<16xi32>
        %add3A_508 = arith.addi %and3A_507, %broadcast_in_dim3A_131 : vector<16xi32>
        %shift_right_logical3A_509 = arith.constant 16 : i32
        %shift_right_logical3A_510 = vector.broadcast %shift_right_logical3A_509 : i32 to vector<16xi32>
        %shift_right_logical3A_511 = arith.shrui %get3A_482, %shift_right_logical3A_510 : vector<16xi32>
        %add3A_512 = arith.addi %shift_right_logical3A_511, %broadcast_in_dim3A_131 : vector<16xi32>
        %and3A_513 = arith.andi %get3A_485, %broadcast_in_dim3A_13 : vector<16xi32>
        %add3A_514 = arith.addi %and3A_513, %broadcast_in_dim3A_131 : vector<16xi32>
        %shift_right_logical3A_515 = arith.constant 16 : i32
        %shift_right_logical3A_516 = vector.broadcast %shift_right_logical3A_515 : i32 to vector<16xi32>
        %shift_right_logical3A_517 = arith.shrui %get3A_485, %shift_right_logical3A_516 : vector<16xi32>
        %add3A_518 = arith.addi %shift_right_logical3A_517, %broadcast_in_dim3A_131 : vector<16xi32>
        %and3A_519 = arith.andi %get3A_488, %broadcast_in_dim3A_13 : vector<16xi32>
        %add3A_520 = arith.addi %and3A_519, %broadcast_in_dim3A_131 : vector<16xi32>
        %shift_right_logical3A_521 = arith.constant 16 : i32
        %shift_right_logical3A_522 = vector.broadcast %shift_right_logical3A_521 : i32 to vector<16xi32>
        %shift_right_logical3A_523 = arith.shrui %get3A_488, %shift_right_logical3A_522 : vector<16xi32>
        %add3A_524 = arith.addi %shift_right_logical3A_523, %broadcast_in_dim3A_131 : vector<16xi32>
        %and3A_525 = arith.andi %get3A_491, %broadcast_in_dim3A_13 : vector<16xi32>
        %add3A_526 = arith.addi %and3A_525, %broadcast_in_dim3A_131 : vector<16xi32>
        %shift_right_logical3A_527 = arith.constant 16 : i32
        %shift_right_logical3A_528 = vector.broadcast %shift_right_logical3A_527 : i32 to vector<16xi32>
        %shift_right_logical3A_529 = arith.shrui %get3A_491, %shift_right_logical3A_528 : vector<16xi32>
        %add3A_530 = arith.addi %shift_right_logical3A_529, %broadcast_in_dim3A_131 : vector<16xi32>
        %and3A_531 = arith.andi %get3A_494, %broadcast_in_dim3A_13 : vector<16xi32>
        %add3A_532 = arith.addi %and3A_531, %broadcast_in_dim3A_131 : vector<16xi32>
        %shift_right_logical3A_533 = arith.constant 16 : i32
        %shift_right_logical3A_534 = vector.broadcast %shift_right_logical3A_533 : i32 to vector<16xi32>
        %shift_right_logical3A_535 = arith.shrui %get3A_494, %shift_right_logical3A_534 : vector<16xi32>
        %add3A_536 = arith.addi %shift_right_logical3A_535, %broadcast_in_dim3A_131 : vector<16xi32>
        %and3A_537 = arith.andi %get3A_497, %broadcast_in_dim3A_13 : vector<16xi32>
        %add3A_538 = arith.addi %and3A_537, %broadcast_in_dim3A_131 : vector<16xi32>
        %shift_right_logical3A_539 = arith.constant 16 : i32
        %shift_right_logical3A_540 = vector.broadcast %shift_right_logical3A_539 : i32 to vector<16xi32>
        %shift_right_logical3A_541 = arith.shrui %get3A_497, %shift_right_logical3A_540 : vector<16xi32>
        %add3A_542 = arith.addi %shift_right_logical3A_541, %broadcast_in_dim3A_131 : vector<16xi32>
        %and3A_543 = arith.andi %get3A_500, %broadcast_in_dim3A_13 : vector<16xi32>
        %add3A_544 = arith.addi %and3A_543, %broadcast_in_dim3A_131 : vector<16xi32>
        %shift_right_logical3A_545 = arith.constant 16 : i32
        %shift_right_logical3A_546 = vector.broadcast %shift_right_logical3A_545 : i32 to vector<16xi32>
        %shift_right_logical3A_547 = arith.shrui %get3A_500, %shift_right_logical3A_546 : vector<16xi32>
        %add3A_548 = arith.addi %shift_right_logical3A_547, %broadcast_in_dim3A_131 : vector<16xi32>
        tpu.vector_store_idx %arg8[%add3A_502], %broadcast_in_dim3A_11 {add = true} : memref<77824xi32, #tpu.memory_space<vmem>>[vector<16xi32>], vector<16xi32>,
        tpu.vector_store_idx %arg8[%add3A_506], %broadcast_in_dim3A_11 {add = true} : memref<77824xi32, #tpu.memory_space<vmem>>[vector<16xi32>], vector<16xi32>,
        tpu.vector_store_idx %arg8[%add3A_508], %broadcast_in_dim3A_11 {add = true} : memref<77824xi32, #tpu.memory_space<vmem>>[vector<16xi32>], vector<16xi32>,
        tpu.vector_store_idx %arg8[%add3A_512], %broadcast_in_dim3A_11 {add = true} : memref<77824xi32, #tpu.memory_space<vmem>>[vector<16xi32>], vector<16xi32>,
        tpu.vector_store_idx %arg8[%add3A_514], %broadcast_in_dim3A_11 {add = true} : memref<77824xi32, #tpu.memory_space<vmem>>[vector<16xi32>], vector<16xi32>,
        tpu.vector_store_idx %arg8[%add3A_518], %broadcast_in_dim3A_11 {add = true} : memref<77824xi32, #tpu.memory_space<vmem>>[vector<16xi32>], vector<16xi32>,
        tpu.vector_store_idx %arg8[%add3A_520], %broadcast_in_dim3A_11 {add = true} : memref<77824xi32, #tpu.memory_space<vmem>>[vector<16xi32>], vector<16xi32>,
        tpu.vector_store_idx %arg8[%add3A_524], %broadcast_in_dim3A_11 {add = true} : memref<77824xi32, #tpu.memory_space<vmem>>[vector<16xi32>], vector<16xi32>,
        tpu.vector_store_idx %arg8[%add3A_526], %broadcast_in_dim3A_11 {add = true} : memref<77824xi32, #tpu.memory_space<vmem>>[vector<16xi32>], vector<16xi32>,
        tpu.vector_store_idx %arg8[%add3A_530], %broadcast_in_dim3A_11 {add = true} : memref<77824xi32, #tpu.memory_space<vmem>>[vector<16xi32>], vector<16xi32>,
        tpu.vector_store_idx %arg8[%add3A_532], %broadcast_in_dim3A_11 {add = true} : memref<77824xi32, #tpu.memory_space<vmem>>[vector<16xi32>], vector<16xi32>,
        tpu.vector_store_idx %arg8[%add3A_536], %broadcast_in_dim3A_11 {add = true} : memref<77824xi32, #tpu.memory_space<vmem>>[vector<16xi32>], vector<16xi32>,
        tpu.vector_store_idx %arg8[%add3A_538], %broadcast_in_dim3A_11 {add = true} : memref<77824xi32, #tpu.memory_space<vmem>>[vector<16xi32>], vector<16xi32>,
        tpu.vector_store_idx %arg8[%add3A_542], %broadcast_in_dim3A_11 {add = true} : memref<77824xi32, #tpu.memory_space<vmem>>[vector<16xi32>], vector<16xi32>,
        tpu.vector_store_idx %arg8[%add3A_544], %broadcast_in_dim3A_11 {add = true} : memref<77824xi32, #tpu.memory_space<vmem>>[vector<16xi32>], vector<16xi32>,
        tpu.vector_store_idx %arg8[%add3A_548], %broadcast_in_dim3A_11 {add = true} : memref<77824xi32, #tpu.memory_space<vmem>>[vector<16xi32>], vector<16xi32>,
        %scan3A_549 = arith.constant 0 : i32
        scf.yield %scan3A_549 : i32
      }
      %scan3A_138 = arith.constant 8 : i32
      %add3A_139 = arith.constant 1 : i32
      %add3A_140 = arith.addi %mul3A_47, %add3A_139 : i32
      %add3A_141 = arith.constant 4 : i32
      %add3A_142 = arith.addi %add3A_140, %add3A_141 : i32
      %lt3A_143 = arith.constant 76 : i32
      %lt3A_144 = arith.cmpi slt, %add3A_142, %lt3A_143 : i32
      %convert_element_type3A_145 = arith.extui %lt3A_144 : i1 to i32
      %cond3A_146 = arith.constant 0 : i32
      %cond3A_147 = arith.cmpi ne, %convert_element_type3A_145, %cond3A_146 : i32
      scf.if %cond3A_147 {
        %add3A_261 = arith.constant 1 : i32
        %add3A_262 = arith.addi %mul3A_47, %add3A_261 : i32
        %add3A_263 = arith.constant 4 : i32
        %add3A_264 = arith.addi %add3A_262, %add3A_263 : i32
        %mul3A_265 = arith.constant 8 : i32
        %mul3A_266 = arith.muli %add3A_264, %mul3A_265 : i32
        %add3A_267 = arith.addi %mul3A_2, %mul3A_266 : i32
        %dma_start3A_268 = arith.constant 0 : i32
        %dma_start3A_269 = tpu.memref_slice %arg2[%add3A_267, %dma_start3A_268] : memref<19456x512xi32, #tpu.memory_space<hbm>> -> memref<8x512xi32, #tpu.memory_space<hbm>>
        %dma_start3A_270 = arith.constant 0 : i32
        %dma_start3A_271 = tpu.memref_slice %arg2[%add3A_267, %dma_start3A_270] : memref<19456x512xi32, #tpu.memory_space<hbm>> -> memref<8x512xi32, #tpu.memory_space<hbm>>
        tpu.enqueue_dma source(%dma_start3A_271 : memref<8x512xi32, #tpu.memory_space<hbm>>) target(%arg5 : memref<8x512xi32, #tpu.memory_space<vmem>>) target_semaphore(%arg10 : memref<!tpu.dma_semaphore, #tpu.memory_space<semaphore_mem>>)
      } else {
      }
      %dma_wait3A_148 = arith.constant 0 : i32
      %dma_wait3A_149 = arith.constant 0 : i32
      %dma_wait3A_150 = tpu.memref_slice %arg2[%dma_wait3A_148, %dma_wait3A_149] : memref<19456x512xi32, #tpu.memory_space<hbm>> -> memref<8x512xi32, #tpu.memory_space<hbm>>
      %dma_wait3A_151 = arith.constant 0 : i32
      %dma_wait3A_152 = arith.constant 0 : i32
      %dma_wait3A_153 = tpu.memref_slice %arg2[%dma_wait3A_151, %dma_wait3A_152] : memref<19456x512xi32, #tpu.memory_space<hbm>> -> memref<8x512xi32, #tpu.memory_space<hbm>>
      tpu.wait_dma2 semaphore(%arg11 : memref<!tpu.dma_semaphore, #tpu.memory_space<semaphore_mem>>) src(%dma_wait3A_153 : memref<8x512xi32, #tpu.memory_space<hbm>>) dst(%arg6 : memref<8x512xi32, #tpu.memory_space<vmem>>)
      %add3A_154 = arith.constant 2 : i32
      %add3A_155 = arith.addi %mul3A_47, %add3A_154 : i32
      %mul3A_156 = arith.constant 8 : i32
      %mul3A_157 = arith.muli %add3A_155, %mul3A_156 : i32
      %add3A_158 = arith.addi %mul3A_2, %mul3A_157 : i32
      %rem3A_159 = arith.constant 608 : i32
      %rem3A_160 = arith.remsi %add3A_158, %rem3A_159 : i32
      %jit3A_161 = arith.constant 32 : i32
      %div3A_162 = arith.divsi %rem3A_160, %jit3A_161 : i32
      %sign3A_163 = arith.constant 0 : i32
      %sign3A_164 = arith.cmpi sgt, %rem3A_160, %sign3A_163 : i32
      %sign3A_165 = arith.extui %sign3A_164 : i1 to i32
      %sign3A_166 = arith.constant 0 : i32
      %sign3A_167 = arith.cmpi slt, %rem3A_160, %sign3A_166 : i32
      %sign3A_168 = arith.extui %sign3A_167 : i1 to i32
      %sign3A_169 = arith.subi %sign3A_165, %sign3A_168 : i32
      %sign3A_170 = arith.constant 0 : i32
      %sign3A_171 = arith.cmpi sgt, %jit3A_161, %sign3A_170 : i32
      %sign3A_172 = arith.extui %sign3A_171 : i1 to i32
      %sign3A_173 = arith.constant 0 : i32
      %sign3A_174 = arith.cmpi slt, %jit3A_161, %sign3A_173 : i32
      %sign3A_175 = arith.extui %sign3A_174 : i1 to i32
      %sign3A_176 = arith.subi %sign3A_172, %sign3A_175 : i32
      %ne3A_177 = arith.cmpi ne, %sign3A_169, %sign3A_176 : i32
      %rem3A_178 = arith.remsi %rem3A_160, %jit3A_161 : i32
      %ne3A_179 = arith.constant 0 : i32
      %ne3A_180 = arith.cmpi ne, %rem3A_178, %ne3A_179 : i32
      %and3A_181 = arith.andi %ne3A_177, %ne3A_180 : i1
      %sub3A_182 = arith.constant 1 : i32
      %sub3A_183 = arith.subi %div3A_162, %sub3A_182 : i32
      %select_n3A_184 = arith.select %and3A_181, %sub3A_183, %div3A_162 : i32
      %mul3A_185 = arith.constant 4096 : i32
      %mul3A_186 = arith.muli %select_n3A_184, %mul3A_185 : i32
      %broadcast_in_dim3A_187 = vector.broadcast %mul3A_186 : i32 to vector<16xi32>
      %scan3A_188 = arith.constant 0 : i32
      %scan3A_189 = arith.constant 0 : i32
      %scan3A_190 = arith.constant 8 : i32
      %scan3A_191 = arith.addi %scan3A_189, %scan3A_190 : i32
      %scan3A_192 = arith.constant 1 : i32
      %scan3A_193 = scf.for %scan3A_261 = %scan3A_189 to %scan3A_191 step %scan3A_192 iter_args(%scan3A_262 = %scan3A_188) -> (i32)  : i32 {
        %get3A = arith.index_cast %scan3A_261 : i32 to index
        %get3A_263 = arith.constant 0 : index
        %get3A_264 = tpu.vector_load %arg6[%get3A, %get3A_263] {strides = array<i32>} : memref<8x512xi32, #tpu.memory_space<vmem>>, vector<16xi32>,
        %get3A_265 = arith.index_cast %scan3A_261 : i32 to index
        %get3A_266 = arith.constant 16 : index
        %get3A_267 = tpu.vector_load %arg6[%get3A_265, %get3A_266] {strides = array<i32>} : memref<8x512xi32, #tpu.memory_space<vmem>>, vector<16xi32>,
        %get3A_268 = arith.index_cast %scan3A_261 : i32 to index
        %get3A_269 = arith.constant 32 : index
        %get3A_270 = tpu.vector_load %arg6[%get3A_268, %get3A_269] {strides = array<i32>} : memref<8x512xi32, #tpu.memory_space<vmem>>, vector<16xi32>,
        %get3A_271 = arith.index_cast %scan3A_261 : i32 to index
        %get3A_272 = arith.constant 48 : index
        %get3A_273 = tpu.vector_load %arg6[%get3A_271, %get3A_272] {strides = array<i32>} : memref<8x512xi32, #tpu.memory_space<vmem>>, vector<16xi32>,
        %get3A_274 = arith.index_cast %scan3A_261 : i32 to index
        %get3A_275 = arith.constant 64 : index
        %get3A_276 = tpu.vector_load %arg6[%get3A_274, %get3A_275] {strides = array<i32>} : memref<8x512xi32, #tpu.memory_space<vmem>>, vector<16xi32>,
        %get3A_277 = arith.index_cast %scan3A_261 : i32 to index
        %get3A_278 = arith.constant 80 : index
        %get3A_279 = tpu.vector_load %arg6[%get3A_277, %get3A_278] {strides = array<i32>} : memref<8x512xi32, #tpu.memory_space<vmem>>, vector<16xi32>,
        %get3A_280 = arith.index_cast %scan3A_261 : i32 to index
        %get3A_281 = arith.constant 96 : index
        %get3A_282 = tpu.vector_load %arg6[%get3A_280, %get3A_281] {strides = array<i32>} : memref<8x512xi32, #tpu.memory_space<vmem>>, vector<16xi32>,
        %get3A_283 = arith.index_cast %scan3A_261 : i32 to index
        %get3A_284 = arith.constant 112 : index
        %get3A_285 = tpu.vector_load %arg6[%get3A_283, %get3A_284] {strides = array<i32>} : memref<8x512xi32, #tpu.memory_space<vmem>>, vector<16xi32>,
        %and3A_286 = arith.andi %get3A_264, %broadcast_in_dim3A_13 : vector<16xi32>
        %add3A_287 = arith.addi %and3A_286, %broadcast_in_dim3A_187 : vector<16xi32>
        %shift_right_logical3A = arith.constant 16 : i32
        %shift_right_logical3A_288 = vector.broadcast %shift_right_logical3A : i32 to vector<16xi32>
        %shift_right_logical3A_289 = arith.shrui %get3A_264, %shift_right_logical3A_288 : vector<16xi32>
        %add3A_290 = arith.addi %shift_right_logical3A_289, %broadcast_in_dim3A_187 : vector<16xi32>
        %and3A_291 = arith.andi %get3A_267, %broadcast_in_dim3A_13 : vector<16xi32>
        %add3A_292 = arith.addi %and3A_291, %broadcast_in_dim3A_187 : vector<16xi32>
        %shift_right_logical3A_293 = arith.constant 16 : i32
        %shift_right_logical3A_294 = vector.broadcast %shift_right_logical3A_293 : i32 to vector<16xi32>
        %shift_right_logical3A_295 = arith.shrui %get3A_267, %shift_right_logical3A_294 : vector<16xi32>
        %add3A_296 = arith.addi %shift_right_logical3A_295, %broadcast_in_dim3A_187 : vector<16xi32>
        %and3A_297 = arith.andi %get3A_270, %broadcast_in_dim3A_13 : vector<16xi32>
        %add3A_298 = arith.addi %and3A_297, %broadcast_in_dim3A_187 : vector<16xi32>
        %shift_right_logical3A_299 = arith.constant 16 : i32
        %shift_right_logical3A_300 = vector.broadcast %shift_right_logical3A_299 : i32 to vector<16xi32>
        %shift_right_logical3A_301 = arith.shrui %get3A_270, %shift_right_logical3A_300 : vector<16xi32>
        %add3A_302 = arith.addi %shift_right_logical3A_301, %broadcast_in_dim3A_187 : vector<16xi32>
        %and3A_303 = arith.andi %get3A_273, %broadcast_in_dim3A_13 : vector<16xi32>
        %add3A_304 = arith.addi %and3A_303, %broadcast_in_dim3A_187 : vector<16xi32>
        %shift_right_logical3A_305 = arith.constant 16 : i32
        %shift_right_logical3A_306 = vector.broadcast %shift_right_logical3A_305 : i32 to vector<16xi32>
        %shift_right_logical3A_307 = arith.shrui %get3A_273, %shift_right_logical3A_306 : vector<16xi32>
        %add3A_308 = arith.addi %shift_right_logical3A_307, %broadcast_in_dim3A_187 : vector<16xi32>
        %and3A_309 = arith.andi %get3A_276, %broadcast_in_dim3A_13 : vector<16xi32>
        %add3A_310 = arith.addi %and3A_309, %broadcast_in_dim3A_187 : vector<16xi32>
        %shift_right_logical3A_311 = arith.constant 16 : i32
        %shift_right_logical3A_312 = vector.broadcast %shift_right_logical3A_311 : i32 to vector<16xi32>
        %shift_right_logical3A_313 = arith.shrui %get3A_276, %shift_right_logical3A_312 : vector<16xi32>
        %add3A_314 = arith.addi %shift_right_logical3A_313, %broadcast_in_dim3A_187 : vector<16xi32>
        %and3A_315 = arith.andi %get3A_279, %broadcast_in_dim3A_13 : vector<16xi32>
        %add3A_316 = arith.addi %and3A_315, %broadcast_in_dim3A_187 : vector<16xi32>
        %shift_right_logical3A_317 = arith.constant 16 : i32
        %shift_right_logical3A_318 = vector.broadcast %shift_right_logical3A_317 : i32 to vector<16xi32>
        %shift_right_logical3A_319 = arith.shrui %get3A_279, %shift_right_logical3A_318 : vector<16xi32>
        %add3A_320 = arith.addi %shift_right_logical3A_319, %broadcast_in_dim3A_187 : vector<16xi32>
        %and3A_321 = arith.andi %get3A_282, %broadcast_in_dim3A_13 : vector<16xi32>
        %add3A_322 = arith.addi %and3A_321, %broadcast_in_dim3A_187 : vector<16xi32>
        %shift_right_logical3A_323 = arith.constant 16 : i32
        %shift_right_logical3A_324 = vector.broadcast %shift_right_logical3A_323 : i32 to vector<16xi32>
        %shift_right_logical3A_325 = arith.shrui %get3A_282, %shift_right_logical3A_324 : vector<16xi32>
        %add3A_326 = arith.addi %shift_right_logical3A_325, %broadcast_in_dim3A_187 : vector<16xi32>
        %and3A_327 = arith.andi %get3A_285, %broadcast_in_dim3A_13 : vector<16xi32>
        %add3A_328 = arith.addi %and3A_327, %broadcast_in_dim3A_187 : vector<16xi32>
        %shift_right_logical3A_329 = arith.constant 16 : i32
        %shift_right_logical3A_330 = vector.broadcast %shift_right_logical3A_329 : i32 to vector<16xi32>
        %shift_right_logical3A_331 = arith.shrui %get3A_285, %shift_right_logical3A_330 : vector<16xi32>
        %add3A_332 = arith.addi %shift_right_logical3A_331, %broadcast_in_dim3A_187 : vector<16xi32>
        tpu.vector_store_idx %arg8[%add3A_287], %broadcast_in_dim3A_11 {add = true} : memref<77824xi32, #tpu.memory_space<vmem>>[vector<16xi32>], vector<16xi32>,
        tpu.vector_store_idx %arg8[%add3A_290], %broadcast_in_dim3A_11 {add = true} : memref<77824xi32, #tpu.memory_space<vmem>>[vector<16xi32>], vector<16xi32>,
        tpu.vector_store_idx %arg8[%add3A_292], %broadcast_in_dim3A_11 {add = true} : memref<77824xi32, #tpu.memory_space<vmem>>[vector<16xi32>], vector<16xi32>,
        tpu.vector_store_idx %arg8[%add3A_296], %broadcast_in_dim3A_11 {add = true} : memref<77824xi32, #tpu.memory_space<vmem>>[vector<16xi32>], vector<16xi32>,
        tpu.vector_store_idx %arg8[%add3A_298], %broadcast_in_dim3A_11 {add = true} : memref<77824xi32, #tpu.memory_space<vmem>>[vector<16xi32>], vector<16xi32>,
        tpu.vector_store_idx %arg8[%add3A_302], %broadcast_in_dim3A_11 {add = true} : memref<77824xi32, #tpu.memory_space<vmem>>[vector<16xi32>], vector<16xi32>,
        tpu.vector_store_idx %arg8[%add3A_304], %broadcast_in_dim3A_11 {add = true} : memref<77824xi32, #tpu.memory_space<vmem>>[vector<16xi32>], vector<16xi32>,
        tpu.vector_store_idx %arg8[%add3A_308], %broadcast_in_dim3A_11 {add = true} : memref<77824xi32, #tpu.memory_space<vmem>>[vector<16xi32>], vector<16xi32>,
        tpu.vector_store_idx %arg8[%add3A_310], %broadcast_in_dim3A_11 {add = true} : memref<77824xi32, #tpu.memory_space<vmem>>[vector<16xi32>], vector<16xi32>,
        tpu.vector_store_idx %arg8[%add3A_314], %broadcast_in_dim3A_11 {add = true} : memref<77824xi32, #tpu.memory_space<vmem>>[vector<16xi32>], vector<16xi32>,
        tpu.vector_store_idx %arg8[%add3A_316], %broadcast_in_dim3A_11 {add = true} : memref<77824xi32, #tpu.memory_space<vmem>>[vector<16xi32>], vector<16xi32>,
        tpu.vector_store_idx %arg8[%add3A_320], %broadcast_in_dim3A_11 {add = true} : memref<77824xi32, #tpu.memory_space<vmem>>[vector<16xi32>], vector<16xi32>,
        tpu.vector_store_idx %arg8[%add3A_322], %broadcast_in_dim3A_11 {add = true} : memref<77824xi32, #tpu.memory_space<vmem>>[vector<16xi32>], vector<16xi32>,
        tpu.vector_store_idx %arg8[%add3A_326], %broadcast_in_dim3A_11 {add = true} : memref<77824xi32, #tpu.memory_space<vmem>>[vector<16xi32>], vector<16xi32>,
        tpu.vector_store_idx %arg8[%add3A_328], %broadcast_in_dim3A_11 {add = true} : memref<77824xi32, #tpu.memory_space<vmem>>[vector<16xi32>], vector<16xi32>,
        tpu.vector_store_idx %arg8[%add3A_332], %broadcast_in_dim3A_11 {add = true} : memref<77824xi32, #tpu.memory_space<vmem>>[vector<16xi32>], vector<16xi32>,
        %get3A_333 = arith.index_cast %scan3A_261 : i32 to index
        %get3A_334 = arith.constant 128 : index
        %get3A_335 = tpu.vector_load %arg6[%get3A_333, %get3A_334] {strides = array<i32>} : memref<8x512xi32, #tpu.memory_space<vmem>>, vector<16xi32>,
        %get3A_336 = arith.index_cast %scan3A_261 : i32 to index
        %get3A_337 = arith.constant 144 : index
        %get3A_338 = tpu.vector_load %arg6[%get3A_336, %get3A_337] {strides = array<i32>} : memref<8x512xi32, #tpu.memory_space<vmem>>, vector<16xi32>,
        %get3A_339 = arith.index_cast %scan3A_261 : i32 to index
        %get3A_340 = arith.constant 160 : index
        %get3A_341 = tpu.vector_load %arg6[%get3A_339, %get3A_340] {strides = array<i32>} : memref<8x512xi32, #tpu.memory_space<vmem>>, vector<16xi32>,
        %get3A_342 = arith.index_cast %scan3A_261 : i32 to index
        %get3A_343 = arith.constant 176 : index
        %get3A_344 = tpu.vector_load %arg6[%get3A_342, %get3A_343] {strides = array<i32>} : memref<8x512xi32, #tpu.memory_space<vmem>>, vector<16xi32>,
        %get3A_345 = arith.index_cast %scan3A_261 : i32 to index
        %get3A_346 = arith.constant 192 : index
        %get3A_347 = tpu.vector_load %arg6[%get3A_345, %get3A_346] {strides = array<i32>} : memref<8x512xi32, #tpu.memory_space<vmem>>, vector<16xi32>,
        %get3A_348 = arith.index_cast %scan3A_261 : i32 to index
        %get3A_349 = arith.constant 208 : index
        %get3A_350 = tpu.vector_load %arg6[%get3A_348, %get3A_349] {strides = array<i32>} : memref<8x512xi32, #tpu.memory_space<vmem>>, vector<16xi32>,
        %get3A_351 = arith.index_cast %scan3A_261 : i32 to index
        %get3A_352 = arith.constant 224 : index
        %get3A_353 = tpu.vector_load %arg6[%get3A_351, %get3A_352] {strides = array<i32>} : memref<8x512xi32, #tpu.memory_space<vmem>>, vector<16xi32>,
        %get3A_354 = arith.index_cast %scan3A_261 : i32 to index
        %get3A_355 = arith.constant 240 : index
        %get3A_356 = tpu.vector_load %arg6[%get3A_354, %get3A_355] {strides = array<i32>} : memref<8x512xi32, #tpu.memory_space<vmem>>, vector<16xi32>,
        %and3A_357 = arith.andi %get3A_335, %broadcast_in_dim3A_13 : vector<16xi32>
        %add3A_358 = arith.addi %and3A_357, %broadcast_in_dim3A_187 : vector<16xi32>
        %shift_right_logical3A_359 = arith.constant 16 : i32
        %shift_right_logical3A_360 = vector.broadcast %shift_right_logical3A_359 : i32 to vector<16xi32>
        %shift_right_logical3A_361 = arith.shrui %get3A_335, %shift_right_logical3A_360 : vector<16xi32>
        %add3A_362 = arith.addi %shift_right_logical3A_361, %broadcast_in_dim3A_187 : vector<16xi32>
        %and3A_363 = arith.andi %get3A_338, %broadcast_in_dim3A_13 : vector<16xi32>
        %add3A_364 = arith.addi %and3A_363, %broadcast_in_dim3A_187 : vector<16xi32>
        %shift_right_logical3A_365 = arith.constant 16 : i32
        %shift_right_logical3A_366 = vector.broadcast %shift_right_logical3A_365 : i32 to vector<16xi32>
        %shift_right_logical3A_367 = arith.shrui %get3A_338, %shift_right_logical3A_366 : vector<16xi32>
        %add3A_368 = arith.addi %shift_right_logical3A_367, %broadcast_in_dim3A_187 : vector<16xi32>
        %and3A_369 = arith.andi %get3A_341, %broadcast_in_dim3A_13 : vector<16xi32>
        %add3A_370 = arith.addi %and3A_369, %broadcast_in_dim3A_187 : vector<16xi32>
        %shift_right_logical3A_371 = arith.constant 16 : i32
        %shift_right_logical3A_372 = vector.broadcast %shift_right_logical3A_371 : i32 to vector<16xi32>
        %shift_right_logical3A_373 = arith.shrui %get3A_341, %shift_right_logical3A_372 : vector<16xi32>
        %add3A_374 = arith.addi %shift_right_logical3A_373, %broadcast_in_dim3A_187 : vector<16xi32>
        %and3A_375 = arith.andi %get3A_344, %broadcast_in_dim3A_13 : vector<16xi32>
        %add3A_376 = arith.addi %and3A_375, %broadcast_in_dim3A_187 : vector<16xi32>
        %shift_right_logical3A_377 = arith.constant 16 : i32
        %shift_right_logical3A_378 = vector.broadcast %shift_right_logical3A_377 : i32 to vector<16xi32>
        %shift_right_logical3A_379 = arith.shrui %get3A_344, %shift_right_logical3A_378 : vector<16xi32>
        %add3A_380 = arith.addi %shift_right_logical3A_379, %broadcast_in_dim3A_187 : vector<16xi32>
        %and3A_381 = arith.andi %get3A_347, %broadcast_in_dim3A_13 : vector<16xi32>
        %add3A_382 = arith.addi %and3A_381, %broadcast_in_dim3A_187 : vector<16xi32>
        %shift_right_logical3A_383 = arith.constant 16 : i32
        %shift_right_logical3A_384 = vector.broadcast %shift_right_logical3A_383 : i32 to vector<16xi32>
        %shift_right_logical3A_385 = arith.shrui %get3A_347, %shift_right_logical3A_384 : vector<16xi32>
        %add3A_386 = arith.addi %shift_right_logical3A_385, %broadcast_in_dim3A_187 : vector<16xi32>
        %and3A_387 = arith.andi %get3A_350, %broadcast_in_dim3A_13 : vector<16xi32>
        %add3A_388 = arith.addi %and3A_387, %broadcast_in_dim3A_187 : vector<16xi32>
        %shift_right_logical3A_389 = arith.constant 16 : i32
        %shift_right_logical3A_390 = vector.broadcast %shift_right_logical3A_389 : i32 to vector<16xi32>
        %shift_right_logical3A_391 = arith.shrui %get3A_350, %shift_right_logical3A_390 : vector<16xi32>
        %add3A_392 = arith.addi %shift_right_logical3A_391, %broadcast_in_dim3A_187 : vector<16xi32>
        %and3A_393 = arith.andi %get3A_353, %broadcast_in_dim3A_13 : vector<16xi32>
        %add3A_394 = arith.addi %and3A_393, %broadcast_in_dim3A_187 : vector<16xi32>
        %shift_right_logical3A_395 = arith.constant 16 : i32
        %shift_right_logical3A_396 = vector.broadcast %shift_right_logical3A_395 : i32 to vector<16xi32>
        %shift_right_logical3A_397 = arith.shrui %get3A_353, %shift_right_logical3A_396 : vector<16xi32>
        %add3A_398 = arith.addi %shift_right_logical3A_397, %broadcast_in_dim3A_187 : vector<16xi32>
        %and3A_399 = arith.andi %get3A_356, %broadcast_in_dim3A_13 : vector<16xi32>
        %add3A_400 = arith.addi %and3A_399, %broadcast_in_dim3A_187 : vector<16xi32>
        %shift_right_logical3A_401 = arith.constant 16 : i32
        %shift_right_logical3A_402 = vector.broadcast %shift_right_logical3A_401 : i32 to vector<16xi32>
        %shift_right_logical3A_403 = arith.shrui %get3A_356, %shift_right_logical3A_402 : vector<16xi32>
        %add3A_404 = arith.addi %shift_right_logical3A_403, %broadcast_in_dim3A_187 : vector<16xi32>
        tpu.vector_store_idx %arg8[%add3A_358], %broadcast_in_dim3A_11 {add = true} : memref<77824xi32, #tpu.memory_space<vmem>>[vector<16xi32>], vector<16xi32>,
        tpu.vector_store_idx %arg8[%add3A_362], %broadcast_in_dim3A_11 {add = true} : memref<77824xi32, #tpu.memory_space<vmem>>[vector<16xi32>], vector<16xi32>,
        tpu.vector_store_idx %arg8[%add3A_364], %broadcast_in_dim3A_11 {add = true} : memref<77824xi32, #tpu.memory_space<vmem>>[vector<16xi32>], vector<16xi32>,
        tpu.vector_store_idx %arg8[%add3A_368], %broadcast_in_dim3A_11 {add = true} : memref<77824xi32, #tpu.memory_space<vmem>>[vector<16xi32>], vector<16xi32>,
        tpu.vector_store_idx %arg8[%add3A_370], %broadcast_in_dim3A_11 {add = true} : memref<77824xi32, #tpu.memory_space<vmem>>[vector<16xi32>], vector<16xi32>,
        tpu.vector_store_idx %arg8[%add3A_374], %broadcast_in_dim3A_11 {add = true} : memref<77824xi32, #tpu.memory_space<vmem>>[vector<16xi32>], vector<16xi32>,
        tpu.vector_store_idx %arg8[%add3A_376], %broadcast_in_dim3A_11 {add = true} : memref<77824xi32, #tpu.memory_space<vmem>>[vector<16xi32>], vector<16xi32>,
        tpu.vector_store_idx %arg8[%add3A_380], %broadcast_in_dim3A_11 {add = true} : memref<77824xi32, #tpu.memory_space<vmem>>[vector<16xi32>], vector<16xi32>,
        tpu.vector_store_idx %arg8[%add3A_382], %broadcast_in_dim3A_11 {add = true} : memref<77824xi32, #tpu.memory_space<vmem>>[vector<16xi32>], vector<16xi32>,
        tpu.vector_store_idx %arg8[%add3A_386], %broadcast_in_dim3A_11 {add = true} : memref<77824xi32, #tpu.memory_space<vmem>>[vector<16xi32>], vector<16xi32>,
        tpu.vector_store_idx %arg8[%add3A_388], %broadcast_in_dim3A_11 {add = true} : memref<77824xi32, #tpu.memory_space<vmem>>[vector<16xi32>], vector<16xi32>,
        tpu.vector_store_idx %arg8[%add3A_392], %broadcast_in_dim3A_11 {add = true} : memref<77824xi32, #tpu.memory_space<vmem>>[vector<16xi32>], vector<16xi32>,
        tpu.vector_store_idx %arg8[%add3A_394], %broadcast_in_dim3A_11 {add = true} : memref<77824xi32, #tpu.memory_space<vmem>>[vector<16xi32>], vector<16xi32>,
        tpu.vector_store_idx %arg8[%add3A_398], %broadcast_in_dim3A_11 {add = true} : memref<77824xi32, #tpu.memory_space<vmem>>[vector<16xi32>], vector<16xi32>,
        tpu.vector_store_idx %arg8[%add3A_400], %broadcast_in_dim3A_11 {add = true} : memref<77824xi32, #tpu.memory_space<vmem>>[vector<16xi32>], vector<16xi32>,
        tpu.vector_store_idx %arg8[%add3A_404], %broadcast_in_dim3A_11 {add = true} : memref<77824xi32, #tpu.memory_space<vmem>>[vector<16xi32>], vector<16xi32>,
        %get3A_405 = arith.index_cast %scan3A_261 : i32 to index
        %get3A_406 = arith.constant 256 : index
        %get3A_407 = tpu.vector_load %arg6[%get3A_405, %get3A_406] {strides = array<i32>} : memref<8x512xi32, #tpu.memory_space<vmem>>, vector<16xi32>,
        %get3A_408 = arith.index_cast %scan3A_261 : i32 to index
        %get3A_409 = arith.constant 272 : index
        %get3A_410 = tpu.vector_load %arg6[%get3A_408, %get3A_409] {strides = array<i32>} : memref<8x512xi32, #tpu.memory_space<vmem>>, vector<16xi32>,
        %get3A_411 = arith.index_cast %scan3A_261 : i32 to index
        %get3A_412 = arith.constant 288 : index
        %get3A_413 = tpu.vector_load %arg6[%get3A_411, %get3A_412] {strides = array<i32>} : memref<8x512xi32, #tpu.memory_space<vmem>>, vector<16xi32>,
        %get3A_414 = arith.index_cast %scan3A_261 : i32 to index
        %get3A_415 = arith.constant 304 : index
        %get3A_416 = tpu.vector_load %arg6[%get3A_414, %get3A_415] {strides = array<i32>} : memref<8x512xi32, #tpu.memory_space<vmem>>, vector<16xi32>,
        %get3A_417 = arith.index_cast %scan3A_261 : i32 to index
        %get3A_418 = arith.constant 320 : index
        %get3A_419 = tpu.vector_load %arg6[%get3A_417, %get3A_418] {strides = array<i32>} : memref<8x512xi32, #tpu.memory_space<vmem>>, vector<16xi32>,
        %get3A_420 = arith.index_cast %scan3A_261 : i32 to index
        %get3A_421 = arith.constant 336 : index
        %get3A_422 = tpu.vector_load %arg6[%get3A_420, %get3A_421] {strides = array<i32>} : memref<8x512xi32, #tpu.memory_space<vmem>>, vector<16xi32>,
        %get3A_423 = arith.index_cast %scan3A_261 : i32 to index
        %get3A_424 = arith.constant 352 : index
        %get3A_425 = tpu.vector_load %arg6[%get3A_423, %get3A_424] {strides = array<i32>} : memref<8x512xi32, #tpu.memory_space<vmem>>, vector<16xi32>,
        %get3A_426 = arith.index_cast %scan3A_261 : i32 to index
        %get3A_427 = arith.constant 368 : index
        %get3A_428 = tpu.vector_load %arg6[%get3A_426, %get3A_427] {strides = array<i32>} : memref<8x512xi32, #tpu.memory_space<vmem>>, vector<16xi32>,
        %and3A_429 = arith.andi %get3A_407, %broadcast_in_dim3A_13 : vector<16xi32>
        %add3A_430 = arith.addi %and3A_429, %broadcast_in_dim3A_187 : vector<16xi32>
        %shift_right_logical3A_431 = arith.constant 16 : i32
        %shift_right_logical3A_432 = vector.broadcast %shift_right_logical3A_431 : i32 to vector<16xi32>
        %shift_right_logical3A_433 = arith.shrui %get3A_407, %shift_right_logical3A_432 : vector<16xi32>
        %add3A_434 = arith.addi %shift_right_logical3A_433, %broadcast_in_dim3A_187 : vector<16xi32>
        %and3A_435 = arith.andi %get3A_410, %broadcast_in_dim3A_13 : vector<16xi32>
        %add3A_436 = arith.addi %and3A_435, %broadcast_in_dim3A_187 : vector<16xi32>
        %shift_right_logical3A_437 = arith.constant 16 : i32
        %shift_right_logical3A_438 = vector.broadcast %shift_right_logical3A_437 : i32 to vector<16xi32>
        %shift_right_logical3A_439 = arith.shrui %get3A_410, %shift_right_logical3A_438 : vector<16xi32>
        %add3A_440 = arith.addi %shift_right_logical3A_439, %broadcast_in_dim3A_187 : vector<16xi32>
        %and3A_441 = arith.andi %get3A_413, %broadcast_in_dim3A_13 : vector<16xi32>
        %add3A_442 = arith.addi %and3A_441, %broadcast_in_dim3A_187 : vector<16xi32>
        %shift_right_logical3A_443 = arith.constant 16 : i32
        %shift_right_logical3A_444 = vector.broadcast %shift_right_logical3A_443 : i32 to vector<16xi32>
        %shift_right_logical3A_445 = arith.shrui %get3A_413, %shift_right_logical3A_444 : vector<16xi32>
        %add3A_446 = arith.addi %shift_right_logical3A_445, %broadcast_in_dim3A_187 : vector<16xi32>
        %and3A_447 = arith.andi %get3A_416, %broadcast_in_dim3A_13 : vector<16xi32>
        %add3A_448 = arith.addi %and3A_447, %broadcast_in_dim3A_187 : vector<16xi32>
        %shift_right_logical3A_449 = arith.constant 16 : i32
        %shift_right_logical3A_450 = vector.broadcast %shift_right_logical3A_449 : i32 to vector<16xi32>
        %shift_right_logical3A_451 = arith.shrui %get3A_416, %shift_right_logical3A_450 : vector<16xi32>
        %add3A_452 = arith.addi %shift_right_logical3A_451, %broadcast_in_dim3A_187 : vector<16xi32>
        %and3A_453 = arith.andi %get3A_419, %broadcast_in_dim3A_13 : vector<16xi32>
        %add3A_454 = arith.addi %and3A_453, %broadcast_in_dim3A_187 : vector<16xi32>
        %shift_right_logical3A_455 = arith.constant 16 : i32
        %shift_right_logical3A_456 = vector.broadcast %shift_right_logical3A_455 : i32 to vector<16xi32>
        %shift_right_logical3A_457 = arith.shrui %get3A_419, %shift_right_logical3A_456 : vector<16xi32>
        %add3A_458 = arith.addi %shift_right_logical3A_457, %broadcast_in_dim3A_187 : vector<16xi32>
        %and3A_459 = arith.andi %get3A_422, %broadcast_in_dim3A_13 : vector<16xi32>
        %add3A_460 = arith.addi %and3A_459, %broadcast_in_dim3A_187 : vector<16xi32>
        %shift_right_logical3A_461 = arith.constant 16 : i32
        %shift_right_logical3A_462 = vector.broadcast %shift_right_logical3A_461 : i32 to vector<16xi32>
        %shift_right_logical3A_463 = arith.shrui %get3A_422, %shift_right_logical3A_462 : vector<16xi32>
        %add3A_464 = arith.addi %shift_right_logical3A_463, %broadcast_in_dim3A_187 : vector<16xi32>
        %and3A_465 = arith.andi %get3A_425, %broadcast_in_dim3A_13 : vector<16xi32>
        %add3A_466 = arith.addi %and3A_465, %broadcast_in_dim3A_187 : vector<16xi32>
        %shift_right_logical3A_467 = arith.constant 16 : i32
        %shift_right_logical3A_468 = vector.broadcast %shift_right_logical3A_467 : i32 to vector<16xi32>
        %shift_right_logical3A_469 = arith.shrui %get3A_425, %shift_right_logical3A_468 : vector<16xi32>
        %add3A_470 = arith.addi %shift_right_logical3A_469, %broadcast_in_dim3A_187 : vector<16xi32>
        %and3A_471 = arith.andi %get3A_428, %broadcast_in_dim3A_13 : vector<16xi32>
        %add3A_472 = arith.addi %and3A_471, %broadcast_in_dim3A_187 : vector<16xi32>
        %shift_right_logical3A_473 = arith.constant 16 : i32
        %shift_right_logical3A_474 = vector.broadcast %shift_right_logical3A_473 : i32 to vector<16xi32>
        %shift_right_logical3A_475 = arith.shrui %get3A_428, %shift_right_logical3A_474 : vector<16xi32>
        %add3A_476 = arith.addi %shift_right_logical3A_475, %broadcast_in_dim3A_187 : vector<16xi32>
        tpu.vector_store_idx %arg8[%add3A_430], %broadcast_in_dim3A_11 {add = true} : memref<77824xi32, #tpu.memory_space<vmem>>[vector<16xi32>], vector<16xi32>,
        tpu.vector_store_idx %arg8[%add3A_434], %broadcast_in_dim3A_11 {add = true} : memref<77824xi32, #tpu.memory_space<vmem>>[vector<16xi32>], vector<16xi32>,
        tpu.vector_store_idx %arg8[%add3A_436], %broadcast_in_dim3A_11 {add = true} : memref<77824xi32, #tpu.memory_space<vmem>>[vector<16xi32>], vector<16xi32>,
        tpu.vector_store_idx %arg8[%add3A_440], %broadcast_in_dim3A_11 {add = true} : memref<77824xi32, #tpu.memory_space<vmem>>[vector<16xi32>], vector<16xi32>,
        tpu.vector_store_idx %arg8[%add3A_442], %broadcast_in_dim3A_11 {add = true} : memref<77824xi32, #tpu.memory_space<vmem>>[vector<16xi32>], vector<16xi32>,
        tpu.vector_store_idx %arg8[%add3A_446], %broadcast_in_dim3A_11 {add = true} : memref<77824xi32, #tpu.memory_space<vmem>>[vector<16xi32>], vector<16xi32>,
        tpu.vector_store_idx %arg8[%add3A_448], %broadcast_in_dim3A_11 {add = true} : memref<77824xi32, #tpu.memory_space<vmem>>[vector<16xi32>], vector<16xi32>,
        tpu.vector_store_idx %arg8[%add3A_452], %broadcast_in_dim3A_11 {add = true} : memref<77824xi32, #tpu.memory_space<vmem>>[vector<16xi32>], vector<16xi32>,
        tpu.vector_store_idx %arg8[%add3A_454], %broadcast_in_dim3A_11 {add = true} : memref<77824xi32, #tpu.memory_space<vmem>>[vector<16xi32>], vector<16xi32>,
        tpu.vector_store_idx %arg8[%add3A_458], %broadcast_in_dim3A_11 {add = true} : memref<77824xi32, #tpu.memory_space<vmem>>[vector<16xi32>], vector<16xi32>,
        tpu.vector_store_idx %arg8[%add3A_460], %broadcast_in_dim3A_11 {add = true} : memref<77824xi32, #tpu.memory_space<vmem>>[vector<16xi32>], vector<16xi32>,
        tpu.vector_store_idx %arg8[%add3A_464], %broadcast_in_dim3A_11 {add = true} : memref<77824xi32, #tpu.memory_space<vmem>>[vector<16xi32>], vector<16xi32>,
        tpu.vector_store_idx %arg8[%add3A_466], %broadcast_in_dim3A_11 {add = true} : memref<77824xi32, #tpu.memory_space<vmem>>[vector<16xi32>], vector<16xi32>,
        tpu.vector_store_idx %arg8[%add3A_470], %broadcast_in_dim3A_11 {add = true} : memref<77824xi32, #tpu.memory_space<vmem>>[vector<16xi32>], vector<16xi32>,
        tpu.vector_store_idx %arg8[%add3A_472], %broadcast_in_dim3A_11 {add = true} : memref<77824xi32, #tpu.memory_space<vmem>>[vector<16xi32>], vector<16xi32>,
        tpu.vector_store_idx %arg8[%add3A_476], %broadcast_in_dim3A_11 {add = true} : memref<77824xi32, #tpu.memory_space<vmem>>[vector<16xi32>], vector<16xi32>,
        %get3A_477 = arith.index_cast %scan3A_261 : i32 to index
        %get3A_478 = arith.constant 384 : index
        %get3A_479 = tpu.vector_load %arg6[%get3A_477, %get3A_478] {strides = array<i32>} : memref<8x512xi32, #tpu.memory_space<vmem>>, vector<16xi32>,
        %get3A_480 = arith.index_cast %scan3A_261 : i32 to index
        %get3A_481 = arith.constant 400 : index
        %get3A_482 = tpu.vector_load %arg6[%get3A_480, %get3A_481] {strides = array<i32>} : memref<8x512xi32, #tpu.memory_space<vmem>>, vector<16xi32>,
        %get3A_483 = arith.index_cast %scan3A_261 : i32 to index
        %get3A_484 = arith.constant 416 : index
        %get3A_485 = tpu.vector_load %arg6[%get3A_483, %get3A_484] {strides = array<i32>} : memref<8x512xi32, #tpu.memory_space<vmem>>, vector<16xi32>,
        %get3A_486 = arith.index_cast %scan3A_261 : i32 to index
        %get3A_487 = arith.constant 432 : index
        %get3A_488 = tpu.vector_load %arg6[%get3A_486, %get3A_487] {strides = array<i32>} : memref<8x512xi32, #tpu.memory_space<vmem>>, vector<16xi32>,
        %get3A_489 = arith.index_cast %scan3A_261 : i32 to index
        %get3A_490 = arith.constant 448 : index
        %get3A_491 = tpu.vector_load %arg6[%get3A_489, %get3A_490] {strides = array<i32>} : memref<8x512xi32, #tpu.memory_space<vmem>>, vector<16xi32>,
        %get3A_492 = arith.index_cast %scan3A_261 : i32 to index
        %get3A_493 = arith.constant 464 : index
        %get3A_494 = tpu.vector_load %arg6[%get3A_492, %get3A_493] {strides = array<i32>} : memref<8x512xi32, #tpu.memory_space<vmem>>, vector<16xi32>,
        %get3A_495 = arith.index_cast %scan3A_261 : i32 to index
        %get3A_496 = arith.constant 480 : index
        %get3A_497 = tpu.vector_load %arg6[%get3A_495, %get3A_496] {strides = array<i32>} : memref<8x512xi32, #tpu.memory_space<vmem>>, vector<16xi32>,
        %get3A_498 = arith.index_cast %scan3A_261 : i32 to index
        %get3A_499 = arith.constant 496 : index
        %get3A_500 = tpu.vector_load %arg6[%get3A_498, %get3A_499] {strides = array<i32>} : memref<8x512xi32, #tpu.memory_space<vmem>>, vector<16xi32>,
        %and3A_501 = arith.andi %get3A_479, %broadcast_in_dim3A_13 : vector<16xi32>
        %add3A_502 = arith.addi %and3A_501, %broadcast_in_dim3A_187 : vector<16xi32>
        %shift_right_logical3A_503 = arith.constant 16 : i32
        %shift_right_logical3A_504 = vector.broadcast %shift_right_logical3A_503 : i32 to vector<16xi32>
        %shift_right_logical3A_505 = arith.shrui %get3A_479, %shift_right_logical3A_504 : vector<16xi32>
        %add3A_506 = arith.addi %shift_right_logical3A_505, %broadcast_in_dim3A_187 : vector<16xi32>
        %and3A_507 = arith.andi %get3A_482, %broadcast_in_dim3A_13 : vector<16xi32>
        %add3A_508 = arith.addi %and3A_507, %broadcast_in_dim3A_187 : vector<16xi32>
        %shift_right_logical3A_509 = arith.constant 16 : i32
        %shift_right_logical3A_510 = vector.broadcast %shift_right_logical3A_509 : i32 to vector<16xi32>
        %shift_right_logical3A_511 = arith.shrui %get3A_482, %shift_right_logical3A_510 : vector<16xi32>
        %add3A_512 = arith.addi %shift_right_logical3A_511, %broadcast_in_dim3A_187 : vector<16xi32>
        %and3A_513 = arith.andi %get3A_485, %broadcast_in_dim3A_13 : vector<16xi32>
        %add3A_514 = arith.addi %and3A_513, %broadcast_in_dim3A_187 : vector<16xi32>
        %shift_right_logical3A_515 = arith.constant 16 : i32
        %shift_right_logical3A_516 = vector.broadcast %shift_right_logical3A_515 : i32 to vector<16xi32>
        %shift_right_logical3A_517 = arith.shrui %get3A_485, %shift_right_logical3A_516 : vector<16xi32>
        %add3A_518 = arith.addi %shift_right_logical3A_517, %broadcast_in_dim3A_187 : vector<16xi32>
        %and3A_519 = arith.andi %get3A_488, %broadcast_in_dim3A_13 : vector<16xi32>
        %add3A_520 = arith.addi %and3A_519, %broadcast_in_dim3A_187 : vector<16xi32>
        %shift_right_logical3A_521 = arith.constant 16 : i32
        %shift_right_logical3A_522 = vector.broadcast %shift_right_logical3A_521 : i32 to vector<16xi32>
        %shift_right_logical3A_523 = arith.shrui %get3A_488, %shift_right_logical3A_522 : vector<16xi32>
        %add3A_524 = arith.addi %shift_right_logical3A_523, %broadcast_in_dim3A_187 : vector<16xi32>
        %and3A_525 = arith.andi %get3A_491, %broadcast_in_dim3A_13 : vector<16xi32>
        %add3A_526 = arith.addi %and3A_525, %broadcast_in_dim3A_187 : vector<16xi32>
        %shift_right_logical3A_527 = arith.constant 16 : i32
        %shift_right_logical3A_528 = vector.broadcast %shift_right_logical3A_527 : i32 to vector<16xi32>
        %shift_right_logical3A_529 = arith.shrui %get3A_491, %shift_right_logical3A_528 : vector<16xi32>
        %add3A_530 = arith.addi %shift_right_logical3A_529, %broadcast_in_dim3A_187 : vector<16xi32>
        %and3A_531 = arith.andi %get3A_494, %broadcast_in_dim3A_13 : vector<16xi32>
        %add3A_532 = arith.addi %and3A_531, %broadcast_in_dim3A_187 : vector<16xi32>
        %shift_right_logical3A_533 = arith.constant 16 : i32
        %shift_right_logical3A_534 = vector.broadcast %shift_right_logical3A_533 : i32 to vector<16xi32>
        %shift_right_logical3A_535 = arith.shrui %get3A_494, %shift_right_logical3A_534 : vector<16xi32>
        %add3A_536 = arith.addi %shift_right_logical3A_535, %broadcast_in_dim3A_187 : vector<16xi32>
        %and3A_537 = arith.andi %get3A_497, %broadcast_in_dim3A_13 : vector<16xi32>
        %add3A_538 = arith.addi %and3A_537, %broadcast_in_dim3A_187 : vector<16xi32>
        %shift_right_logical3A_539 = arith.constant 16 : i32
        %shift_right_logical3A_540 = vector.broadcast %shift_right_logical3A_539 : i32 to vector<16xi32>
        %shift_right_logical3A_541 = arith.shrui %get3A_497, %shift_right_logical3A_540 : vector<16xi32>
        %add3A_542 = arith.addi %shift_right_logical3A_541, %broadcast_in_dim3A_187 : vector<16xi32>
        %and3A_543 = arith.andi %get3A_500, %broadcast_in_dim3A_13 : vector<16xi32>
        %add3A_544 = arith.addi %and3A_543, %broadcast_in_dim3A_187 : vector<16xi32>
        %shift_right_logical3A_545 = arith.constant 16 : i32
        %shift_right_logical3A_546 = vector.broadcast %shift_right_logical3A_545 : i32 to vector<16xi32>
        %shift_right_logical3A_547 = arith.shrui %get3A_500, %shift_right_logical3A_546 : vector<16xi32>
        %add3A_548 = arith.addi %shift_right_logical3A_547, %broadcast_in_dim3A_187 : vector<16xi32>
        tpu.vector_store_idx %arg8[%add3A_502], %broadcast_in_dim3A_11 {add = true} : memref<77824xi32, #tpu.memory_space<vmem>>[vector<16xi32>], vector<16xi32>,
        tpu.vector_store_idx %arg8[%add3A_506], %broadcast_in_dim3A_11 {add = true} : memref<77824xi32, #tpu.memory_space<vmem>>[vector<16xi32>], vector<16xi32>,
        tpu.vector_store_idx %arg8[%add3A_508], %broadcast_in_dim3A_11 {add = true} : memref<77824xi32, #tpu.memory_space<vmem>>[vector<16xi32>], vector<16xi32>,
        tpu.vector_store_idx %arg8[%add3A_512], %broadcast_in_dim3A_11 {add = true} : memref<77824xi32, #tpu.memory_space<vmem>>[vector<16xi32>], vector<16xi32>,
        tpu.vector_store_idx %arg8[%add3A_514], %broadcast_in_dim3A_11 {add = true} : memref<77824xi32, #tpu.memory_space<vmem>>[vector<16xi32>], vector<16xi32>,
        tpu.vector_store_idx %arg8[%add3A_518], %broadcast_in_dim3A_11 {add = true} : memref<77824xi32, #tpu.memory_space<vmem>>[vector<16xi32>], vector<16xi32>,
        tpu.vector_store_idx %arg8[%add3A_520], %broadcast_in_dim3A_11 {add = true} : memref<77824xi32, #tpu.memory_space<vmem>>[vector<16xi32>], vector<16xi32>,
        tpu.vector_store_idx %arg8[%add3A_524], %broadcast_in_dim3A_11 {add = true} : memref<77824xi32, #tpu.memory_space<vmem>>[vector<16xi32>], vector<16xi32>,
        tpu.vector_store_idx %arg8[%add3A_526], %broadcast_in_dim3A_11 {add = true} : memref<77824xi32, #tpu.memory_space<vmem>>[vector<16xi32>], vector<16xi32>,
        tpu.vector_store_idx %arg8[%add3A_530], %broadcast_in_dim3A_11 {add = true} : memref<77824xi32, #tpu.memory_space<vmem>>[vector<16xi32>], vector<16xi32>,
        tpu.vector_store_idx %arg8[%add3A_532], %broadcast_in_dim3A_11 {add = true} : memref<77824xi32, #tpu.memory_space<vmem>>[vector<16xi32>], vector<16xi32>,
        tpu.vector_store_idx %arg8[%add3A_536], %broadcast_in_dim3A_11 {add = true} : memref<77824xi32, #tpu.memory_space<vmem>>[vector<16xi32>], vector<16xi32>,
        tpu.vector_store_idx %arg8[%add3A_538], %broadcast_in_dim3A_11 {add = true} : memref<77824xi32, #tpu.memory_space<vmem>>[vector<16xi32>], vector<16xi32>,
        tpu.vector_store_idx %arg8[%add3A_542], %broadcast_in_dim3A_11 {add = true} : memref<77824xi32, #tpu.memory_space<vmem>>[vector<16xi32>], vector<16xi32>,
        tpu.vector_store_idx %arg8[%add3A_544], %broadcast_in_dim3A_11 {add = true} : memref<77824xi32, #tpu.memory_space<vmem>>[vector<16xi32>], vector<16xi32>,
        tpu.vector_store_idx %arg8[%add3A_548], %broadcast_in_dim3A_11 {add = true} : memref<77824xi32, #tpu.memory_space<vmem>>[vector<16xi32>], vector<16xi32>,
        %scan3A_549 = arith.constant 0 : i32
        scf.yield %scan3A_549 : i32
      }
      %scan3A_194 = arith.constant 8 : i32
      %add3A_195 = arith.constant 2 : i32
      %add3A_196 = arith.addi %mul3A_47, %add3A_195 : i32
      %add3A_197 = arith.constant 4 : i32
      %add3A_198 = arith.addi %add3A_196, %add3A_197 : i32
      %lt3A_199 = arith.constant 76 : i32
      %lt3A_200 = arith.cmpi slt, %add3A_198, %lt3A_199 : i32
      %convert_element_type3A_201 = arith.extui %lt3A_200 : i1 to i32
      %cond3A_202 = arith.constant 0 : i32
      %cond3A_203 = arith.cmpi ne, %convert_element_type3A_201, %cond3A_202 : i32
      scf.if %cond3A_203 {
        %add3A_261 = arith.constant 2 : i32
        %add3A_262 = arith.addi %mul3A_47, %add3A_261 : i32
        %add3A_263 = arith.constant 4 : i32
        %add3A_264 = arith.addi %add3A_262, %add3A_263 : i32
        %mul3A_265 = arith.constant 8 : i32
        %mul3A_266 = arith.muli %add3A_264, %mul3A_265 : i32
        %add3A_267 = arith.addi %mul3A_2, %mul3A_266 : i32
        %dma_start3A_268 = arith.constant 0 : i32
        %dma_start3A_269 = tpu.memref_slice %arg2[%add3A_267, %dma_start3A_268] : memref<19456x512xi32, #tpu.memory_space<hbm>> -> memref<8x512xi32, #tpu.memory_space<hbm>>
        %dma_start3A_270 = arith.constant 0 : i32
        %dma_start3A_271 = tpu.memref_slice %arg2[%add3A_267, %dma_start3A_270] : memref<19456x512xi32, #tpu.memory_space<hbm>> -> memref<8x512xi32, #tpu.memory_space<hbm>>
        tpu.enqueue_dma source(%dma_start3A_271 : memref<8x512xi32, #tpu.memory_space<hbm>>) target(%arg6 : memref<8x512xi32, #tpu.memory_space<vmem>>) target_semaphore(%arg11 : memref<!tpu.dma_semaphore, #tpu.memory_space<semaphore_mem>>)
      } else {
      }
      %dma_wait3A_204 = arith.constant 0 : i32
      %dma_wait3A_205 = arith.constant 0 : i32
      %dma_wait3A_206 = tpu.memref_slice %arg2[%dma_wait3A_204, %dma_wait3A_205] : memref<19456x512xi32, #tpu.memory_space<hbm>> -> memref<8x512xi32, #tpu.memory_space<hbm>>
      %dma_wait3A_207 = arith.constant 0 : i32
      %dma_wait3A_208 = arith.constant 0 : i32
      %dma_wait3A_209 = tpu.memref_slice %arg2[%dma_wait3A_207, %dma_wait3A_208] : memref<19456x512xi32, #tpu.memory_space<hbm>> -> memref<8x512xi32, #tpu.memory_space<hbm>>
      tpu.wait_dma2 semaphore(%arg12 : memref<!tpu.dma_semaphore, #tpu.memory_space<semaphore_mem>>) src(%dma_wait3A_209 : memref<8x512xi32, #tpu.memory_space<hbm>>) dst(%arg7 : memref<8x512xi32, #tpu.memory_space<vmem>>)
      %add3A_210 = arith.constant 3 : i32
      %add3A_211 = arith.addi %mul3A_47, %add3A_210 : i32
      %mul3A_212 = arith.constant 8 : i32
      %mul3A_213 = arith.muli %add3A_211, %mul3A_212 : i32
      %add3A_214 = arith.addi %mul3A_2, %mul3A_213 : i32
      %rem3A_215 = arith.constant 608 : i32
      %rem3A_216 = arith.remsi %add3A_214, %rem3A_215 : i32
      %jit3A_217 = arith.constant 32 : i32
      %div3A_218 = arith.divsi %rem3A_216, %jit3A_217 : i32
      %sign3A_219 = arith.constant 0 : i32
      %sign3A_220 = arith.cmpi sgt, %rem3A_216, %sign3A_219 : i32
      %sign3A_221 = arith.extui %sign3A_220 : i1 to i32
      %sign3A_222 = arith.constant 0 : i32
      %sign3A_223 = arith.cmpi slt, %rem3A_216, %sign3A_222 : i32
      %sign3A_224 = arith.extui %sign3A_223 : i1 to i32
      %sign3A_225 = arith.subi %sign3A_221, %sign3A_224 : i32
      %sign3A_226 = arith.constant 0 : i32
      %sign3A_227 = arith.cmpi sgt, %jit3A_217, %sign3A_226 : i32
      %sign3A_228 = arith.extui %sign3A_227 : i1 to i32
      %sign3A_229 = arith.constant 0 : i32
      %sign3A_230 = arith.cmpi slt, %jit3A_217, %sign3A_229 : i32
      %sign3A_231 = arith.extui %sign3A_230 : i1 to i32
      %sign3A_232 = arith.subi %sign3A_228, %sign3A_231 : i32
      %ne3A_233 = arith.cmpi ne, %sign3A_225, %sign3A_232 : i32
      %rem3A_234 = arith.remsi %rem3A_216, %jit3A_217 : i32
      %ne3A_235 = arith.constant 0 : i32
      %ne3A_236 = arith.cmpi ne, %rem3A_234, %ne3A_235 : i32
      %and3A_237 = arith.andi %ne3A_233, %ne3A_236 : i1
      %sub3A_238 = arith.constant 1 : i32
      %sub3A_239 = arith.subi %div3A_218, %sub3A_238 : i32
      %select_n3A_240 = arith.select %and3A_237, %sub3A_239, %div3A_218 : i32
      %mul3A_241 = arith.constant 4096 : i32
      %mul3A_242 = arith.muli %select_n3A_240, %mul3A_241 : i32
      %broadcast_in_dim3A_243 = vector.broadcast %mul3A_242 : i32 to vector<16xi32>
      %scan3A_244 = arith.constant 0 : i32
      %scan3A_245 = arith.constant 0 : i32
      %scan3A_246 = arith.constant 8 : i32
      %scan3A_247 = arith.addi %scan3A_245, %scan3A_246 : i32
      %scan3A_248 = arith.constant 1 : i32
      %scan3A_249 = scf.for %scan3A_261 = %scan3A_245 to %scan3A_247 step %scan3A_248 iter_args(%scan3A_262 = %scan3A_244) -> (i32)  : i32 {
        %get3A = arith.index_cast %scan3A_261 : i32 to index
        %get3A_263 = arith.constant 0 : index
        %get3A_264 = tpu.vector_load %arg7[%get3A, %get3A_263] {strides = array<i32>} : memref<8x512xi32, #tpu.memory_space<vmem>>, vector<16xi32>,
        %get3A_265 = arith.index_cast %scan3A_261 : i32 to index
        %get3A_266 = arith.constant 16 : index
        %get3A_267 = tpu.vector_load %arg7[%get3A_265, %get3A_266] {strides = array<i32>} : memref<8x512xi32, #tpu.memory_space<vmem>>, vector<16xi32>,
        %get3A_268 = arith.index_cast %scan3A_261 : i32 to index
        %get3A_269 = arith.constant 32 : index
        %get3A_270 = tpu.vector_load %arg7[%get3A_268, %get3A_269] {strides = array<i32>} : memref<8x512xi32, #tpu.memory_space<vmem>>, vector<16xi32>,
        %get3A_271 = arith.index_cast %scan3A_261 : i32 to index
        %get3A_272 = arith.constant 48 : index
        %get3A_273 = tpu.vector_load %arg7[%get3A_271, %get3A_272] {strides = array<i32>} : memref<8x512xi32, #tpu.memory_space<vmem>>, vector<16xi32>,
        %get3A_274 = arith.index_cast %scan3A_261 : i32 to index
        %get3A_275 = arith.constant 64 : index
        %get3A_276 = tpu.vector_load %arg7[%get3A_274, %get3A_275] {strides = array<i32>} : memref<8x512xi32, #tpu.memory_space<vmem>>, vector<16xi32>,
        %get3A_277 = arith.index_cast %scan3A_261 : i32 to index
        %get3A_278 = arith.constant 80 : index
        %get3A_279 = tpu.vector_load %arg7[%get3A_277, %get3A_278] {strides = array<i32>} : memref<8x512xi32, #tpu.memory_space<vmem>>, vector<16xi32>,
        %get3A_280 = arith.index_cast %scan3A_261 : i32 to index
        %get3A_281 = arith.constant 96 : index
        %get3A_282 = tpu.vector_load %arg7[%get3A_280, %get3A_281] {strides = array<i32>} : memref<8x512xi32, #tpu.memory_space<vmem>>, vector<16xi32>,
        %get3A_283 = arith.index_cast %scan3A_261 : i32 to index
        %get3A_284 = arith.constant 112 : index
        %get3A_285 = tpu.vector_load %arg7[%get3A_283, %get3A_284] {strides = array<i32>} : memref<8x512xi32, #tpu.memory_space<vmem>>, vector<16xi32>,
        %and3A_286 = arith.andi %get3A_264, %broadcast_in_dim3A_13 : vector<16xi32>
        %add3A_287 = arith.addi %and3A_286, %broadcast_in_dim3A_243 : vector<16xi32>
        %shift_right_logical3A = arith.constant 16 : i32
        %shift_right_logical3A_288 = vector.broadcast %shift_right_logical3A : i32 to vector<16xi32>
        %shift_right_logical3A_289 = arith.shrui %get3A_264, %shift_right_logical3A_288 : vector<16xi32>
        %add3A_290 = arith.addi %shift_right_logical3A_289, %broadcast_in_dim3A_243 : vector<16xi32>
        %and3A_291 = arith.andi %get3A_267, %broadcast_in_dim3A_13 : vector<16xi32>
        %add3A_292 = arith.addi %and3A_291, %broadcast_in_dim3A_243 : vector<16xi32>
        %shift_right_logical3A_293 = arith.constant 16 : i32
        %shift_right_logical3A_294 = vector.broadcast %shift_right_logical3A_293 : i32 to vector<16xi32>
        %shift_right_logical3A_295 = arith.shrui %get3A_267, %shift_right_logical3A_294 : vector<16xi32>
        %add3A_296 = arith.addi %shift_right_logical3A_295, %broadcast_in_dim3A_243 : vector<16xi32>
        %and3A_297 = arith.andi %get3A_270, %broadcast_in_dim3A_13 : vector<16xi32>
        %add3A_298 = arith.addi %and3A_297, %broadcast_in_dim3A_243 : vector<16xi32>
        %shift_right_logical3A_299 = arith.constant 16 : i32
        %shift_right_logical3A_300 = vector.broadcast %shift_right_logical3A_299 : i32 to vector<16xi32>
        %shift_right_logical3A_301 = arith.shrui %get3A_270, %shift_right_logical3A_300 : vector<16xi32>
        %add3A_302 = arith.addi %shift_right_logical3A_301, %broadcast_in_dim3A_243 : vector<16xi32>
        %and3A_303 = arith.andi %get3A_273, %broadcast_in_dim3A_13 : vector<16xi32>
        %add3A_304 = arith.addi %and3A_303, %broadcast_in_dim3A_243 : vector<16xi32>
        %shift_right_logical3A_305 = arith.constant 16 : i32
        %shift_right_logical3A_306 = vector.broadcast %shift_right_logical3A_305 : i32 to vector<16xi32>
        %shift_right_logical3A_307 = arith.shrui %get3A_273, %shift_right_logical3A_306 : vector<16xi32>
        %add3A_308 = arith.addi %shift_right_logical3A_307, %broadcast_in_dim3A_243 : vector<16xi32>
        %and3A_309 = arith.andi %get3A_276, %broadcast_in_dim3A_13 : vector<16xi32>
        %add3A_310 = arith.addi %and3A_309, %broadcast_in_dim3A_243 : vector<16xi32>
        %shift_right_logical3A_311 = arith.constant 16 : i32
        %shift_right_logical3A_312 = vector.broadcast %shift_right_logical3A_311 : i32 to vector<16xi32>
        %shift_right_logical3A_313 = arith.shrui %get3A_276, %shift_right_logical3A_312 : vector<16xi32>
        %add3A_314 = arith.addi %shift_right_logical3A_313, %broadcast_in_dim3A_243 : vector<16xi32>
        %and3A_315 = arith.andi %get3A_279, %broadcast_in_dim3A_13 : vector<16xi32>
        %add3A_316 = arith.addi %and3A_315, %broadcast_in_dim3A_243 : vector<16xi32>
        %shift_right_logical3A_317 = arith.constant 16 : i32
        %shift_right_logical3A_318 = vector.broadcast %shift_right_logical3A_317 : i32 to vector<16xi32>
        %shift_right_logical3A_319 = arith.shrui %get3A_279, %shift_right_logical3A_318 : vector<16xi32>
        %add3A_320 = arith.addi %shift_right_logical3A_319, %broadcast_in_dim3A_243 : vector<16xi32>
        %and3A_321 = arith.andi %get3A_282, %broadcast_in_dim3A_13 : vector<16xi32>
        %add3A_322 = arith.addi %and3A_321, %broadcast_in_dim3A_243 : vector<16xi32>
        %shift_right_logical3A_323 = arith.constant 16 : i32
        %shift_right_logical3A_324 = vector.broadcast %shift_right_logical3A_323 : i32 to vector<16xi32>
        %shift_right_logical3A_325 = arith.shrui %get3A_282, %shift_right_logical3A_324 : vector<16xi32>
        %add3A_326 = arith.addi %shift_right_logical3A_325, %broadcast_in_dim3A_243 : vector<16xi32>
        %and3A_327 = arith.andi %get3A_285, %broadcast_in_dim3A_13 : vector<16xi32>
        %add3A_328 = arith.addi %and3A_327, %broadcast_in_dim3A_243 : vector<16xi32>
        %shift_right_logical3A_329 = arith.constant 16 : i32
        %shift_right_logical3A_330 = vector.broadcast %shift_right_logical3A_329 : i32 to vector<16xi32>
        %shift_right_logical3A_331 = arith.shrui %get3A_285, %shift_right_logical3A_330 : vector<16xi32>
        %add3A_332 = arith.addi %shift_right_logical3A_331, %broadcast_in_dim3A_243 : vector<16xi32>
        tpu.vector_store_idx %arg8[%add3A_287], %broadcast_in_dim3A_11 {add = true} : memref<77824xi32, #tpu.memory_space<vmem>>[vector<16xi32>], vector<16xi32>,
        tpu.vector_store_idx %arg8[%add3A_290], %broadcast_in_dim3A_11 {add = true} : memref<77824xi32, #tpu.memory_space<vmem>>[vector<16xi32>], vector<16xi32>,
        tpu.vector_store_idx %arg8[%add3A_292], %broadcast_in_dim3A_11 {add = true} : memref<77824xi32, #tpu.memory_space<vmem>>[vector<16xi32>], vector<16xi32>,
        tpu.vector_store_idx %arg8[%add3A_296], %broadcast_in_dim3A_11 {add = true} : memref<77824xi32, #tpu.memory_space<vmem>>[vector<16xi32>], vector<16xi32>,
        tpu.vector_store_idx %arg8[%add3A_298], %broadcast_in_dim3A_11 {add = true} : memref<77824xi32, #tpu.memory_space<vmem>>[vector<16xi32>], vector<16xi32>,
        tpu.vector_store_idx %arg8[%add3A_302], %broadcast_in_dim3A_11 {add = true} : memref<77824xi32, #tpu.memory_space<vmem>>[vector<16xi32>], vector<16xi32>,
        tpu.vector_store_idx %arg8[%add3A_304], %broadcast_in_dim3A_11 {add = true} : memref<77824xi32, #tpu.memory_space<vmem>>[vector<16xi32>], vector<16xi32>,
        tpu.vector_store_idx %arg8[%add3A_308], %broadcast_in_dim3A_11 {add = true} : memref<77824xi32, #tpu.memory_space<vmem>>[vector<16xi32>], vector<16xi32>,
        tpu.vector_store_idx %arg8[%add3A_310], %broadcast_in_dim3A_11 {add = true} : memref<77824xi32, #tpu.memory_space<vmem>>[vector<16xi32>], vector<16xi32>,
        tpu.vector_store_idx %arg8[%add3A_314], %broadcast_in_dim3A_11 {add = true} : memref<77824xi32, #tpu.memory_space<vmem>>[vector<16xi32>], vector<16xi32>,
        tpu.vector_store_idx %arg8[%add3A_316], %broadcast_in_dim3A_11 {add = true} : memref<77824xi32, #tpu.memory_space<vmem>>[vector<16xi32>], vector<16xi32>,
        tpu.vector_store_idx %arg8[%add3A_320], %broadcast_in_dim3A_11 {add = true} : memref<77824xi32, #tpu.memory_space<vmem>>[vector<16xi32>], vector<16xi32>,
        tpu.vector_store_idx %arg8[%add3A_322], %broadcast_in_dim3A_11 {add = true} : memref<77824xi32, #tpu.memory_space<vmem>>[vector<16xi32>], vector<16xi32>,
        tpu.vector_store_idx %arg8[%add3A_326], %broadcast_in_dim3A_11 {add = true} : memref<77824xi32, #tpu.memory_space<vmem>>[vector<16xi32>], vector<16xi32>,
        tpu.vector_store_idx %arg8[%add3A_328], %broadcast_in_dim3A_11 {add = true} : memref<77824xi32, #tpu.memory_space<vmem>>[vector<16xi32>], vector<16xi32>,
        tpu.vector_store_idx %arg8[%add3A_332], %broadcast_in_dim3A_11 {add = true} : memref<77824xi32, #tpu.memory_space<vmem>>[vector<16xi32>], vector<16xi32>,
        %get3A_333 = arith.index_cast %scan3A_261 : i32 to index
        %get3A_334 = arith.constant 128 : index
        %get3A_335 = tpu.vector_load %arg7[%get3A_333, %get3A_334] {strides = array<i32>} : memref<8x512xi32, #tpu.memory_space<vmem>>, vector<16xi32>,
        %get3A_336 = arith.index_cast %scan3A_261 : i32 to index
        %get3A_337 = arith.constant 144 : index
        %get3A_338 = tpu.vector_load %arg7[%get3A_336, %get3A_337] {strides = array<i32>} : memref<8x512xi32, #tpu.memory_space<vmem>>, vector<16xi32>,
        %get3A_339 = arith.index_cast %scan3A_261 : i32 to index
        %get3A_340 = arith.constant 160 : index
        %get3A_341 = tpu.vector_load %arg7[%get3A_339, %get3A_340] {strides = array<i32>} : memref<8x512xi32, #tpu.memory_space<vmem>>, vector<16xi32>,
        %get3A_342 = arith.index_cast %scan3A_261 : i32 to index
        %get3A_343 = arith.constant 176 : index
        %get3A_344 = tpu.vector_load %arg7[%get3A_342, %get3A_343] {strides = array<i32>} : memref<8x512xi32, #tpu.memory_space<vmem>>, vector<16xi32>,
        %get3A_345 = arith.index_cast %scan3A_261 : i32 to index
        %get3A_346 = arith.constant 192 : index
        %get3A_347 = tpu.vector_load %arg7[%get3A_345, %get3A_346] {strides = array<i32>} : memref<8x512xi32, #tpu.memory_space<vmem>>, vector<16xi32>,
        %get3A_348 = arith.index_cast %scan3A_261 : i32 to index
        %get3A_349 = arith.constant 208 : index
        %get3A_350 = tpu.vector_load %arg7[%get3A_348, %get3A_349] {strides = array<i32>} : memref<8x512xi32, #tpu.memory_space<vmem>>, vector<16xi32>,
        %get3A_351 = arith.index_cast %scan3A_261 : i32 to index
        %get3A_352 = arith.constant 224 : index
        %get3A_353 = tpu.vector_load %arg7[%get3A_351, %get3A_352] {strides = array<i32>} : memref<8x512xi32, #tpu.memory_space<vmem>>, vector<16xi32>,
        %get3A_354 = arith.index_cast %scan3A_261 : i32 to index
        %get3A_355 = arith.constant 240 : index
        %get3A_356 = tpu.vector_load %arg7[%get3A_354, %get3A_355] {strides = array<i32>} : memref<8x512xi32, #tpu.memory_space<vmem>>, vector<16xi32>,
        %and3A_357 = arith.andi %get3A_335, %broadcast_in_dim3A_13 : vector<16xi32>
        %add3A_358 = arith.addi %and3A_357, %broadcast_in_dim3A_243 : vector<16xi32>
        %shift_right_logical3A_359 = arith.constant 16 : i32
        %shift_right_logical3A_360 = vector.broadcast %shift_right_logical3A_359 : i32 to vector<16xi32>
        %shift_right_logical3A_361 = arith.shrui %get3A_335, %shift_right_logical3A_360 : vector<16xi32>
        %add3A_362 = arith.addi %shift_right_logical3A_361, %broadcast_in_dim3A_243 : vector<16xi32>
        %and3A_363 = arith.andi %get3A_338, %broadcast_in_dim3A_13 : vector<16xi32>
        %add3A_364 = arith.addi %and3A_363, %broadcast_in_dim3A_243 : vector<16xi32>
        %shift_right_logical3A_365 = arith.constant 16 : i32
        %shift_right_logical3A_366 = vector.broadcast %shift_right_logical3A_365 : i32 to vector<16xi32>
        %shift_right_logical3A_367 = arith.shrui %get3A_338, %shift_right_logical3A_366 : vector<16xi32>
        %add3A_368 = arith.addi %shift_right_logical3A_367, %broadcast_in_dim3A_243 : vector<16xi32>
        %and3A_369 = arith.andi %get3A_341, %broadcast_in_dim3A_13 : vector<16xi32>
        %add3A_370 = arith.addi %and3A_369, %broadcast_in_dim3A_243 : vector<16xi32>
        %shift_right_logical3A_371 = arith.constant 16 : i32
        %shift_right_logical3A_372 = vector.broadcast %shift_right_logical3A_371 : i32 to vector<16xi32>
        %shift_right_logical3A_373 = arith.shrui %get3A_341, %shift_right_logical3A_372 : vector<16xi32>
        %add3A_374 = arith.addi %shift_right_logical3A_373, %broadcast_in_dim3A_243 : vector<16xi32>
        %and3A_375 = arith.andi %get3A_344, %broadcast_in_dim3A_13 : vector<16xi32>
        %add3A_376 = arith.addi %and3A_375, %broadcast_in_dim3A_243 : vector<16xi32>
        %shift_right_logical3A_377 = arith.constant 16 : i32
        %shift_right_logical3A_378 = vector.broadcast %shift_right_logical3A_377 : i32 to vector<16xi32>
        %shift_right_logical3A_379 = arith.shrui %get3A_344, %shift_right_logical3A_378 : vector<16xi32>
        %add3A_380 = arith.addi %shift_right_logical3A_379, %broadcast_in_dim3A_243 : vector<16xi32>
        %and3A_381 = arith.andi %get3A_347, %broadcast_in_dim3A_13 : vector<16xi32>
        %add3A_382 = arith.addi %and3A_381, %broadcast_in_dim3A_243 : vector<16xi32>
        %shift_right_logical3A_383 = arith.constant 16 : i32
        %shift_right_logical3A_384 = vector.broadcast %shift_right_logical3A_383 : i32 to vector<16xi32>
        %shift_right_logical3A_385 = arith.shrui %get3A_347, %shift_right_logical3A_384 : vector<16xi32>
        %add3A_386 = arith.addi %shift_right_logical3A_385, %broadcast_in_dim3A_243 : vector<16xi32>
        %and3A_387 = arith.andi %get3A_350, %broadcast_in_dim3A_13 : vector<16xi32>
        %add3A_388 = arith.addi %and3A_387, %broadcast_in_dim3A_243 : vector<16xi32>
        %shift_right_logical3A_389 = arith.constant 16 : i32
        %shift_right_logical3A_390 = vector.broadcast %shift_right_logical3A_389 : i32 to vector<16xi32>
        %shift_right_logical3A_391 = arith.shrui %get3A_350, %shift_right_logical3A_390 : vector<16xi32>
        %add3A_392 = arith.addi %shift_right_logical3A_391, %broadcast_in_dim3A_243 : vector<16xi32>
        %and3A_393 = arith.andi %get3A_353, %broadcast_in_dim3A_13 : vector<16xi32>
        %add3A_394 = arith.addi %and3A_393, %broadcast_in_dim3A_243 : vector<16xi32>
        %shift_right_logical3A_395 = arith.constant 16 : i32
        %shift_right_logical3A_396 = vector.broadcast %shift_right_logical3A_395 : i32 to vector<16xi32>
        %shift_right_logical3A_397 = arith.shrui %get3A_353, %shift_right_logical3A_396 : vector<16xi32>
        %add3A_398 = arith.addi %shift_right_logical3A_397, %broadcast_in_dim3A_243 : vector<16xi32>
        %and3A_399 = arith.andi %get3A_356, %broadcast_in_dim3A_13 : vector<16xi32>
        %add3A_400 = arith.addi %and3A_399, %broadcast_in_dim3A_243 : vector<16xi32>
        %shift_right_logical3A_401 = arith.constant 16 : i32
        %shift_right_logical3A_402 = vector.broadcast %shift_right_logical3A_401 : i32 to vector<16xi32>
        %shift_right_logical3A_403 = arith.shrui %get3A_356, %shift_right_logical3A_402 : vector<16xi32>
        %add3A_404 = arith.addi %shift_right_logical3A_403, %broadcast_in_dim3A_243 : vector<16xi32>
        tpu.vector_store_idx %arg8[%add3A_358], %broadcast_in_dim3A_11 {add = true} : memref<77824xi32, #tpu.memory_space<vmem>>[vector<16xi32>], vector<16xi32>,
        tpu.vector_store_idx %arg8[%add3A_362], %broadcast_in_dim3A_11 {add = true} : memref<77824xi32, #tpu.memory_space<vmem>>[vector<16xi32>], vector<16xi32>,
        tpu.vector_store_idx %arg8[%add3A_364], %broadcast_in_dim3A_11 {add = true} : memref<77824xi32, #tpu.memory_space<vmem>>[vector<16xi32>], vector<16xi32>,
        tpu.vector_store_idx %arg8[%add3A_368], %broadcast_in_dim3A_11 {add = true} : memref<77824xi32, #tpu.memory_space<vmem>>[vector<16xi32>], vector<16xi32>,
        tpu.vector_store_idx %arg8[%add3A_370], %broadcast_in_dim3A_11 {add = true} : memref<77824xi32, #tpu.memory_space<vmem>>[vector<16xi32>], vector<16xi32>,
        tpu.vector_store_idx %arg8[%add3A_374], %broadcast_in_dim3A_11 {add = true} : memref<77824xi32, #tpu.memory_space<vmem>>[vector<16xi32>], vector<16xi32>,
        tpu.vector_store_idx %arg8[%add3A_376], %broadcast_in_dim3A_11 {add = true} : memref<77824xi32, #tpu.memory_space<vmem>>[vector<16xi32>], vector<16xi32>,
        tpu.vector_store_idx %arg8[%add3A_380], %broadcast_in_dim3A_11 {add = true} : memref<77824xi32, #tpu.memory_space<vmem>>[vector<16xi32>], vector<16xi32>,
        tpu.vector_store_idx %arg8[%add3A_382], %broadcast_in_dim3A_11 {add = true} : memref<77824xi32, #tpu.memory_space<vmem>>[vector<16xi32>], vector<16xi32>,
        tpu.vector_store_idx %arg8[%add3A_386], %broadcast_in_dim3A_11 {add = true} : memref<77824xi32, #tpu.memory_space<vmem>>[vector<16xi32>], vector<16xi32>,
        tpu.vector_store_idx %arg8[%add3A_388], %broadcast_in_dim3A_11 {add = true} : memref<77824xi32, #tpu.memory_space<vmem>>[vector<16xi32>], vector<16xi32>,
        tpu.vector_store_idx %arg8[%add3A_392], %broadcast_in_dim3A_11 {add = true} : memref<77824xi32, #tpu.memory_space<vmem>>[vector<16xi32>], vector<16xi32>,
        tpu.vector_store_idx %arg8[%add3A_394], %broadcast_in_dim3A_11 {add = true} : memref<77824xi32, #tpu.memory_space<vmem>>[vector<16xi32>], vector<16xi32>,
        tpu.vector_store_idx %arg8[%add3A_398], %broadcast_in_dim3A_11 {add = true} : memref<77824xi32, #tpu.memory_space<vmem>>[vector<16xi32>], vector<16xi32>,
        tpu.vector_store_idx %arg8[%add3A_400], %broadcast_in_dim3A_11 {add = true} : memref<77824xi32, #tpu.memory_space<vmem>>[vector<16xi32>], vector<16xi32>,
        tpu.vector_store_idx %arg8[%add3A_404], %broadcast_in_dim3A_11 {add = true} : memref<77824xi32, #tpu.memory_space<vmem>>[vector<16xi32>], vector<16xi32>,
        %get3A_405 = arith.index_cast %scan3A_261 : i32 to index
        %get3A_406 = arith.constant 256 : index
        %get3A_407 = tpu.vector_load %arg7[%get3A_405, %get3A_406] {strides = array<i32>} : memref<8x512xi32, #tpu.memory_space<vmem>>, vector<16xi32>,
        %get3A_408 = arith.index_cast %scan3A_261 : i32 to index
        %get3A_409 = arith.constant 272 : index
        %get3A_410 = tpu.vector_load %arg7[%get3A_408, %get3A_409] {strides = array<i32>} : memref<8x512xi32, #tpu.memory_space<vmem>>, vector<16xi32>,
        %get3A_411 = arith.index_cast %scan3A_261 : i32 to index
        %get3A_412 = arith.constant 288 : index
        %get3A_413 = tpu.vector_load %arg7[%get3A_411, %get3A_412] {strides = array<i32>} : memref<8x512xi32, #tpu.memory_space<vmem>>, vector<16xi32>,
        %get3A_414 = arith.index_cast %scan3A_261 : i32 to index
        %get3A_415 = arith.constant 304 : index
        %get3A_416 = tpu.vector_load %arg7[%get3A_414, %get3A_415] {strides = array<i32>} : memref<8x512xi32, #tpu.memory_space<vmem>>, vector<16xi32>,
        %get3A_417 = arith.index_cast %scan3A_261 : i32 to index
        %get3A_418 = arith.constant 320 : index
        %get3A_419 = tpu.vector_load %arg7[%get3A_417, %get3A_418] {strides = array<i32>} : memref<8x512xi32, #tpu.memory_space<vmem>>, vector<16xi32>,
        %get3A_420 = arith.index_cast %scan3A_261 : i32 to index
        %get3A_421 = arith.constant 336 : index
        %get3A_422 = tpu.vector_load %arg7[%get3A_420, %get3A_421] {strides = array<i32>} : memref<8x512xi32, #tpu.memory_space<vmem>>, vector<16xi32>,
        %get3A_423 = arith.index_cast %scan3A_261 : i32 to index
        %get3A_424 = arith.constant 352 : index
        %get3A_425 = tpu.vector_load %arg7[%get3A_423, %get3A_424] {strides = array<i32>} : memref<8x512xi32, #tpu.memory_space<vmem>>, vector<16xi32>,
        %get3A_426 = arith.index_cast %scan3A_261 : i32 to index
        %get3A_427 = arith.constant 368 : index
        %get3A_428 = tpu.vector_load %arg7[%get3A_426, %get3A_427] {strides = array<i32>} : memref<8x512xi32, #tpu.memory_space<vmem>>, vector<16xi32>,
        %and3A_429 = arith.andi %get3A_407, %broadcast_in_dim3A_13 : vector<16xi32>
        %add3A_430 = arith.addi %and3A_429, %broadcast_in_dim3A_243 : vector<16xi32>
        %shift_right_logical3A_431 = arith.constant 16 : i32
        %shift_right_logical3A_432 = vector.broadcast %shift_right_logical3A_431 : i32 to vector<16xi32>
        %shift_right_logical3A_433 = arith.shrui %get3A_407, %shift_right_logical3A_432 : vector<16xi32>
        %add3A_434 = arith.addi %shift_right_logical3A_433, %broadcast_in_dim3A_243 : vector<16xi32>
        %and3A_435 = arith.andi %get3A_410, %broadcast_in_dim3A_13 : vector<16xi32>
        %add3A_436 = arith.addi %and3A_435, %broadcast_in_dim3A_243 : vector<16xi32>
        %shift_right_logical3A_437 = arith.constant 16 : i32
        %shift_right_logical3A_438 = vector.broadcast %shift_right_logical3A_437 : i32 to vector<16xi32>
        %shift_right_logical3A_439 = arith.shrui %get3A_410, %shift_right_logical3A_438 : vector<16xi32>
        %add3A_440 = arith.addi %shift_right_logical3A_439, %broadcast_in_dim3A_243 : vector<16xi32>
        %and3A_441 = arith.andi %get3A_413, %broadcast_in_dim3A_13 : vector<16xi32>
        %add3A_442 = arith.addi %and3A_441, %broadcast_in_dim3A_243 : vector<16xi32>
        %shift_right_logical3A_443 = arith.constant 16 : i32
        %shift_right_logical3A_444 = vector.broadcast %shift_right_logical3A_443 : i32 to vector<16xi32>
        %shift_right_logical3A_445 = arith.shrui %get3A_413, %shift_right_logical3A_444 : vector<16xi32>
        %add3A_446 = arith.addi %shift_right_logical3A_445, %broadcast_in_dim3A_243 : vector<16xi32>
        %and3A_447 = arith.andi %get3A_416, %broadcast_in_dim3A_13 : vector<16xi32>
        %add3A_448 = arith.addi %and3A_447, %broadcast_in_dim3A_243 : vector<16xi32>
        %shift_right_logical3A_449 = arith.constant 16 : i32
        %shift_right_logical3A_450 = vector.broadcast %shift_right_logical3A_449 : i32 to vector<16xi32>
        %shift_right_logical3A_451 = arith.shrui %get3A_416, %shift_right_logical3A_450 : vector<16xi32>
        %add3A_452 = arith.addi %shift_right_logical3A_451, %broadcast_in_dim3A_243 : vector<16xi32>
        %and3A_453 = arith.andi %get3A_419, %broadcast_in_dim3A_13 : vector<16xi32>
        %add3A_454 = arith.addi %and3A_453, %broadcast_in_dim3A_243 : vector<16xi32>
        %shift_right_logical3A_455 = arith.constant 16 : i32
        %shift_right_logical3A_456 = vector.broadcast %shift_right_logical3A_455 : i32 to vector<16xi32>
        %shift_right_logical3A_457 = arith.shrui %get3A_419, %shift_right_logical3A_456 : vector<16xi32>
        %add3A_458 = arith.addi %shift_right_logical3A_457, %broadcast_in_dim3A_243 : vector<16xi32>
        %and3A_459 = arith.andi %get3A_422, %broadcast_in_dim3A_13 : vector<16xi32>
        %add3A_460 = arith.addi %and3A_459, %broadcast_in_dim3A_243 : vector<16xi32>
        %shift_right_logical3A_461 = arith.constant 16 : i32
        %shift_right_logical3A_462 = vector.broadcast %shift_right_logical3A_461 : i32 to vector<16xi32>
        %shift_right_logical3A_463 = arith.shrui %get3A_422, %shift_right_logical3A_462 : vector<16xi32>
        %add3A_464 = arith.addi %shift_right_logical3A_463, %broadcast_in_dim3A_243 : vector<16xi32>
        %and3A_465 = arith.andi %get3A_425, %broadcast_in_dim3A_13 : vector<16xi32>
        %add3A_466 = arith.addi %and3A_465, %broadcast_in_dim3A_243 : vector<16xi32>
        %shift_right_logical3A_467 = arith.constant 16 : i32
        %shift_right_logical3A_468 = vector.broadcast %shift_right_logical3A_467 : i32 to vector<16xi32>
        %shift_right_logical3A_469 = arith.shrui %get3A_425, %shift_right_logical3A_468 : vector<16xi32>
        %add3A_470 = arith.addi %shift_right_logical3A_469, %broadcast_in_dim3A_243 : vector<16xi32>
        %and3A_471 = arith.andi %get3A_428, %broadcast_in_dim3A_13 : vector<16xi32>
        %add3A_472 = arith.addi %and3A_471, %broadcast_in_dim3A_243 : vector<16xi32>
        %shift_right_logical3A_473 = arith.constant 16 : i32
        %shift_right_logical3A_474 = vector.broadcast %shift_right_logical3A_473 : i32 to vector<16xi32>
        %shift_right_logical3A_475 = arith.shrui %get3A_428, %shift_right_logical3A_474 : vector<16xi32>
        %add3A_476 = arith.addi %shift_right_logical3A_475, %broadcast_in_dim3A_243 : vector<16xi32>
        tpu.vector_store_idx %arg8[%add3A_430], %broadcast_in_dim3A_11 {add = true} : memref<77824xi32, #tpu.memory_space<vmem>>[vector<16xi32>], vector<16xi32>,
        tpu.vector_store_idx %arg8[%add3A_434], %broadcast_in_dim3A_11 {add = true} : memref<77824xi32, #tpu.memory_space<vmem>>[vector<16xi32>], vector<16xi32>,
        tpu.vector_store_idx %arg8[%add3A_436], %broadcast_in_dim3A_11 {add = true} : memref<77824xi32, #tpu.memory_space<vmem>>[vector<16xi32>], vector<16xi32>,
        tpu.vector_store_idx %arg8[%add3A_440], %broadcast_in_dim3A_11 {add = true} : memref<77824xi32, #tpu.memory_space<vmem>>[vector<16xi32>], vector<16xi32>,
        tpu.vector_store_idx %arg8[%add3A_442], %broadcast_in_dim3A_11 {add = true} : memref<77824xi32, #tpu.memory_space<vmem>>[vector<16xi32>], vector<16xi32>,
        tpu.vector_store_idx %arg8[%add3A_446], %broadcast_in_dim3A_11 {add = true} : memref<77824xi32, #tpu.memory_space<vmem>>[vector<16xi32>], vector<16xi32>,
        tpu.vector_store_idx %arg8[%add3A_448], %broadcast_in_dim3A_11 {add = true} : memref<77824xi32, #tpu.memory_space<vmem>>[vector<16xi32>], vector<16xi32>,
        tpu.vector_store_idx %arg8[%add3A_452], %broadcast_in_dim3A_11 {add = true} : memref<77824xi32, #tpu.memory_space<vmem>>[vector<16xi32>], vector<16xi32>,
        tpu.vector_store_idx %arg8[%add3A_454], %broadcast_in_dim3A_11 {add = true} : memref<77824xi32, #tpu.memory_space<vmem>>[vector<16xi32>], vector<16xi32>,
        tpu.vector_store_idx %arg8[%add3A_458], %broadcast_in_dim3A_11 {add = true} : memref<77824xi32, #tpu.memory_space<vmem>>[vector<16xi32>], vector<16xi32>,
        tpu.vector_store_idx %arg8[%add3A_460], %broadcast_in_dim3A_11 {add = true} : memref<77824xi32, #tpu.memory_space<vmem>>[vector<16xi32>], vector<16xi32>,
        tpu.vector_store_idx %arg8[%add3A_464], %broadcast_in_dim3A_11 {add = true} : memref<77824xi32, #tpu.memory_space<vmem>>[vector<16xi32>], vector<16xi32>,
        tpu.vector_store_idx %arg8[%add3A_466], %broadcast_in_dim3A_11 {add = true} : memref<77824xi32, #tpu.memory_space<vmem>>[vector<16xi32>], vector<16xi32>,
        tpu.vector_store_idx %arg8[%add3A_470], %broadcast_in_dim3A_11 {add = true} : memref<77824xi32, #tpu.memory_space<vmem>>[vector<16xi32>], vector<16xi32>,
        tpu.vector_store_idx %arg8[%add3A_472], %broadcast_in_dim3A_11 {add = true} : memref<77824xi32, #tpu.memory_space<vmem>>[vector<16xi32>], vector<16xi32>,
        tpu.vector_store_idx %arg8[%add3A_476], %broadcast_in_dim3A_11 {add = true} : memref<77824xi32, #tpu.memory_space<vmem>>[vector<16xi32>], vector<16xi32>,
        %get3A_477 = arith.index_cast %scan3A_261 : i32 to index
        %get3A_478 = arith.constant 384 : index
        %get3A_479 = tpu.vector_load %arg7[%get3A_477, %get3A_478] {strides = array<i32>} : memref<8x512xi32, #tpu.memory_space<vmem>>, vector<16xi32>,
        %get3A_480 = arith.index_cast %scan3A_261 : i32 to index
        %get3A_481 = arith.constant 400 : index
        %get3A_482 = tpu.vector_load %arg7[%get3A_480, %get3A_481] {strides = array<i32>} : memref<8x512xi32, #tpu.memory_space<vmem>>, vector<16xi32>,
        %get3A_483 = arith.index_cast %scan3A_261 : i32 to index
        %get3A_484 = arith.constant 416 : index
        %get3A_485 = tpu.vector_load %arg7[%get3A_483, %get3A_484] {strides = array<i32>} : memref<8x512xi32, #tpu.memory_space<vmem>>, vector<16xi32>,
        %get3A_486 = arith.index_cast %scan3A_261 : i32 to index
        %get3A_487 = arith.constant 432 : index
        %get3A_488 = tpu.vector_load %arg7[%get3A_486, %get3A_487] {strides = array<i32>} : memref<8x512xi32, #tpu.memory_space<vmem>>, vector<16xi32>,
        %get3A_489 = arith.index_cast %scan3A_261 : i32 to index
        %get3A_490 = arith.constant 448 : index
        %get3A_491 = tpu.vector_load %arg7[%get3A_489, %get3A_490] {strides = array<i32>} : memref<8x512xi32, #tpu.memory_space<vmem>>, vector<16xi32>,
        %get3A_492 = arith.index_cast %scan3A_261 : i32 to index
        %get3A_493 = arith.constant 464 : index
        %get3A_494 = tpu.vector_load %arg7[%get3A_492, %get3A_493] {strides = array<i32>} : memref<8x512xi32, #tpu.memory_space<vmem>>, vector<16xi32>,
        %get3A_495 = arith.index_cast %scan3A_261 : i32 to index
        %get3A_496 = arith.constant 480 : index
        %get3A_497 = tpu.vector_load %arg7[%get3A_495, %get3A_496] {strides = array<i32>} : memref<8x512xi32, #tpu.memory_space<vmem>>, vector<16xi32>,
        %get3A_498 = arith.index_cast %scan3A_261 : i32 to index
        %get3A_499 = arith.constant 496 : index
        %get3A_500 = tpu.vector_load %arg7[%get3A_498, %get3A_499] {strides = array<i32>} : memref<8x512xi32, #tpu.memory_space<vmem>>, vector<16xi32>,
        %and3A_501 = arith.andi %get3A_479, %broadcast_in_dim3A_13 : vector<16xi32>
        %add3A_502 = arith.addi %and3A_501, %broadcast_in_dim3A_243 : vector<16xi32>
        %shift_right_logical3A_503 = arith.constant 16 : i32
        %shift_right_logical3A_504 = vector.broadcast %shift_right_logical3A_503 : i32 to vector<16xi32>
        %shift_right_logical3A_505 = arith.shrui %get3A_479, %shift_right_logical3A_504 : vector<16xi32>
        %add3A_506 = arith.addi %shift_right_logical3A_505, %broadcast_in_dim3A_243 : vector<16xi32>
        %and3A_507 = arith.andi %get3A_482, %broadcast_in_dim3A_13 : vector<16xi32>
        %add3A_508 = arith.addi %and3A_507, %broadcast_in_dim3A_243 : vector<16xi32>
        %shift_right_logical3A_509 = arith.constant 16 : i32
        %shift_right_logical3A_510 = vector.broadcast %shift_right_logical3A_509 : i32 to vector<16xi32>
        %shift_right_logical3A_511 = arith.shrui %get3A_482, %shift_right_logical3A_510 : vector<16xi32>
        %add3A_512 = arith.addi %shift_right_logical3A_511, %broadcast_in_dim3A_243 : vector<16xi32>
        %and3A_513 = arith.andi %get3A_485, %broadcast_in_dim3A_13 : vector<16xi32>
        %add3A_514 = arith.addi %and3A_513, %broadcast_in_dim3A_243 : vector<16xi32>
        %shift_right_logical3A_515 = arith.constant 16 : i32
        %shift_right_logical3A_516 = vector.broadcast %shift_right_logical3A_515 : i32 to vector<16xi32>
        %shift_right_logical3A_517 = arith.shrui %get3A_485, %shift_right_logical3A_516 : vector<16xi32>
        %add3A_518 = arith.addi %shift_right_logical3A_517, %broadcast_in_dim3A_243 : vector<16xi32>
        %and3A_519 = arith.andi %get3A_488, %broadcast_in_dim3A_13 : vector<16xi32>
        %add3A_520 = arith.addi %and3A_519, %broadcast_in_dim3A_243 : vector<16xi32>
        %shift_right_logical3A_521 = arith.constant 16 : i32
        %shift_right_logical3A_522 = vector.broadcast %shift_right_logical3A_521 : i32 to vector<16xi32>
        %shift_right_logical3A_523 = arith.shrui %get3A_488, %shift_right_logical3A_522 : vector<16xi32>
        %add3A_524 = arith.addi %shift_right_logical3A_523, %broadcast_in_dim3A_243 : vector<16xi32>
        %and3A_525 = arith.andi %get3A_491, %broadcast_in_dim3A_13 : vector<16xi32>
        %add3A_526 = arith.addi %and3A_525, %broadcast_in_dim3A_243 : vector<16xi32>
        %shift_right_logical3A_527 = arith.constant 16 : i32
        %shift_right_logical3A_528 = vector.broadcast %shift_right_logical3A_527 : i32 to vector<16xi32>
        %shift_right_logical3A_529 = arith.shrui %get3A_491, %shift_right_logical3A_528 : vector<16xi32>
        %add3A_530 = arith.addi %shift_right_logical3A_529, %broadcast_in_dim3A_243 : vector<16xi32>
        %and3A_531 = arith.andi %get3A_494, %broadcast_in_dim3A_13 : vector<16xi32>
        %add3A_532 = arith.addi %and3A_531, %broadcast_in_dim3A_243 : vector<16xi32>
        %shift_right_logical3A_533 = arith.constant 16 : i32
        %shift_right_logical3A_534 = vector.broadcast %shift_right_logical3A_533 : i32 to vector<16xi32>
        %shift_right_logical3A_535 = arith.shrui %get3A_494, %shift_right_logical3A_534 : vector<16xi32>
        %add3A_536 = arith.addi %shift_right_logical3A_535, %broadcast_in_dim3A_243 : vector<16xi32>
        %and3A_537 = arith.andi %get3A_497, %broadcast_in_dim3A_13 : vector<16xi32>
        %add3A_538 = arith.addi %and3A_537, %broadcast_in_dim3A_243 : vector<16xi32>
        %shift_right_logical3A_539 = arith.constant 16 : i32
        %shift_right_logical3A_540 = vector.broadcast %shift_right_logical3A_539 : i32 to vector<16xi32>
        %shift_right_logical3A_541 = arith.shrui %get3A_497, %shift_right_logical3A_540 : vector<16xi32>
        %add3A_542 = arith.addi %shift_right_logical3A_541, %broadcast_in_dim3A_243 : vector<16xi32>
        %and3A_543 = arith.andi %get3A_500, %broadcast_in_dim3A_13 : vector<16xi32>
        %add3A_544 = arith.addi %and3A_543, %broadcast_in_dim3A_243 : vector<16xi32>
        %shift_right_logical3A_545 = arith.constant 16 : i32
        %shift_right_logical3A_546 = vector.broadcast %shift_right_logical3A_545 : i32 to vector<16xi32>
        %shift_right_logical3A_547 = arith.shrui %get3A_500, %shift_right_logical3A_546 : vector<16xi32>
        %add3A_548 = arith.addi %shift_right_logical3A_547, %broadcast_in_dim3A_243 : vector<16xi32>
        tpu.vector_store_idx %arg8[%add3A_502], %broadcast_in_dim3A_11 {add = true} : memref<77824xi32, #tpu.memory_space<vmem>>[vector<16xi32>], vector<16xi32>,
        tpu.vector_store_idx %arg8[%add3A_506], %broadcast_in_dim3A_11 {add = true} : memref<77824xi32, #tpu.memory_space<vmem>>[vector<16xi32>], vector<16xi32>,
        tpu.vector_store_idx %arg8[%add3A_508], %broadcast_in_dim3A_11 {add = true} : memref<77824xi32, #tpu.memory_space<vmem>>[vector<16xi32>], vector<16xi32>,
        tpu.vector_store_idx %arg8[%add3A_512], %broadcast_in_dim3A_11 {add = true} : memref<77824xi32, #tpu.memory_space<vmem>>[vector<16xi32>], vector<16xi32>,
        tpu.vector_store_idx %arg8[%add3A_514], %broadcast_in_dim3A_11 {add = true} : memref<77824xi32, #tpu.memory_space<vmem>>[vector<16xi32>], vector<16xi32>,
        tpu.vector_store_idx %arg8[%add3A_518], %broadcast_in_dim3A_11 {add = true} : memref<77824xi32, #tpu.memory_space<vmem>>[vector<16xi32>], vector<16xi32>,
        tpu.vector_store_idx %arg8[%add3A_520], %broadcast_in_dim3A_11 {add = true} : memref<77824xi32, #tpu.memory_space<vmem>>[vector<16xi32>], vector<16xi32>,
        tpu.vector_store_idx %arg8[%add3A_524], %broadcast_in_dim3A_11 {add = true} : memref<77824xi32, #tpu.memory_space<vmem>>[vector<16xi32>], vector<16xi32>,
        tpu.vector_store_idx %arg8[%add3A_526], %broadcast_in_dim3A_11 {add = true} : memref<77824xi32, #tpu.memory_space<vmem>>[vector<16xi32>], vector<16xi32>,
        tpu.vector_store_idx %arg8[%add3A_530], %broadcast_in_dim3A_11 {add = true} : memref<77824xi32, #tpu.memory_space<vmem>>[vector<16xi32>], vector<16xi32>,
        tpu.vector_store_idx %arg8[%add3A_532], %broadcast_in_dim3A_11 {add = true} : memref<77824xi32, #tpu.memory_space<vmem>>[vector<16xi32>], vector<16xi32>,
        tpu.vector_store_idx %arg8[%add3A_536], %broadcast_in_dim3A_11 {add = true} : memref<77824xi32, #tpu.memory_space<vmem>>[vector<16xi32>], vector<16xi32>,
        tpu.vector_store_idx %arg8[%add3A_538], %broadcast_in_dim3A_11 {add = true} : memref<77824xi32, #tpu.memory_space<vmem>>[vector<16xi32>], vector<16xi32>,
        tpu.vector_store_idx %arg8[%add3A_542], %broadcast_in_dim3A_11 {add = true} : memref<77824xi32, #tpu.memory_space<vmem>>[vector<16xi32>], vector<16xi32>,
        tpu.vector_store_idx %arg8[%add3A_544], %broadcast_in_dim3A_11 {add = true} : memref<77824xi32, #tpu.memory_space<vmem>>[vector<16xi32>], vector<16xi32>,
        tpu.vector_store_idx %arg8[%add3A_548], %broadcast_in_dim3A_11 {add = true} : memref<77824xi32, #tpu.memory_space<vmem>>[vector<16xi32>], vector<16xi32>,
        %scan3A_549 = arith.constant 0 : i32
        scf.yield %scan3A_549 : i32
      }
      %scan3A_250 = arith.constant 8 : i32
      %add3A_251 = arith.constant 3 : i32
      %add3A_252 = arith.addi %mul3A_47, %add3A_251 : i32
      %add3A_253 = arith.constant 4 : i32
      %add3A_254 = arith.addi %add3A_252, %add3A_253 : i32
      %lt3A_255 = arith.constant 76 : i32
      %lt3A_256 = arith.cmpi slt, %add3A_254, %lt3A_255 : i32
      %convert_element_type3A_257 = arith.extui %lt3A_256 : i1 to i32
      %cond3A_258 = arith.constant 0 : i32
      %cond3A_259 = arith.cmpi ne, %convert_element_type3A_257, %cond3A_258 : i32
      scf.if %cond3A_259 {
        %add3A_261 = arith.constant 3 : i32
        %add3A_262 = arith.addi %mul3A_47, %add3A_261 : i32
        %add3A_263 = arith.constant 4 : i32
        %add3A_264 = arith.addi %add3A_262, %add3A_263 : i32
        %mul3A_265 = arith.constant 8 : i32
        %mul3A_266 = arith.muli %add3A_264, %mul3A_265 : i32
        %add3A_267 = arith.addi %mul3A_2, %mul3A_266 : i32
        %dma_start3A_268 = arith.constant 0 : i32
        %dma_start3A_269 = tpu.memref_slice %arg2[%add3A_267, %dma_start3A_268] : memref<19456x512xi32, #tpu.memory_space<hbm>> -> memref<8x512xi32, #tpu.memory_space<hbm>>
        %dma_start3A_270 = arith.constant 0 : i32
        %dma_start3A_271 = tpu.memref_slice %arg2[%add3A_267, %dma_start3A_270] : memref<19456x512xi32, #tpu.memory_space<hbm>> -> memref<8x512xi32, #tpu.memory_space<hbm>>
        tpu.enqueue_dma source(%dma_start3A_271 : memref<8x512xi32, #tpu.memory_space<hbm>>) target(%arg7 : memref<8x512xi32, #tpu.memory_space<vmem>>) target_semaphore(%arg12 : memref<!tpu.dma_semaphore, #tpu.memory_space<semaphore_mem>>)
      } else {
      }
      %scan3A_260 = arith.constant 0 : i32
      scf.yield %scan3A_260 : i32
    }
    %scan3A_43 = arith.constant 19 : i32
    "tpu.region"() ({
      %run_scoped3A = tpu.sem_alloc : memref<!tpu.dma_semaphore, #tpu.memory_space<semaphore_mem>>
      %dma_start3A_44 = arith.constant 0 : i32
      %dma_start3A_45 = tpu.memref_slice %arg3[%add3A, %dma_start3A_44] : memref<32x77824xi32, #tpu.memory_space<hbm>> -> memref<1x77824xi32, #tpu.memory_space<hbm>>
      %dma_start3A_46 = tpu.memref_squeeze %dma_start3A_45 : memref<1x77824xi32, #tpu.memory_space<hbm>> -> memref<77824xi32, #tpu.memory_space<hbm>>
      %dma_start3A_47 = arith.constant 0 : i32
      %dma_start3A_48 = tpu.memref_slice %arg3[%add3A, %dma_start3A_47] : memref<32x77824xi32, #tpu.memory_space<hbm>> -> memref<1x77824xi32, #tpu.memory_space<hbm>>
      %dma_start3A_49 = tpu.memref_squeeze %dma_start3A_48 : memref<1x77824xi32, #tpu.memory_space<hbm>> -> memref<77824xi32, #tpu.memory_space<hbm>>
      tpu.enqueue_dma source(%arg8 : memref<77824xi32, #tpu.memory_space<vmem>>) target(%dma_start3A_49 : memref<77824xi32, #tpu.memory_space<hbm>>) target_semaphore(%run_scoped3A : memref<!tpu.dma_semaphore, #tpu.memory_space<semaphore_mem>>)
      %dma_wait3A = arith.constant 0 : i32
      %dma_wait3A_50 = tpu.memref_slice %arg3[%add3A, %dma_wait3A] : memref<32x77824xi32, #tpu.memory_space<hbm>> -> memref<1x77824xi32, #tpu.memory_space<hbm>>
      %dma_wait3A_51 = tpu.memref_squeeze %dma_wait3A_50 : memref<1x77824xi32, #tpu.memory_space<hbm>> -> memref<77824xi32, #tpu.memory_space<hbm>>
      %dma_wait3A_52 = arith.constant 0 : i32
      %dma_wait3A_53 = tpu.memref_slice %arg3[%add3A, %dma_wait3A_52] : memref<32x77824xi32, #tpu.memory_space<hbm>> -> memref<1x77824xi32, #tpu.memory_space<hbm>>
      %dma_wait3A_54 = tpu.memref_squeeze %dma_wait3A_53 : memref<1x77824xi32, #tpu.memory_space<hbm>> -> memref<77824xi32, #tpu.memory_space<hbm>>
      tpu.wait_dma2 semaphore(%run_scoped3A : memref<!tpu.dma_semaphore, #tpu.memory_space<semaphore_mem>>) src(%arg8 : memref<77824xi32, #tpu.memory_space<vmem>>) dst(%dma_wait3A_54 : memref<77824xi32, #tpu.memory_space<hbm>>)
      tpu.yield
    }) : () -> ()
    return
  }
}

module attributes {stable_mosaic.version = 14 : i64} {
  func.func @_keys_body(%arg0: i32, %arg1: i32, %arg2: memref<1x19x64x512xf32, #tpu.memory_space<vmem>>, %arg3: memref<1x64x512xi32, #tpu.memory_space<vmem>>, %arg4: memref<608x512xi32, #tpu.memory_space<vmem>>) attributes {dimension_semantics = [#tpu.dimension_semantics<arbitrary>, #tpu.dimension_semantics<arbitrary>], iteration_bounds = array<i64: 4, 8>, scalar_prefetch = 0 : i64, scratch_operands = 0 : i64, tpu.core_type = #tpu.core_type<tc>, window_params = [{transform_indices = @transform_0, window_bounds = array<i64: 1, 19, 64, 512>}, {transform_indices = @transform_1, window_bounds = array<i64: 1, 64, 512>}, {transform_indices = @transform_2, window_bounds = array<i64: 608, 512>}]} {
    %get3A = arith.constant 0 : index
    %get3A_0 = arith.constant 0 : index
    %get3A_1 = arith.constant 0 : index
    %get3A_2 = arith.constant 0 : index
    %get3A_3 = vector.load %arg2[%get3A, %get3A_0, %get3A_1, %get3A_2] : memref<1x19x64x512xf32, #tpu.memory_space<vmem>>, vector<1x19x64x512xf32>
    %exp3A = math.exp %get3A_3 : vector<1x19x64x512xf32>
    %reduce_sum3A = arith.constant dense<0.000000e+00> : vector<1x64x512xf32>
    %reduce_sum3A_4 = vector.multi_reduction <add>, %exp3A, %reduce_sum3A [1] : vector<1x19x64x512xf32> to vector<1x64x512xf32>
    %broadcast_in_dim3A = vector.shape_cast %reduce_sum3A_4 : vector<1x64x512xf32> to vector<1x1x64x512xf32>
    %div3A = arith.constant 2.048000e+03 : f32
    %div3A_5 = vector.broadcast %div3A : f32 to vector<1x1x64x512xf32>
    %div3A_6 = arith.divf %div3A_5, %broadcast_in_dim3A : vector<1x1x64x512xf32>
    %mul3A = vector.broadcast %div3A_6 : vector<1x1x64x512xf32> to vector<1x19x64x512xf32>
    %mul3A_7 = arith.mulf %exp3A, %mul3A : vector<1x19x64x512xf32>
    %get3A_8 = arith.constant 0 : index
    %get3A_9 = arith.constant 0 : index
    %get3A_10 = arith.constant 0 : index
    %get3A_11 = vector.load %arg3[%get3A_8, %get3A_9, %get3A_10] : memref<1x64x512xi32, #tpu.memory_space<vmem>>, vector<1x64x512xi32>
    %iota3A = tpu.iota {dimensions = array<i32: 1>} : vector<1x19x64x512xi32>
    %broadcast_in_dim3A_12 = vector.shape_cast %get3A_11 : vector<1x64x512xi32> to vector<1x1x64x512xi32>
    %eq3A = vector.broadcast %broadcast_in_dim3A_12 : vector<1x1x64x512xi32> to vector<1x19x64x512xi32>
    %eq3A_13 = arith.cmpi eq, %eq3A, %iota3A : vector<1x19x64x512xi32>
    %sub3A = arith.constant 2.048000e+03 : f32
    %sub3A_14 = vector.broadcast %sub3A : f32 to vector<1x19x64x512xf32>
    %sub3A_15 = arith.subf %sub3A_14, %mul3A_7 : vector<1x19x64x512xf32>
    %select_n3A = arith.select %eq3A_13, %sub3A_15, %mul3A_7 : vector<1x19x64x512xi1>, vector<1x19x64x512xf32>
    %convert_element_type3A = arith.fptosi %select_n3A : vector<1x19x64x512xf32> to vector<1x19x64x512xi32>
    %min3A = arith.constant 2047 : i32
    %min3A_16 = vector.broadcast %min3A : i32 to vector<1x19x64x512xi32>
    %min3A_17 = arith.minsi %convert_element_type3A, %min3A_16 : vector<1x19x64x512xi32>
    %jit3A = arith.constant 2048 : i32
    %jit3A_18 = arith.constant 0 : i32
    %broadcast_in_dim3A_19 = vector.broadcast %jit3A : i32 to vector<1x19x64x512xi32>
    %broadcast_in_dim3A_20 = vector.broadcast %jit3A_18 : i32 to vector<1x19x64x512xi32>
    %select_n3A_21 = arith.select %eq3A_13, %broadcast_in_dim3A_19, %broadcast_in_dim3A_20 : vector<1x19x64x512xi1>, vector<1x19x64x512xi32>
    %add3A = arith.addi %select_n3A_21, %min3A_17 : vector<1x19x64x512xi32>
    %squeeze3A = vector.shape_cast %add3A : vector<1x19x64x512xi32> to vector<19x64x512xi32>
    %slice3A = vector.extract_strided_slice %squeeze3A {offsets = [0, 0, 0], sizes = [19, 32, 512], strides = [1, 1, 1]} : vector<19x64x512xi32> to vector<19x32x512xi32>
    %slice3A_22 = vector.extract_strided_slice %squeeze3A {offsets = [0, 32, 0], sizes = [19, 32, 512], strides = [1, 1, 1]} : vector<19x64x512xi32> to vector<19x32x512xi32>
    %shift_left3A = arith.constant 16 : i32
    %shift_left3A_23 = vector.broadcast %shift_left3A : i32 to vector<19x32x512xi32>
    %shift_left3A_24 = arith.shli %slice3A_22, %shift_left3A_23 : vector<19x32x512xi32>
    %or3A = arith.ori %slice3A, %shift_left3A_24 : vector<19x32x512xi32>
    %reshape3A = vector.shape_cast %or3A : vector<19x32x512xi32> to vector<608x512xi32>
    %swap3A = arith.constant 0 : index
    %swap3A_25 = arith.constant 0 : index
    %swap3A_26 = vector.load %arg4[%swap3A, %swap3A_25] : memref<608x512xi32, #tpu.memory_space<vmem>>, vector<608x512xi32>
    tpu.vector_store %arg4[%swap3A, %swap3A_25], %reshape3A {strides = array<i32>} : memref<608x512xi32, #tpu.memory_space<vmem>>, vector<608x512xi32>,
    return
  }
  func.func @transform_0(%arg0: i32, %arg1: i32) -> (i32, i32, i32, i32) {
    %c0_i32 = arith.constant 0 : i32
    %c0_i32_0 = arith.constant 0 : i32
    %c0_i32_1 = arith.constant 0 : i32
    return %arg0, %c0_i32, %arg1, %c0_i32_0 : i32, i32, i32, i32
  }
  func.func @transform_1(%arg0: i32, %arg1: i32) -> (i32, i32, i32) {
    %c0_i32 = arith.constant 0 : i32
    %c0_i32_0 = arith.constant 0 : i32
    return %arg0, %arg1, %c0_i32 : i32, i32, i32
  }
  func.func @transform_2(%arg0: i32, %arg1: i32) -> (i32, i32) {
    %mul3A = arith.constant 8 : i32
    %mul3A_0 = arith.muli %arg0, %mul3A : i32
    %add3A = arith.addi %mul3A_0, %arg1 : i32
    %c0_i32 = arith.constant 0 : i32
    %c0_i32_1 = arith.constant 0 : i32
    return %add3A, %c0_i32 : i32, i32
  }
}

module attributes {stable_mosaic.version = 14 : i64} {
  func.func @_final_body(%arg0: memref<32x19x2x2048xi32, #tpu.memory_space<vmem>>, %arg1: memref<1x1xf32, #tpu.memory_space<vmem>>) attributes {dimension_semantics = [], scalar_prefetch = 0 : i64, scratch_operands = 0 : i64, tpu.core_type = #tpu.core_type<tc>} {
    %get3A = arith.constant 0 : index
    %get3A_0 = arith.constant 0 : index
    %get3A_1 = arith.constant 0 : index
    %get3A_2 = arith.constant 0 : index
    %get3A_3 = vector.load %arg0[%get3A, %get3A_0, %get3A_1, %get3A_2] : memref<32x19x2x2048xi32, #tpu.memory_space<vmem>>, vector<32x19x2x2048xi32>
    %reduce_sum3A = arith.constant dense<0> : vector<19x2x2048xi32>
    %reduce_sum3A_4 = vector.multi_reduction <add>, %get3A_3, %reduce_sum3A [0] : vector<32x19x2x2048xi32> to vector<19x2x2048xi32>
    %convert_element_type3A = arith.sitofp %reduce_sum3A_4 : vector<19x2x2048xi32> to vector<19x2x2048xf32>
    %slice3A = vector.extract_strided_slice %convert_element_type3A {offsets = [0, 1, 0], sizes = [19, 1, 2048], strides = [1, 1, 1]} : vector<19x2x2048xf32> to vector<19x1x2048xf32>
    %squeeze3A = vector.shape_cast %slice3A : vector<19x1x2048xf32> to vector<19x2048xf32>
    %slice3A_5 = vector.extract_strided_slice %convert_element_type3A {offsets = [0, 0, 0], sizes = [19, 1, 2048], strides = [1, 1, 1]} : vector<19x2x2048xf32> to vector<19x1x2048xf32>
    %squeeze3A_6 = vector.shape_cast %slice3A_5 : vector<19x1x2048xf32> to vector<19x2048xf32>
    %add3A = arith.addf %squeeze3A_6, %squeeze3A : vector<19x2048xf32>
    %concatenate3A = tpu.concatenate %add3A, %squeeze3A in 0 : vector<19x2048xf32>, vector<19x2048xf32> -> vector<38x2048xf32>
    %iota3A = tpu.iota {dimensions = array<i32: 0>} : vector<2048x2048xi32>
    %iota3A_7 = tpu.iota {dimensions = array<i32: 1>} : vector<2048x2048xi32>
    %ge3A = arith.cmpi sge, %iota3A, %iota3A_7 : vector<2048x2048xi32>
    %convert_element_type3A_8 = arith.extui %ge3A : vector<2048x2048xi1> to vector<2048x2048xi32>
    %convert_element_type3A_9 = arith.sitofp %convert_element_type3A_8 : vector<2048x2048xi32> to vector<2048x2048xf32>
    %dot_general3A = arith.constant dense<0.000000e+00> : vector<38x2048xf32>
    %dot_general3A_10 = tpu.matmul %concatenate3A, %convert_element_type3A_9, %dot_general3A {dimension_numbers = #tpu.dot_dimension_numbers<[1], [0], [0], [1], [0, 0, 1, 1], [], []>, transpose_lhs_hint = false} : vector<38x2048xf32>, vector<2048x2048xf32>, vector<38x2048xf32> -> vector<38x2048xf32>
    %slice3A_11 = vector.extract_strided_slice %dot_general3A_10 {offsets = [0, 0], sizes = [19, 2048], strides = [1, 1]} : vector<38x2048xf32> to vector<19x2048xf32>
    %slice3A_12 = vector.extract_strided_slice %dot_general3A_10 {offsets = [19, 0], sizes = [19, 2048], strides = [1, 1]} : vector<38x2048xf32> to vector<19x2048xf32>
    %slice3A_13 = vector.extract_strided_slice %slice3A_12 {offsets = [0, 0], sizes = [19, 1], strides = [1, 1]} : vector<19x2048xf32> to vector<19x1xf32>
    %add3A_14 = vector.broadcast %slice3A_13 : vector<19x1xf32> to vector<19x2048xf32>
    %add3A_15 = arith.addf %add3A_14, %slice3A_11 : vector<19x2048xf32>
    %sub3A = arith.subf %add3A_15, %slice3A_12 : vector<19x2048xf32>
    %max3A = arith.constant 1.000000e+00 : f32
    %max3A_16 = vector.broadcast %max3A : f32 to vector<19x2048xf32>
    %max3A_17 = arith.maximumf %sub3A, %max3A_16 : vector<19x2048xf32>
    %gt3A = arith.constant 0.000000e+00 : f32
    %gt3A_18 = vector.broadcast %gt3A : f32 to vector<19x2048xf32>
    %gt3A_19 = arith.cmpf ogt, %slice3A_11, %gt3A_18 : vector<19x2048xf32>
    %sub3A_20 = vector.broadcast %slice3A_13 : vector<19x1xf32> to vector<19x2048xf32>
    %sub3A_21 = arith.subf %sub3A_20, %slice3A_12 : vector<19x2048xf32>
    %div3A = arith.divf %sub3A_21, %max3A_17 : vector<19x2048xf32>
    %sub3A_22 = arith.constant 1.000000e+00 : f32
    %sub3A_23 = vector.broadcast %sub3A_22 : f32 to vector<19x2048xf32>
    %sub3A_24 = arith.subf %sub3A_23, %div3A : vector<19x2048xf32>
    %jit3A = arith.constant 0.000000e+00 : f32
    %broadcast_in_dim3A = vector.broadcast %jit3A : f32 to vector<19x2048xf32>
    %select_n3A = arith.select %gt3A_19, %sub3A_24, %broadcast_in_dim3A : vector<19x2048xi1>, vector<19x2048xf32>
    %reduce_sum3A_25 = arith.constant dense<0.000000e+00> : vector<19xf32>
    %reduce_sum3A_26 = vector.multi_reduction <add>, %select_n3A, %reduce_sum3A_25 [1] : vector<19x2048xf32> to vector<19xf32>
    %slice3A_27 = vector.extract_strided_slice %select_n3A {offsets = [0, 0], sizes = [19, 1], strides = [1, 1]} : vector<19x2048xf32> to vector<19x1xf32>
    %squeeze3A_28 = vector.shape_cast %slice3A_27 : vector<19x1xf32> to vector<19xf32>
    %mul3A = arith.constant 5.000000e-01 : f32
    %mul3A_29 = vector.broadcast %mul3A : f32 to vector<19xf32>
    %mul3A_30 = arith.mulf %mul3A_29, %squeeze3A_28 : vector<19xf32>
    %sub3A_31 = arith.subf %reduce_sum3A_26, %mul3A_30 : vector<19xf32>
    %mul3A_32 = arith.constant 4.8828125E-4 : f32
    %mul3A_33 = vector.broadcast %mul3A_32 : f32 to vector<19xf32>
    %mul3A_34 = arith.mulf %sub3A_31, %mul3A_33 : vector<19xf32>
    %reduce_sum3A_35 = vector.shape_cast %mul3A_34 : vector<19xf32> to vector<1x19xf32>
    %reduce_sum3A_36 = arith.constant dense<0.000000e+00> : vector<1xf32>
    %reduce_sum3A_37 = vector.multi_reduction <add>, %reduce_sum3A_35, %reduce_sum3A_36 [1] : vector<1x19xf32> to vector<1xf32>
    %reduce_sum3A_38 = vector.shape_cast %reduce_sum3A_37 : vector<1xf32> to vector<1x1xf32>
    %reduce_sum3A_39 = vector.extract %reduce_sum3A_38[0, 0] : f32 from vector<1x1xf32>
    %div3A_40 = arith.constant 1.900000e+01 : f32
    %div3A_41 = arith.divf %reduce_sum3A_39, %div3A_40 : f32
    %broadcast_in_dim3A_42 = vector.broadcast %div3A_41 : f32 to vector<1x1xf32>
    %swap3A = arith.constant 0 : index
    %swap3A_43 = arith.constant 0 : index
    %swap3A_44 = vector.load %arg1[%swap3A, %swap3A_43] : memref<1x1xf32, #tpu.memory_space<vmem>>, vector<1x1xf32>
    tpu.vector_store %arg1[%swap3A, %swap3A_43], %broadcast_in_dim3A_42 {strides = array<i32>} : memref<1x1xf32, #tpu.memory_space<vmem>>, vector<1x1xf32>,
    return
  }
}

</mosaic_0001>

<sc_bundles>
// kernel: kernel.5.cloned.1.call-start
scs
__scs_entry_jumppad:
0x0: {  	(pc) =	sbr.rel $0x88, $3  }
0x1: {  	(tag) =	ssettag $0x0;
	lr =	simm.s32 $0x1  }
0x2: {  	[smem:$0x3F9F] =	sst lr;
	_ =	strace $0xD0000000  }
0x3: {  	_ = 	snop  }
0x4: {  	_ = 	snop  }
0x5: {  	_ = 	snop  }
0x6: {  	_ = 	snop  }
0x7: {  	_ = 	snop  }
__scs_overlays_trampoline_lowered:
0x8: {  	[smem:$0x3FAE] =	sst s0  }
0x9: {  	[smem:$0x3FAF] =	sst s1  }
0xa: {  	[smem:$0x3FB0] =	sst s2  }
0xb: {  	[smem:$0x3FB1] =	sst s3  }
0xc: {  	[smem:$0x3FB2] =	sst s4  }
0xd: {  	[smem:$0x3FB3] =	sst s5  }
0xe: {  	[smem:$0x3FB4] =	sst s6  }
0xf: {  	[smem:$0x3FB5] =	sst s7  }
0x10: {  	[smem:$0x3FB6] =	sst s8  }
0x11: {  	[smem:$0x3FB7] =	sst s9;
	s0 =	simm.s32 @!p0 $0x0  }
0x12: {  	s1 =	sld [smem:$0x3F9D];
	s0 =	simm.s32 @p0 $0x1  }
0x13: {  	[smem:$0x3FB8] =	sst s0;
	s0 =	simm.s32 @!p1 $0x0  }
0x14: {  	s2 =	sld [smem:$0x3F9C];
	s0 =	simm.s32 @p1 $0x1  }
0x15: {  	[smem:$0x3FB9] =	sst s0;
	s0 =	simm.s32 @!p2 $0x0  }
0x16: {  	s3 =	sld [smem:$0x3FDB];
	s0 =	simm.s32 @p2 $0x1  }
0x17: {  	s4 =	simm.s32 $0x1BF5;
	[smem:$0x3FBB] =	sst s0  }
0x18: {  	s0 =	sld [smem:$0x3F9E];
	_ =	swait.ge [sflag:s4], $0x0  }
0x19: {  	s7 =	sld [smem:$0x3F9F]  }
0x1a: {  	s8 =	sadd.s32 $0xFFFFE003, lr  }
0x1b: {  	s9 =	sadd.s32 $0xFFFFFEF7, lr;
	s5 =	simm.s32 $0xFFFFFFFF;
	p2 =	slt.u32 s8, $0xFFFFF086  }
0x1c: {  	p1 =	slt.u32 s9, $0xF7A;
	s5 =	simm.s32 @!p2 $0x0  }
0x1d: {  	s5 =	simm.s32 @p1 $0x1;
	p0 =	seq.s32 s7, s2  }
0x1e: {  	s7 =	smul.u32 @!p0 $0xF7A, s2;
	p2 =	seq.s32 @!p0 s5, $0x0  }
0x1f: {  	s9 =	smul.u32 $0xF7A, s1;
	s8 =	simm.s32 @!p0 $0x1BF5;
	p2 =	por !p2, p0  }
0x20: {  	[sflag:s8] =	ssyncset.s32 @!p0 $0xFFFFF086;
	s6 =	sadd.s32 @!p0 s3, s7;
	s7 =	simm.s32 @!p0 $0x108  }
0x21: {  	s3 =	sadd.s32 s3, s9;
	s6 =	sadd.s32 @!p0 $0x88, s6;
	s7 =	simm.s32 @p2 $0x1082  }
0x22: {  	[simem:s7], [sflag:s8] =	dma.local @!p0 [hbm:s6], $0xF7A  }
0x23: {  	s9 =	sor.u32 $0xD0000000, s2;
	s6 =	simm.s32 $0x108;
	_ =	swait.ge @!p0 [sflag:s8], $0x0  }
0x24: {  	s3 =	sadd.s32 $0x88, s3;
	s6 =	simm.s32 @!p1 $0x1082;
	[sflag:s4] =	ssyncset.s32 $0xFFFFF086  }
0x25: {  	[simem:s6], [sflag:s4] =	dma.local [hbm:s3], $0xF7A  }
0x26: {  	[smem:$0x3F9F] =	sst s1;
	(tag) =	ssettag s2;
	_ =	strace s9  }
0x27: {  	s1 =	sld [smem:$0x3FAF]  }
0x28: {  	s2 =	sld [smem:$0x3FB0]  }
0x29: {  	s4 =	sld [smem:$0x3FB2]  }
0x2a: {  	p0 =	seq.s32 s5, $0x0;
	s5 =	sld [smem:$0x3FB3]  }
0x2b: {  	s6 =	sld [smem:$0x3FB4]  }
0x2c: {  	s7 =	sld [smem:$0x3FB5]  }
0x2d: {  	s3 =	simm.s32 $0x108;
	s8 =	sld [smem:$0x3FB6]  }
0x2e: {  	s3 =	simm.s32 @!p0 $0x1082;
	s9 =	sld [smem:$0x3FB7]  }
0x2f: {  	lr =	sadd.s32 s0, s3;
	s0 =	sld [smem:$0x3FAE]  }
0x30: {  	s3 =	sld [smem:$0x3FB1]  }
0x31: {  	[smem:$0x3FBA] =	sst s10  }
0x32: {  	s10 =	sld [smem:$0x3FB8];
	_ =	sdelay $0x3  }
0x33: {  	p0 =	seq.s32 s10, $0x1;
	s10 =	sld [smem:$0x3FBA];
	_ =	sdelay $0x3  }
0x34: {  	[smem:$0x3FBA] =	sst s10  }
0x35: {  	s10 =	sld [smem:$0x3FB9];
	_ =	sdelay $0x3  }
0x36: {  	p1 =	seq.s32 s10, $0x1;
	s10 =	sld [smem:$0x3FBA];
	_ =	sdelay $0x3  }
0x37: {  	[smem:$0x3FBA] =	sst s10  }
0x38: {  	s10 =	sld [smem:$0x3FBB]  }
0x39: {  	_ = 	snop;
	(pc) =	sbr.ind lr, $3  }
0x3a: {  	_ = 	snop  }
0x3b: {  	_ = 	snop  }
0x3c: {  	p2 =	seq.s32 s10, $0x1;
	s10 =	sld [smem:$0x3FBA]  }
0x3d: {  	_ =	shalt  }
0x3e: {  	_ =	shalt  }
0x3f: {  	_ =	shalt  }
0x40: {  	_ =	shalt  }
0x41: {  	_ =	shalt  }
0x42: {  	_ =	shalt  }
0x43: {  	_ =	shalt  }
0x44: {  	_ =	shalt  }
0x45: {  	_ =	shalt  }
0x46: {  	_ =	shalt  }
0x47: {  	_ =	shalt  }
0x48: {  	_ =	shalt  }
0x49: {  	_ =	shalt  }
0x4a: {  	_ =	shalt  }
0x4b: {  	_ =	shalt  }
0x4c: {  	_ =	shalt  }
0x4d: {  	_ =	shalt  }
0x4e: {  	_ =	shalt  }
0x4f: {  	_ =	shalt  }
0x50: {  	_ =	shalt  }
0x51: {  	_ =	shalt  }
0x52: {  	_ =	shalt  }
0x53: {  	_ =	shalt  }
0x54: {  	_ =	shalt  }
0x55: {  	_ =	shalt  }
0x56: {  	_ =	shalt  }
0x57: {  	_ =	shalt  }
0x58: {  	_ =	shalt  }
0x59: {  	_ =	shalt  }
0x5a: {  	_ =	shalt  }
0x5b: {  	_ =	shalt  }
0x5c: {  	_ =	shalt  }
0x5d: {  	_ =	shalt  }
0x5e: {  	_ =	shalt  }
0x5f: {  	_ =	shalt  }
0x60: {  	_ =	shalt  }
0x61: {  	_ =	shalt  }
0x62: {  	_ =	shalt  }
0x63: {  	_ =	shalt  }
0x64: {  	_ =	shalt  }
0x65: {  	_ =	shalt  }
0x66: {  	_ =	shalt  }
0x67: {  	_ =	shalt  }
0x68: {  	_ =	shalt  }
0x69: {  	_ =	shalt  }
0x6a: {  	_ =	shalt  }
0x6b: {  	_ =	shalt  }
0x6c: {  	_ =	shalt  }
0x6d: {  	_ =	shalt  }
0x6e: {  	_ =	shalt  }
0x6f: {  	_ =	shalt  }
0x70: {  	_ =	shalt  }
0x71: {  	_ =	shalt  }
0x72: {  	_ =	shalt  }
0x73: {  	_ =	shalt  }
0x74: {  	_ =	shalt  }
0x75: {  	_ =	shalt  }
0x76: {  	_ =	shalt  }
0x77: {  	_ =	shalt  }
0x78: {  	_ =	shalt  }
0x79: {  	_ =	shalt  }
0x7a: {  	_ =	shalt  }
0x7b: {  	_ =	shalt  }
0x7c: {  	_ =	shalt  }
0x7d: {  	_ =	shalt  }
0x7e: {  	_ =	shalt  }
0x7f: {  	_ =	shalt  }
0x80: {  	_ =	shalt  }
0x81: {  	_ =	shalt  }
0x82: {  	_ =	shalt  }
0x83: {  	_ =	shalt  }
0x84: {  	_ =	shalt  }
0x85: {  	_ =	shalt  }
0x86: {  	_ =	shalt  }
0x87: {  	_ =	shalt  }
.Lfunc_end0:
.L_simem_size_0:
called_computation_lowered:
.L_overlay_start_0:
0x88: {  	s2 =	sld [smem:$0x3FD9]  }
0x89: {  	s3 =	sld [smem:$0x3FFE];
	_ =	sdelay $0x1  }
0x8a: {  	s1 =	srdreg.scid  }
0x8b: {  	s0 =	sand.u32 $0x1, s1  }
0x8c: {  	s16 =	sshll.u32 s0, $0xA;
	s2 =	sadd.s32 s3, s2  }
0x8d: {  	s2 =	sadd.s32 s2, s16  }
0x8e: {  	[smem:$0x3FC6] =	sst s2  }
0x8f: {  	_ = 	snop  }
0x90: {  	(tm) =	ssettm $0x1  }
0x91: {  	s17 =	sld [smem:$0x3FFB];
	_ =	sdelay $0x3  }
0x92: {  	_ =	strace s17  }
0x93: {  	s2 =	sld [smem:$0x3FFC];
	_ =	sdelay $0x3  }
0x94: {  	_ =	strace s2  }
0x95: {  	s2 =	sld [smem:$0x3FFD];
	_ =	sdelay $0x3  }
0x96: {  	_ =	strace s2  }
0x97: {  	_ =	strace $0x8FFFFFFF  }
0x98: {  	s18 =	sld [smem:$0x3FDB];
	_ =	sdelay $0x1  }
0x99: {  	s19 =	simm.s32 $_scs_section_size  }
0x9a: {  	s4 =	simm.s32 $_size__tile_overlayer_lowered;
	s5 =	simm.s32 $_tile_overlayer_lowered  }
0x9b: {  	s22 =	simm.s32 $0x1BFF;
	s21 =	sshll.u32 s5, $0x1;
	s2 =	sadd.s32 s19, s18  }
0x9c: {  	s6 =	simm.s32 $0x0;
	s20 =	sshll.u32 s4, $0x1;
	s4 =	sadd.s32 s21, s2  }
0x9d: {  	[timem:s6], [sflag:s22] =	dma.local [hbm:s4], s20  }
0x9e: {  	_ =	swait.ge [sflag:s22], s20  }
0x9f: {  	s3 =	ssub.s32 $0x0, s20;
	[sflag:s22] =	ssyncset.done $0x0  }
0xa0: {  	[sflag:s22] =	ssyncadd.s32 s3;
	_ =	sdelay $0x1  }
0xa1: {  	s23 =	simm.s32 $0x1B8B  }
0xa2: {  	_ =	swait.ge [sflag:s23], $0x1  }
0xa3: {  	[sflag:s23] =	ssyncset.done $0x0  }
0xa4: {  	s25 =	simm.s32 $0x1B8E;
	s24 =	sld [smem:$0x3FFE];
	[sflag:s23] =	ssyncadd.s32 $0xFFFFFFFF  }
0xa5: {  	s26 =	simm.s32 $execute0_lowered;
	[smem:$0x3FD2] =	sst s25  }
0xa6: {  	s4 =	sshll.u32 s26, $0x1;
	_ =	strace $0x80000046;
	[dreg:$0x1] =	wrdreg $0xFFFFFFFF  }
0xa7: {  	s28 =	simm.s32 $_size_execute0_lowered;
	s2 =	sadd.s32 s2, s4;
	[dreg:$0x0] =	wrdreg $0x0  }
0xa8: {  	s4 =	sshll.u32 s28, $0x1;
	[dreg:$0x2] =	wrdreg s2  }
0xa9: {  	[dreg:$0x3] =	wrdreg s4  }
0xaa: {  	[dreg:$0x4] =	wrdreg $0xC0  }
0xab: {  	_ =	task [dreg:s6], $0x5FFFF  }
0xac: {  	[dreg:$0x1] =	wrdreg $0xFFFFFFFF  }
0xad: {  	[dreg:$0x0] =	wrdreg $0x60  }
0xae: {  	[dreg:$0x2] =	wrdreg s24  }
0xaf: {  	[dreg:$0x3] =	wrdreg $0x9  }
0xb0: {  	_ =	task.clear_ibuf [dreg:s6], $0x4FFFF;
	_ =	strace $0x90000046  }
0xb1: {  	s29 =	simm.s32 $0x9;
	_ =	strace $0x80000048  }
0xb2: {  	_ =	swait.ge [sflag:s29], $0x1  }
0xb3: {  	[sflag:s29] =	ssyncadd.s32 $0xFFFFFFFF  }
0xb4: {  	_ =	strace $0x90000048  }
0xb5: {  	_ =	sfence  }
0xb6: {  	s30 =	sld [smem:$0x0];
	_ =	sdelay $0x2  }
0xb7: {  	s31 =	sshll.u32 s1, $0xD;
	s1 =	sshrl.u32 s1, $0x2  }
0xb8: {  	s3 =	sand.u32 $0x4000, s31;
	s1 =	sadd.s32 s1, s30  }
0xb9: {  	s0 =	sor.u32 s3, s0;
	s1 =	sshll.u32 s1, $0x11  }
0xba: {  	s0 =	sor.u32 s1, s0  }
0xbb: {  	s0 =	sadd.s32 $0x8F2B, s0  }
0xbc: {  	[sflag:s0] =	ssyncadd.remote.s32 $0x1  }
0xbd: {  	_ =	sfence.sel $0xFFFF  }
0xbe: {  	[dreg:$0x0] =	wrdreg $0xFFFFFFFF;
	(pc) =	sbr.abs _section_cstart, $3  }
0xbf: {  	[dreg:$0x1] =	wrdreg $0xFFFFFFFF  }
0xc0: {  	_ =	task.clear_ibuf [dreg:s6], $0x2FFFF;
	_ =	strace $0x9FFFFFFF  }
0xc1: {  	(tm) =	ssettm $0x7FFFFFFF  }
tec
execute0_lowered:
.L_overlay_start_1:
0x0: {  	(tag) =	ssettag $0x1  }
0x1: {  	s0 =	srdreg.scid  }
0x2: {  	s3 =	stileid.u32;
	s1 =	rddreg [dreg:$0x0];
	s20 =	simm.s32 $0x3000  }
0x3: {  	s21 =	simm.s32 $0x1;
	s22 =	simm.s32 $0x4000;
	s23 =	simm.s32 $0x2  }
0x4: {  	s24 =	simm.s32 $0x3;
	s25 =	simm.s32 $0x4;
	s29 =	simm.s32 $0x5  }
0x5: {  	s30 =	simm.s32 $0x0;
	s0 =	sand.u32 $0x1, s0;
	s2 =	sshll.u32 s3, $0x1  }
0x6: {  	s3 =	sshrl.u32 s3, $0x2;
	s4 =	sor.u32 s0, s2;
	s2 =	simm.s32 $0x0  }
0x7: {  	s3 =	smul.u32 $0x98000, s3;
	s0 =	ssub.s32 $0x2, s0;
	s5 =	sshll.u32 s4, $0x7  }
0x8: {  	[smem:$0x7FF] =	sst s2;
	s6 =	smul.u32 $0x9800, s4;
	s8 =	sshrl.u32 s0, $0x1  }
0x9: {  	s4 =	smul.u32 $0x260, s4;
	s5 =	sand.u32 $0x380, s5;
	_ =	strace $0x80000047  }
0xa: {  	s0 =	ssub.s32 s0, s8;
	s5 =	sor.u32 s3, s5;
	s3 =	sadd.s32 $0x600, s1  }
0xb: {  	s15 =	sshrl.u32 s4, $0x3;
	s10 =	sor.u32 $0x8, s4;
	s12 =	sor.u32 $0x10, s4  }
.Ltmp0:
0xc: {  	s14 =	sor.u32 $0x18, s4;
	s17 =	smax.u32 s0, $0x1;
	(pc) =	sbr.rel .LBB2_1-.Ltmp0, $4  }
0xd: {  	s7 =	sshrl.u32 s5, $0x3;
	s5 =	sadd.s32 s3, s6;
	s9 =	sadd.s32 $0x4, s15  }
0xe: {  	s11 =	sadd.s32 $0x5, s15;
	s13 =	sadd.s32 $0x6, s15;
	s15 =	sadd.s32 $0x7, s15  }
0xf: {  	s1 =	sadd.s32 s7, s1;
	s6 =	sadd.s32 $0x200, s5;
	s7 =	sadd.s32 $0x400, s5  }
0x10: {  	v0 =	vimm.s32 $0x0;
	v1 =	vimm.s32 $0x1;
	s8 =	sadd.s32 $0x600, s5;
	[dreg:$0x2] =	wrdreg s6;
	s16 =	sadd.s32 $0x130600, s1  }
.LBB2_14:
0x11: {  	s30 =	sadd.s32 $0x1, s30  }
0x12: {  	p0 =	sne.s32 s30, s17  }
.Ltmp1:
0x13: {  	s0 =	simm.s32 $0x80;
	s1 =	simm.s32 $0x400;
	(pc) =	sbr.rel @!p0 .LBB2_15-.Ltmp1, $4  }
0x14: {  	[hbm4b:s16+s0] =	stream.strided.scatter [tilespmem:s22], [sflag:$0x5], $0x13000, s1, s0, $0x38;
	[tilespmem:$0x17000] =	vst v63  }
0x15: {  	_ =	swait.ge [sflag:s29], $0x13000  }
0x16: {  	[sflag:s29] =	ssyncset.done $0x0  }
0x17: {  	[sflag:s29] =	ssyncadd.s32 $0xFFFED000  }
.LBB2_1:
0x18: {  	s0 =	simm.s32 $0x0;
	s1 =	simm.s32 $0x200  }
.LBB2_2:
0x19: {  	p0 =	sne.s32 s1, $0x4BE00;
	[tilespmem:s0+$0x4070] =	vst v0  }
0x1a: {  	[tilespmem:s0+$0x4000] =	vst v0  }
0x1b: {  	[tilespmem:s0+$0x4010] =	vst v0  }
.Ltmp2:
0x1c: {  	[tilespmem:s0+$0x4020] =	vst v0;
	(pc) =	sbr.rel @p0 .LBB2_2-.Ltmp2, $4  }
0x1d: {  	[tilespmem:s0+$0x4030] =	vst v0  }
0x1e: {  	[tilespmem:s0+$0x4040] =	vst v0  }
0x1f: {  	[tilespmem:s0+$0x4050] =	vst v0  }
0x20: {  	[tilespmem:s0+$0x4060] =	vst v0;
	s0 =	sshra.s32 s1, $0x2;
	s1 =	sadd.s32 $0x200, s1  }
0x21: {  	[tilespmem:s0+$0x4070] =	vst v0  }
0x22: {  	[tilespmem:s0+$0x4000] =	vst v0  }
0x23: {  	[tilespmem:s0+$0x4010] =	vst v0  }
0x24: {  	[tilespmem:s0+$0x4020] =	vst v0  }
0x25: {  	[tilespmem:s0+$0x4030] =	vst v0  }
0x26: {  	[tilespmem:s0+$0x4040] =	vst v0  }
0x27: {  	[tilespmem:s0+$0x4050] =	vst v0  }
0x28: {  	[tilespmem:s0+$0x4060] =	vst v0;
	s31 =	simm.s32 $0x0  }
0x29: {  	[tilespmem:s31], [sflag:$0x1] =	stream.linear.gather [hbm4b:s5+s31], $0x1000, $0x38;
	[tilespmem:$0x17000] =	vst v63  }
0x2a: {  	s26 =	rddreg [dreg:$0x2];
	s1 =	simm.s32 $0x1000  }
0x2b: {  	[tilespmem:s1], [sflag:$0x2] =	stream.linear.gather [hbm4b:s26+s31], $0x1000, $0x38;
	[tilespmem:$0x17000] =	vst v63  }
0x2c: {  	s28 =	simm.s32 $0x2000  }
0x2d: {  	[tilespmem:s28], [sflag:$0x3] =	stream.linear.gather [hbm4b:s7+s31], $0x1000, $0x38;
	[tilespmem:$0x17000] =	vst v63  }
0x2e: {  	_ = 	snop  }
0x2f: {  	[tilespmem:s20], [sflag:$0x4] =	stream.linear.gather [hbm4b:s8+s31], $0x1000, $0x38;
	[tilespmem:$0x17000] =	vst v63  }
.LBB2_4:
0x30: {  	s0 =	sshll.u32 s31, $0x5  }
0x31: {  	s1 =	sadd.s32 s4, s0  }
0x32: {  	s18 =	smulhi.u32 $0x6BCA1AF3, s1;
	_ =	sdelay $0x1  }
0x33: {  	s18 =	sshrl.u32 s18, $0x8  }
0x34: {  	s18 =	smul.u32 $0x260, s18;
	_ =	sdelay $0x1  }
0x35: {  	_ =	swait.ge [sflag:s21], $0x1000;
	s1 =	ssub.s32 s1, s18  }
0x36: {  	[sflag:s21] =	ssyncset.done $0x0;
	s1 =	sshll.u32 s1, $0x7  }
0x37: {  	[sflag:s21] =	ssyncadd.s32 $0xFFFFF000;
	v2 =	vmov s1;
	s1 =	simm.s32 $0xFFFFF000  }
.LBB2_5:
0x38: {  	s18 =	sshra.s32 s1, $0x2  }
0x39: {  	v3 =	vld [tilespmem:s18+$0x400];
	_ =	sdelay $0x1  }
0x3a: {  	v4 =	vld [tilespmem:s18+$0x410];
	_ =	sdelay $0x1  }
0x3b: {  	v5 =	vld [tilespmem:s18+$0x420]  }
0x3c: {  	v6 =	vand.u32 $0xFF80, v3  }
0x3d: {  	v7 =	vld [tilespmem:s18+$0x430];
	v8 =	vand.u32 $0x7F, v3;
	v6 =	vadd.s32 v2, v6  }
0x3e: {  	v3 =	vshrl.u32 v3, $0x10;
	v9 =	vand.u32 $0xFF80, v4;
	v6 =	vor.u32 v8, v6  }
0x3f: {  	v45 =	vld [tilespmem:s18+$0x440];
	v10 =	vand.u32 $0x7F, v4;
	v3 =	vadd.s32 v2, v3;
	v9 =	vadd.s32 v2, v9  }
0x40: {  	v11 =	vld [tilespmem:s18+$0x450];
	v4 =	vshrl.u32 v4, $0x10;
	v12 =	vand.u32 $0xFF80, v5;
	v9 =	vor.u32 v10, v9  }
0x41: {  	v46 =	vld [tilespmem:s18+$0x460];
	v13 =	vand.u32 $0x7F, v5;
	v4 =	vadd.s32 v2, v4;
	v12 =	vadd.s32 v2, v12  }
0x42: {  	v14 =	vld [tilespmem:s18+$0x470];
	v5 =	vshrl.u32 v5, $0x10;
	v15 =	vand.u32 $0xFF80, v7;
	v12 =	vor.u32 v13, v12  }
0x43: {  	v48 =	vand.u32 $0x7F, v7;
	v5 =	vadd.s32 v2, v5;
	v47 =	vadd.s32 v2, v15;
	[tilespmem:v6+s22+$0x0] =	vst.idx.add.s32.msk $0xffff, v1  }
0x44: {  	v7 =	vshrl.u32 v7, $0x10;
	v49 =	vand.u32 $0xFF80, v45;
	[tilespmem:v3+s22+$0x0] =	vst.idx.add.s32.msk $0xffff, v1;
	v3 =	vor.u32 v48, v47  }
0x45: {  	v52 =	vand.u32 $0x7F, v45;
	v50 =	vadd.s32 v2, v7;
	v51 =	vadd.s32 v2, v49;
	[tilespmem:v9+s22+$0x0] =	vst.idx.add.s32.msk $0xffff, v1  }
0x46: {  	v53 =	vand.u32 $0xFF80, v11;
	v8 =	vshrl.u32 v45, $0x10;
	v54 =	vor.u32 v52, v51;
	[tilespmem:v4+s22+$0x0] =	vst.idx.add.s32.msk $0xffff, v1  }
0x47: {  	v57 =	vand.u32 $0x7F, v11;
	v56 =	vadd.s32 v2, v53;
	v55 =	vadd.s32 v2, v8;
	[tilespmem:v12+s22+$0x0] =	vst.idx.add.s32.msk $0xffff, v1  }
0x48: {  	v11 =	vshrl.u32 v11, $0x10;
	v58 =	vand.u32 $0xFF80, v46;
	v59 =	vor.u32 v57, v56;
	[tilespmem:v5+s22+$0x0] =	vst.idx.add.s32.msk $0xffff, v1  }
0x49: {  	v60 =	vadd.s32 v2, v11;
	v61 =	vadd.s32 v2, v58;
	[tilespmem:v3+s22+$0x0] =	vst.idx.add.s32.msk $0xffff, v1;
	v3 =	vand.u32 $0x7F, v46  }
0x4a: {  	v62 =	vand.u32 $0xFF80, v14;
	v10 =	vshrl.u32 v46, $0x10;
	[tilespmem:v50+s22+$0x0] =	vst.idx.add.s32.msk $0xffff, v1;
	v3 =	vor.u32 v3, v61  }
0x4b: {  	v13 =	vand.u32 $0x7F, v14;
	v63 =	vadd.s32 v2, v10;
	v12 =	vadd.s32 v2, v62;
	[tilespmem:v54+s22+$0x0] =	vst.idx.add.s32.msk $0xffff, v1  }
0x4c: {  	v14 =	vshrl.u32 v14, $0x10;
	v4 =	vor.u32 v13, v12;
	[tilespmem:v55+s22+$0x0] =	vst.idx.add.s32.msk $0xffff, v1  }
0x4d: {  	v15 =	vadd.s32 v2, v14;
	[tilespmem:v59+s22+$0x0] =	vst.idx.add.s32.msk $0xffff, v1  }
0x4e: {  	[tilespmem:v60+s22+$0x0] =	vst.idx.add.s32.msk $0xffff, v1  }
0x4f: {  	[tilespmem:v3+s22+$0x0] =	vst.idx.add.s32.msk $0xffff, v1  }
0x50: {  	[tilespmem:v63+s22+$0x0] =	vst.idx.add.s32.msk $0xffff, v1  }
0x51: {  	[tilespmem:v4+s22+$0x0] =	vst.idx.add.s32.msk $0xffff, v1  }
0x52: {  	[tilespmem:v15+s22+$0x0] =	vst.idx.add.s32.msk $0xffff, v1  }
0x53: {  	v3 =	vld [tilespmem:s18+$0x800];
	_ =	sdelay $0x1  }
0x54: {  	v4 =	vld [tilespmem:s18+$0x810];
	_ =	sdelay $0x1  }
0x55: {  	v5 =	vld [tilespmem:s18+$0x820]  }
0x56: {  	v16 =	vand.u32 $0xFF80, v3  }
0x57: {  	v7 =	vld [tilespmem:s18+$0x830];
	v17 =	vand.u32 $0x7F, v3;
	v6 =	vadd.s32 v2, v16  }
0x58: {  	v3 =	vshrl.u32 v3, $0x10;
	v18 =	vand.u32 $0xFF80, v4;
	v6 =	vor.u32 v17, v6  }
0x59: {  	v19 =	vld [tilespmem:s18+$0x840];
	v20 =	vand.u32 $0x7F, v4;
	v3 =	vadd.s32 v2, v3;
	v9 =	vadd.s32 v2, v18  }
0x5a: {  	v21 =	vld [tilespmem:s18+$0x850];
	v4 =	vshrl.u32 v4, $0x10;
	v22 =	vand.u32 $0xFF80, v5;
	v9 =	vor.u32 v20, v9  }
0x5b: {  	v23 =	vld [tilespmem:s18+$0x860];
	v24 =	vand.u32 $0x7F, v5;
	v4 =	vadd.s32 v2, v4;
	v12 =	vadd.s32 v2, v22  }
0x5c: {  	v25 =	vld [tilespmem:s18+$0x870];
	v5 =	vshrl.u32 v5, $0x10;
	v26 =	vand.u32 $0xFF80, v7;
	v12 =	vor.u32 v24, v12  }
0x5d: {  	v28 =	vand.u32 $0x7F, v7;
	v5 =	vadd.s32 v2, v5;
	v27 =	vadd.s32 v2, v26;
	[tilespmem:v6+s22+$0x0] =	vst.idx.add.s32.msk $0xffff, v1  }
0x5e: {  	v7 =	vshrl.u32 v7, $0x10;
	v29 =	vand.u32 $0xFF80, v19;
	[tilespmem:v3+s22+$0x0] =	vst.idx.add.s32.msk $0xffff, v1;
	v3 =	vor.u32 v28, v27  }
0x5f: {  	v32 =	vand.u32 $0x7F, v19;
	v30 =	vadd.s32 v2, v7;
	v31 =	vadd.s32 v2, v29;
	[tilespmem:v9+s22+$0x0] =	vst.idx.add.s32.msk $0xffff, v1  }
0x60: {  	v8 =	vshrl.u32 v19, $0x10;
	v33 =	vand.u32 $0xFF80, v21;
	v34 =	vor.u32 v32, v31;
	[tilespmem:v4+s22+$0x0] =	vst.idx.add.s32.msk $0xffff, v1  }
0x61: {  	v37 =	vand.u32 $0x7F, v21;
	v35 =	vadd.s32 v2, v8;
	v36 =	vadd.s32 v2, v33;
	[tilespmem:v12+s22+$0x0] =	vst.idx.add.s32.msk $0xffff, v1  }
0x62: {  	v11 =	vshrl.u32 v21, $0x10;
	v38 =	vand.u32 $0xFF80, v23;
	v39 =	vor.u32 v37, v36;
	[tilespmem:v5+s22+$0x0] =	vst.idx.add.s32.msk $0xffff, v1  }
0x63: {  	v40 =	vadd.s32 v2, v11;
	v41 =	vadd.s32 v2, v38;
	[tilespmem:v3+s22+$0x0] =	vst.idx.add.s32.msk $0xffff, v1;
	v3 =	vand.u32 $0x7F, v23  }
0x64: {  	v10 =	vshrl.u32 v23, $0x10;
	v42 =	vand.u32 $0xFF80, v25;
	[tilespmem:v30+s22+$0x0] =	vst.idx.add.s32.msk $0xffff, v1;
	v3 =	vor.u32 v3, v41  }
0x65: {  	v45 =	vand.u32 $0x7F, v25;
	v43 =	vadd.s32 v2, v10;
	v44 =	vadd.s32 v2, v42;
	[tilespmem:v34+s22+$0x0] =	vst.idx.add.s32.msk $0xffff, v1  }
0x66: {  	v46 =	vshrl.u32 v25, $0x10;
	v4 =	vor.u32 v45, v44;
	[tilespmem:v35+s22+$0x0] =	vst.idx.add.s32.msk $0xffff, v1  }
0x67: {  	v47 =	vadd.s32 v2, v46;
	[tilespmem:v39+s22+$0x0] =	vst.idx.add.s32.msk $0xffff, v1  }
0x68: {  	[tilespmem:v40+s22+$0x0] =	vst.idx.add.s32.msk $0xffff, v1  }
0x69: {  	[tilespmem:v3+s22+$0x0] =	vst.idx.add.s32.msk $0xffff, v1  }
0x6a: {  	[tilespmem:v43+s22+$0x0] =	vst.idx.add.s32.msk $0xffff, v1  }
0x6b: {  	[tilespmem:v4+s22+$0x0] =	vst.idx.add.s32.msk $0xffff, v1  }
0x6c: {  	[tilespmem:v47+s22+$0x0] =	vst.idx.add.s32.msk $0xffff, v1  }
0x6d: {  	v3 =	vld [tilespmem:s18+$0xC00];
	_ =	sdelay $0x1  }
0x6e: {  	v4 =	vld [tilespmem:s18+$0xC10];
	_ =	sdelay $0x1  }
0x6f: {  	v5 =	vld [tilespmem:s18+$0xC20]  }
0x70: {  	v48 =	vand.u32 $0xFF80, v3  }
0x71: {  	v7 =	vld [tilespmem:s18+$0xC30];
	v49 =	vand.u32 $0x7F, v3;
	v6 =	vadd.s32 v2, v48  }
0x72: {  	v3 =	vshrl.u32 v3, $0x10;
	v50 =	vand.u32 $0xFF80, v4;
	v6 =	vor.u32 v49, v6  }
0x73: {  	v51 =	vld [tilespmem:s18+$0xC40];
	v52 =	vand.u32 $0x7F, v4;
	v3 =	vadd.s32 v2, v3;
	v9 =	vadd.s32 v2, v50  }
0x74: {  	v53 =	vld [tilespmem:s18+$0xC50];
	v4 =	vshrl.u32 v4, $0x10;
	v54 =	vand.u32 $0xFF80, v5;
	v9 =	vor.u32 v52, v9  }
0x75: {  	v55 =	vld [tilespmem:s18+$0xC60];
	v56 =	vand.u32 $0x7F, v5;
	v4 =	vadd.s32 v2, v4;
	v12 =	vadd.s32 v2, v54  }
0x76: {  	v57 =	vld [tilespmem:s18+$0xC70];
	v5 =	vshrl.u32 v5, $0x10;
	v58 =	vand.u32 $0xFF80, v7;
	v12 =	vor.u32 v56, v12  }
0x77: {  	v60 =	vand.u32 $0x7F, v7;
	v5 =	vadd.s32 v2, v5;
	v59 =	vadd.s32 v2, v58;
	[tilespmem:v6+s22+$0x0] =	vst.idx.add.s32.msk $0xffff, v1  }
0x78: {  	v7 =	vshrl.u32 v7, $0x10;
	v61 =	vand.u32 $0xFF80, v51;
	[tilespmem:v3+s22+$0x0] =	vst.idx.add.s32.msk $0xffff, v1;
	v3 =	vor.u32 v60, v59  }
0x79: {  	v16 =	vand.u32 $0x7F, v51;
	v62 =	vadd.s32 v2, v7;
	v63 =	vadd.s32 v2, v61;
	[tilespmem:v9+s22+$0x0] =	vst.idx.add.s32.msk $0xffff, v1  }
0x7a: {  	v8 =	vshrl.u32 v51, $0x10;
	v17 =	vand.u32 $0xFF80, v53;
	v18 =	vor.u32 v16, v63;
	[tilespmem:v4+s22+$0x0] =	vst.idx.add.s32.msk $0xffff, v1  }
0x7b: {  	v21 =	vand.u32 $0x7F, v53;
	v19 =	vadd.s32 v2, v8;
	v20 =	vadd.s32 v2, v17;
	[tilespmem:v12+s22+$0x0] =	vst.idx.add.s32.msk $0xffff, v1  }
0x7c: {  	v11 =	vshrl.u32 v53, $0x10;
	v22 =	vand.u32 $0xFF80, v55;
	v23 =	vor.u32 v21, v20;
	[tilespmem:v5+s22+$0x0] =	vst.idx.add.s32.msk $0xffff, v1  }
0x7d: {  	v24 =	vadd.s32 v2, v11;
	v25 =	vadd.s32 v2, v22;
	[tilespmem:v3+s22+$0x0] =	vst.idx.add.s32.msk $0xffff, v1;
	v3 =	vand.u32 $0x7F, v55  }
0x7e: {  	v10 =	vshrl.u32 v55, $0x10;
	v26 =	vand.u32 $0xFF80, v57;
	[tilespmem:v62+s22+$0x0] =	vst.idx.add.s32.msk $0xffff, v1;
	v3 =	vor.u32 v3, v25  }
0x7f: {  	v29 =	vand.u32 $0x7F, v57;
	v27 =	vadd.s32 v2, v10;
	v28 =	vadd.s32 v2, v26;
	[tilespmem:v18+s22+$0x0] =	vst.idx.add.s32.msk $0xffff, v1  }
0x80: {  	v30 =	vshrl.u32 v57, $0x10;
	v4 =	vor.u32 v29, v28;
	[tilespmem:v19+s22+$0x0] =	vst.idx.add.s32.msk $0xffff, v1  }
0x81: {  	v31 =	vadd.s32 v2, v30;
	[tilespmem:v23+s22+$0x0] =	vst.idx.add.s32.msk $0xffff, v1  }
0x82: {  	[tilespmem:v24+s22+$0x0] =	vst.idx.add.s32.msk $0xffff, v1  }
0x83: {  	[tilespmem:v3+s22+$0x0] =	vst.idx.add.s32.msk $0xffff, v1  }
0x84: {  	[tilespmem:v27+s22+$0x0] =	vst.idx.add.s32.msk $0xffff, v1  }
0x85: {  	[tilespmem:v4+s22+$0x0] =	vst.idx.add.s32.msk $0xffff, v1  }
0x86: {  	[tilespmem:v31+s22+$0x0] =	vst.idx.add.s32.msk $0xffff, v1  }
0x87: {  	v3 =	vld [tilespmem:s18+$0x1000];
	_ =	sdelay $0x1  }
0x88: {  	v4 =	vld [tilespmem:s18+$0x1010];
	_ =	sdelay $0x1  }
0x89: {  	v5 =	vld [tilespmem:s18+$0x1020]  }
0x8a: {  	v32 =	vand.u32 $0xFF80, v3  }
0x8b: {  	v7 =	vld [tilespmem:s18+$0x1030];
	v33 =	vand.u32 $0x7F, v3;
	v6 =	vadd.s32 v2, v32  }
0x8c: {  	v3 =	vshrl.u32 v3, $0x10;
	v34 =	vand.u32 $0xFF80, v4;
	v6 =	vor.u32 v33, v6  }
0x8d: {  	v35 =	vld [tilespmem:s18+$0x1040];
	v36 =	vand.u32 $0x7F, v4;
	v3 =	vadd.s32 v2, v3;
	v9 =	vadd.s32 v2, v34  }
0x8e: {  	v37 =	vld [tilespmem:s18+$0x1050];
	v4 =	vshrl.u32 v4, $0x10;
	v38 =	vand.u32 $0xFF80, v5;
	v9 =	vor.u32 v36, v9  }
0x8f: {  	v39 =	vld [tilespmem:s18+$0x1060];
	v40 =	vand.u32 $0x7F, v5;
	v4 =	vadd.s32 v2, v4;
	v12 =	vadd.s32 v2, v38  }
0x90: {  	v41 =	vld [tilespmem:s18+$0x1070];
	v5 =	vshrl.u32 v5, $0x10;
	v42 =	vand.u32 $0xFF80, v7;
	v12 =	vor.u32 v40, v12  }
0x91: {  	v44 =	vand.u32 $0x7F, v7;
	v5 =	vadd.s32 v2, v5;
	v43 =	vadd.s32 v2, v42;
	[tilespmem:v6+s22+$0x0] =	vst.idx.add.s32.msk $0xffff, v1  }
0x92: {  	v7 =	vshrl.u32 v7, $0x10;
	v45 =	vand.u32 $0xFF80, v35;
	[tilespmem:v3+s22+$0x0] =	vst.idx.add.s32.msk $0xffff, v1;
	v3 =	vor.u32 v44, v43  }
0x93: {  	v48 =	vand.u32 $0x7F, v35;
	v46 =	vadd.s32 v2, v7;
	v47 =	vadd.s32 v2, v45;
	[tilespmem:v9+s22+$0x0] =	vst.idx.add.s32.msk $0xffff, v1  }
0x94: {  	v8 =	vshrl.u32 v35, $0x10;
	v49 =	vand.u32 $0xFF80, v37;
	v50 =	vor.u32 v48, v47;
	[tilespmem:v4+s22+$0x0] =	vst.idx.add.s32.msk $0xffff, v1  }
0x95: {  	v53 =	vand.u32 $0x7F, v37;
	v51 =	vadd.s32 v2, v8;
	v52 =	vadd.s32 v2, v49;
	[tilespmem:v12+s22+$0x0] =	vst.idx.add.s32.msk $0xffff, v1  }
0x96: {  	v11 =	vshrl.u32 v37, $0x10;
	v54 =	vand.u32 $0xFF80, v39;
	v55 =	vor.u32 v53, v52;
	[tilespmem:v5+s22+$0x0] =	vst.idx.add.s32.msk $0xffff, v1  }
0x97: {  	v56 =	vadd.s32 v2, v11;
	v57 =	vadd.s32 v2, v54;
	[tilespmem:v3+s22+$0x0] =	vst.idx.add.s32.msk $0xffff, v1;
	v3 =	vand.u32 $0x7F, v39  }
0x98: {  	v10 =	vshrl.u32 v39, $0x10;
	v58 =	vand.u32 $0xFF80, v41;
	[tilespmem:v46+s22+$0x0] =	vst.idx.add.s32.msk $0xffff, v1;
	v3 =	vor.u32 v3, v57  }
0x99: {  	v61 =	vand.u32 $0x7F, v41;
	v59 =	vadd.s32 v2, v10;
	v60 =	vadd.s32 v2, v58;
	[tilespmem:v50+s22+$0x0] =	vst.idx.add.s32.msk $0xffff, v1  }
0x9a: {  	v62 =	vshrl.u32 v41, $0x10;
	v4 =	vor.u32 v61, v60;
	[tilespmem:v51+s22+$0x0] =	vst.idx.add.s32.msk $0xffff, v1  }
0x9b: {  	p0 =	sne.s32 s1, $0xFFFFFE00;
	v63 =	vadd.s32 v2, v62;
	[tilespmem:v55+s22+$0x0] =	vst.idx.add.s32.msk $0xffff, v1  }
.Ltmp3:
0x9c: {  	[tilespmem:v56+s22+$0x0] =	vst.idx.add.s32.msk $0xffff, v1;
	(pc) =	sbr.rel @p0 .LBB2_5-.Ltmp3, $4  }
0x9d: {  	[tilespmem:v3+s22+$0x0] =	vst.idx.add.s32.msk $0xffff, v1  }
0x9e: {  	[tilespmem:v59+s22+$0x0] =	vst.idx.add.s32.msk $0xffff, v1  }
0x9f: {  	[tilespmem:v4+s22+$0x0] =	vst.idx.add.s32.msk $0xffff, v1  }
0xa0: {  	s1 =	sadd.s32 $0x200, s1;
	[tilespmem:v63+s22+$0x0] =	vst.idx.add.s32.msk $0xffff, v1  }
0xa1: {  	s1 =	sshll.u32 s31, $0x2;
	p0 =	seq.s32 s31, $0x12;
	s18 =	sadd.s32 s0, s10  }
0xa2: {  	s19 =	sadd.s32 @!p0 s1, s9;
	s26 =	smulhi.u32 $0x6BCA1AF3, s18  }
0xa3: {  	s19 =	sshll.u32 @!p0 s19, $0x9  }
0xa4: {  	s19 =	sand.u32 @!p0 $0x1FFFF800, s19;
	s26 =	sshrl.u32 s26, $0x8  }
0xa5: {  	s28 =	simm.s32 @!p0 $0x0;
	s19 =	sadd.s32 @!p0 s3, s19;
	s26 =	smul.u32 $0x260, s26  }
0xa6: {  	[tilespmem:s28], [sflag:$0x1] =	stream.linear.gather @!p0 [hbm4b:s19+s28], $0x1000, $0x38;
	[tilespmem:$0x17000] =	vst v63  }
0xa7: {  	s18 =	ssub.s32 s18, s26  }
0xa8: {  	_ =	swait.ge [sflag:s23], $0x1000;
	s18 =	sshll.u32 s18, $0x7  }
0xa9: {  	[sflag:s23] =	ssyncset.done $0x0;
	s18 =	sand.u32 $0x1F000, s18  }
0xaa: {  	[sflag:s23] =	ssyncadd.s32 $0xFFFFF000;
	v2 =	vmov s18;
	s18 =	simm.s32 $0xFFFFF000  }
.LBB2_7:
0xab: {  	s19 =	sshra.s32 s18, $0x2  }
0xac: {  	v3 =	vld [tilespmem:s19+$0x1400];
	_ =	sdelay $0x1  }
0xad: {  	v4 =	vld [tilespmem:s19+$0x1410];
	_ =	sdelay $0x1  }
0xae: {  	v5 =	vld [tilespmem:s19+$0x1420]  }
0xaf: {  	v6 =	vand.u32 $0xFF80, v3  }
0xb0: {  	v7 =	vld [tilespmem:s19+$0x1430];
	v8 =	vand.u32 $0x7F, v3;
	v6 =	vadd.s32 v2, v6  }
0xb1: {  	v3 =	vshrl.u32 v3, $0x10;
	v9 =	vand.u32 $0xFF80, v4;
	v6 =	vor.u32 v8, v6  }
0xb2: {  	v45 =	vld [tilespmem:s19+$0x1440];
	v10 =	vand.u32 $0x7F, v4;
	v3 =	vadd.s32 v2, v3;
	v9 =	vadd.s32 v2, v9  }
0xb3: {  	v11 =	vld [tilespmem:s19+$0x1450];
	v4 =	vshrl.u32 v4, $0x10;
	v12 =	vand.u32 $0xFF80, v5;
	v9 =	vor.u32 v10, v9  }
0xb4: {  	v46 =	vld [tilespmem:s19+$0x1460];
	v13 =	vand.u32 $0x7F, v5;
	v4 =	vadd.s32 v2, v4;
	v12 =	vadd.s32 v2, v12  }
0xb5: {  	v14 =	vld [tilespmem:s19+$0x1470];
	v5 =	vshrl.u32 v5, $0x10;
	v15 =	vand.u32 $0xFF80, v7;
	v12 =	vor.u32 v13, v12  }
0xb6: {  	v48 =	vand.u32 $0x7F, v7;
	v5 =	vadd.s32 v2, v5;
	v47 =	vadd.s32 v2, v15;
	[tilespmem:v6+s22+$0x0] =	vst.idx.add.s32.msk $0xffff, v1  }
0xb7: {  	v7 =	vshrl.u32 v7, $0x10;
	v49 =	vand.u32 $0xFF80, v45;
	[tilespmem:v3+s22+$0x0] =	vst.idx.add.s32.msk $0xffff, v1;
	v3 =	vor.u32 v48, v47  }
0xb8: {  	v52 =	vand.u32 $0x7F, v45;
	v50 =	vadd.s32 v2, v7;
	v51 =	vadd.s32 v2, v49;
	[tilespmem:v9+s22+$0x0] =	vst.idx.add.s32.msk $0xffff, v1  }
0xb9: {  	v53 =	vand.u32 $0xFF80, v11;
	v8 =	vshrl.u32 v45, $0x10;
	v54 =	vor.u32 v52, v51;
	[tilespmem:v4+s22+$0x0] =	vst.idx.add.s32.msk $0xffff, v1  }
0xba: {  	v57 =	vand.u32 $0x7F, v11;
	v56 =	vadd.s32 v2, v53;
	v55 =	vadd.s32 v2, v8;
	[tilespmem:v12+s22+$0x0] =	vst.idx.add.s32.msk $0xffff, v1  }
0xbb: {  	v11 =	vshrl.u32 v11, $0x10;
	v58 =	vand.u32 $0xFF80, v46;
	v59 =	vor.u32 v57, v56;
	[tilespmem:v5+s22+$0x0] =	vst.idx.add.s32.msk $0xffff, v1  }
0xbc: {  	v60 =	vadd.s32 v2, v11;
	v61 =	vadd.s32 v2, v58;
	[tilespmem:v3+s22+$0x0] =	vst.idx.add.s32.msk $0xffff, v1;
	v3 =	vand.u32 $0x7F, v46  }
0xbd: {  	v62 =	vand.u32 $0xFF80, v14;
	v10 =	vshrl.u32 v46, $0x10;
	[tilespmem:v50+s22+$0x0] =	vst.idx.add.s32.msk $0xffff, v1;
	v3 =	vor.u32 v3, v61  }
0xbe: {  	v13 =	vand.u32 $0x7F, v14;
	v63 =	vadd.s32 v2, v10;
	v12 =	vadd.s32 v2, v62;
	[tilespmem:v54+s22+$0x0] =	vst.idx.add.s32.msk $0xffff, v1  }
0xbf: {  	v14 =	vshrl.u32 v14, $0x10;
	v4 =	vor.u32 v13, v12;
	[tilespmem:v55+s22+$0x0] =	vst.idx.add.s32.msk $0xffff, v1  }
0xc0: {  	v15 =	vadd.s32 v2, v14;
	[tilespmem:v59+s22+$0x0] =	vst.idx.add.s32.msk $0xffff, v1  }
0xc1: {  	[tilespmem:v60+s22+$0x0] =	vst.idx.add.s32.msk $0xffff, v1  }
0xc2: {  	[tilespmem:v3+s22+$0x0] =	vst.idx.add.s32.msk $0xffff, v1  }
0xc3: {  	[tilespmem:v63+s22+$0x0] =	vst.idx.add.s32.msk $0xffff, v1  }
0xc4: {  	[tilespmem:v4+s22+$0x0] =	vst.idx.add.s32.msk $0xffff, v1  }
0xc5: {  	[tilespmem:v15+s22+$0x0] =	vst.idx.add.s32.msk $0xffff, v1  }
0xc6: {  	v3 =	vld [tilespmem:s19+$0x1800];
	_ =	sdelay $0x1  }
0xc7: {  	v4 =	vld [tilespmem:s19+$0x1810];
	_ =	sdelay $0x1  }
0xc8: {  	v5 =	vld [tilespmem:s19+$0x1820]  }
0xc9: {  	v16 =	vand.u32 $0xFF80, v3  }
0xca: {  	v7 =	vld [tilespmem:s19+$0x1830];
	v17 =	vand.u32 $0x7F, v3;
	v6 =	vadd.s32 v2, v16  }
0xcb: {  	v3 =	vshrl.u32 v3, $0x10;
	v18 =	vand.u32 $0xFF80, v4;
	v6 =	vor.u32 v17, v6  }
0xcc: {  	v19 =	vld [tilespmem:s19+$0x1840];
	v20 =	vand.u32 $0x7F, v4;
	v3 =	vadd.s32 v2, v3;
	v9 =	vadd.s32 v2, v18  }
0xcd: {  	v21 =	vld [tilespmem:s19+$0x1850];
	v4 =	vshrl.u32 v4, $0x10;
	v22 =	vand.u32 $0xFF80, v5;
	v9 =	vor.u32 v20, v9  }
0xce: {  	v23 =	vld [tilespmem:s19+$0x1860];
	v24 =	vand.u32 $0x7F, v5;
	v4 =	vadd.s32 v2, v4;
	v12 =	vadd.s32 v2, v22  }
0xcf: {  	v25 =	vld [tilespmem:s19+$0x1870];
	v5 =	vshrl.u32 v5, $0x10;
	v26 =	vand.u32 $0xFF80, v7;
	v12 =	vor.u32 v24, v12  }
0xd0: {  	v28 =	vand.u32 $0x7F, v7;
	v5 =	vadd.s32 v2, v5;
	v27 =	vadd.s32 v2, v26;
	[tilespmem:v6+s22+$0x0] =	vst.idx.add.s32.msk $0xffff, v1  }
0xd1: {  	v7 =	vshrl.u32 v7, $0x10;
	v29 =	vand.u32 $0xFF80, v19;
	[tilespmem:v3+s22+$0x0] =	vst.idx.add.s32.msk $0xffff, v1;
	v3 =	vor.u32 v28, v27  }
0xd2: {  	v32 =	vand.u32 $0x7F, v19;
	v30 =	vadd.s32 v2, v7;
	v31 =	vadd.s32 v2, v29;
	[tilespmem:v9+s22+$0x0] =	vst.idx.add.s32.msk $0xffff, v1  }
0xd3: {  	v8 =	vshrl.u32 v19, $0x10;
	v33 =	vand.u32 $0xFF80, v21;
	v34 =	vor.u32 v32, v31;
	[tilespmem:v4+s22+$0x0] =	vst.idx.add.s32.msk $0xffff, v1  }
0xd4: {  	v37 =	vand.u32 $0x7F, v21;
	v35 =	vadd.s32 v2, v8;
	v36 =	vadd.s32 v2, v33;
	[tilespmem:v12+s22+$0x0] =	vst.idx.add.s32.msk $0xffff, v1  }
0xd5: {  	v11 =	vshrl.u32 v21, $0x10;
	v38 =	vand.u32 $0xFF80, v23;
	v39 =	vor.u32 v37, v36;
	[tilespmem:v5+s22+$0x0] =	vst.idx.add.s32.msk $0xffff, v1  }
0xd6: {  	v40 =	vadd.s32 v2, v11;
	v41 =	vadd.s32 v2, v38;
	[tilespmem:v3+s22+$0x0] =	vst.idx.add.s32.msk $0xffff, v1;
	v3 =	vand.u32 $0x7F, v23  }
0xd7: {  	v10 =	vshrl.u32 v23, $0x10;
	v42 =	vand.u32 $0xFF80, v25;
	[tilespmem:v30+s22+$0x0] =	vst.idx.add.s32.msk $0xffff, v1;
	v3 =	vor.u32 v3, v41  }
0xd8: {  	v45 =	vand.u32 $0x7F, v25;
	v43 =	vadd.s32 v2, v10;
	v44 =	vadd.s32 v2, v42;
	[tilespmem:v34+s22+$0x0] =	vst.idx.add.s32.msk $0xffff, v1  }
0xd9: {  	v46 =	vshrl.u32 v25, $0x10;
	v4 =	vor.u32 v45, v44;
	[tilespmem:v35+s22+$0x0] =	vst.idx.add.s32.msk $0xffff, v1  }
0xda: {  	v47 =	vadd.s32 v2, v46;
	[tilespmem:v39+s22+$0x0] =	vst.idx.add.s32.msk $0xffff, v1  }
0xdb: {  	[tilespmem:v40+s22+$0x0] =	vst.idx.add.s32.msk $0xffff, v1  }
0xdc: {  	[tilespmem:v3+s22+$0x0] =	vst.idx.add.s32.msk $0xffff, v1  }
0xdd: {  	[tilespmem:v43+s22+$0x0] =	vst.idx.add.s32.msk $0xffff, v1  }
0xde: {  	[tilespmem:v4+s22+$0x0] =	vst.idx.add.s32.msk $0xffff, v1  }
0xdf: {  	[tilespmem:v47+s22+$0x0] =	vst.idx.add.s32.msk $0xffff, v1  }
0xe0: {  	v3 =	vld [tilespmem:s19+$0x1C00];
	_ =	sdelay $0x1  }
0xe1: {  	v4 =	vld [tilespmem:s19+$0x1C10];
	_ =	sdelay $0x1  }
0xe2: {  	v5 =	vld [tilespmem:s19+$0x1C20]  }
0xe3: {  	v48 =	vand.u32 $0xFF80, v3  }
0xe4: {  	v7 =	vld [tilespmem:s19+$0x1C30];
	v49 =	vand.u32 $0x7F, v3;
	v6 =	vadd.s32 v2, v48  }
0xe5: {  	v3 =	vshrl.u32 v3, $0x10;
	v50 =	vand.u32 $0xFF80, v4;
	v6 =	vor.u32 v49, v6  }
0xe6: {  	v51 =	vld [tilespmem:s19+$0x1C40];
	v52 =	vand.u32 $0x7F, v4;
	v3 =	vadd.s32 v2, v3;
	v9 =	vadd.s32 v2, v50  }
0xe7: {  	v53 =	vld [tilespmem:s19+$0x1C50];
	v4 =	vshrl.u32 v4, $0x10;
	v54 =	vand.u32 $0xFF80, v5;
	v9 =	vor.u32 v52, v9  }
0xe8: {  	v55 =	vld [tilespmem:s19+$0x1C60];
	v56 =	vand.u32 $0x7F, v5;
	v4 =	vadd.s32 v2, v4;
	v12 =	vadd.s32 v2, v54  }
0xe9: {  	v57 =	vld [tilespmem:s19+$0x1C70];
	v5 =	vshrl.u32 v5, $0x10;
	v58 =	vand.u32 $0xFF80, v7;
	v12 =	vor.u32 v56, v12  }
0xea: {  	v60 =	vand.u32 $0x7F, v7;
	v5 =	vadd.s32 v2, v5;
	v59 =	vadd.s32 v2, v58;
	[tilespmem:v6+s22+$0x0] =	vst.idx.add.s32.msk $0xffff, v1  }
0xeb: {  	v7 =	vshrl.u32 v7, $0x10;
	v61 =	vand.u32 $0xFF80, v51;
	[tilespmem:v3+s22+$0x0] =	vst.idx.add.s32.msk $0xffff, v1;
	v3 =	vor.u32 v60, v59  }
0xec: {  	v16 =	vand.u32 $0x7F, v51;
	v62 =	vadd.s32 v2, v7;
	v63 =	vadd.s32 v2, v61;
	[tilespmem:v9+s22+$0x0] =	vst.idx.add.s32.msk $0xffff, v1  }
0xed: {  	v8 =	vshrl.u32 v51, $0x10;
	v17 =	vand.u32 $0xFF80, v53;
	v18 =	vor.u32 v16, v63;
	[tilespmem:v4+s22+$0x0] =	vst.idx.add.s32.msk $0xffff, v1  }
0xee: {  	v21 =	vand.u32 $0x7F, v53;
	v19 =	vadd.s32 v2, v8;
	v20 =	vadd.s32 v2, v17;
	[tilespmem:v12+s22+$0x0] =	vst.idx.add.s32.msk $0xffff, v1  }
0xef: {  	v11 =	vshrl.u32 v53, $0x10;
	v22 =	vand.u32 $0xFF80, v55;
	v23 =	vor.u32 v21, v20;
	[tilespmem:v5+s22+$0x0] =	vst.idx.add.s32.msk $0xffff, v1  }
0xf0: {  	v24 =	vadd.s32 v2, v11;
	v25 =	vadd.s32 v2, v22;
	[tilespmem:v3+s22+$0x0] =	vst.idx.add.s32.msk $0xffff, v1;
	v3 =	vand.u32 $0x7F, v55  }
0xf1: {  	v10 =	vshrl.u32 v55, $0x10;
	v26 =	vand.u32 $0xFF80, v57;
	[tilespmem:v62+s22+$0x0] =	vst.idx.add.s32.msk $0xffff, v1;
	v3 =	vor.u32 v3, v25  }
0xf2: {  	v29 =	vand.u32 $0x7F, v57;
	v27 =	vadd.s32 v2, v10;
	v28 =	vadd.s32 v2, v26;
	[tilespmem:v18+s22+$0x0] =	vst.idx.add.s32.msk $0xffff, v1  }
0xf3: {  	v30 =	vshrl.u32 v57, $0x10;
	v4 =	vor.u32 v29, v28;
	[tilespmem:v19+s22+$0x0] =	vst.idx.add.s32.msk $0xffff, v1  }
0xf4: {  	v31 =	vadd.s32 v2, v30;
	[tilespmem:v23+s22+$0x0] =	vst.idx.add.s32.msk $0xffff, v1  }
0xf5: {  	[tilespmem:v24+s22+$0x0] =	vst.idx.add.s32.msk $0xffff, v1  }
0xf6: {  	[tilespmem:v3+s22+$0x0] =	vst.idx.add.s32.msk $0xffff, v1  }
0xf7: {  	[tilespmem:v27+s22+$0x0] =	vst.idx.add.s32.msk $0xffff, v1  }
0xf8: {  	[tilespmem:v4+s22+$0x0] =	vst.idx.add.s32.msk $0xffff, v1  }
0xf9: {  	[tilespmem:v31+s22+$0x0] =	vst.idx.add.s32.msk $0xffff, v1  }
0xfa: {  	v3 =	vld [tilespmem:s19+$0x2000];
	_ =	sdelay $0x1  }
0xfb: {  	v4 =	vld [tilespmem:s19+$0x2010];
	_ =	sdelay $0x1  }
0xfc: {  	v5 =	vld [tilespmem:s19+$0x2020]  }
0xfd: {  	v32 =	vand.u32 $0xFF80, v3  }
0xfe: {  	v7 =	vld [tilespmem:s19+$0x2030];
	v33 =	vand.u32 $0x7F, v3;
	v6 =	vadd.s32 v2, v32  }
0xff: {  	v3 =	vshrl.u32 v3, $0x10;
	v34 =	vand.u32 $0xFF80, v4;
	v6 =	vor.u32 v33, v6  }
0x100: {  	v35 =	vld [tilespmem:s19+$0x2040];
	v36 =	vand.u32 $0x7F, v4;
	v3 =	vadd.s32 v2, v3;
	v9 =	vadd.s32 v2, v34  }
0x101: {  	v37 =	vld [tilespmem:s19+$0x2050];
	v4 =	vshrl.u32 v4, $0x10;
	v38 =	vand.u32 $0xFF80, v5;
	v9 =	vor.u32 v36, v9  }
0x102: {  	v39 =	vld [tilespmem:s19+$0x2060];
	v40 =	vand.u32 $0x7F, v5;
	v4 =	vadd.s32 v2, v4;
	v12 =	vadd.s32 v2, v38  }
0x103: {  	v41 =	vld [tilespmem:s19+$0x2070];
	v5 =	vshrl.u32 v5, $0x10;
	v42 =	vand.u32 $0xFF80, v7;
	v12 =	vor.u32 v40, v12  }
0x104: {  	v44 =	vand.u32 $0x7F, v7;
	v5 =	vadd.s32 v2, v5;
	v43 =	vadd.s32 v2, v42;
	[tilespmem:v6+s22+$0x0] =	vst.idx.add.s32.msk $0xffff, v1  }
0x105: {  	v7 =	vshrl.u32 v7, $0x10;
	v45 =	vand.u32 $0xFF80, v35;
	[tilespmem:v3+s22+$0x0] =	vst.idx.add.s32.msk $0xffff, v1;
	v3 =	vor.u32 v44, v43  }
0x106: {  	v48 =	vand.u32 $0x7F, v35;
	v46 =	vadd.s32 v2, v7;
	v47 =	vadd.s32 v2, v45;
	[tilespmem:v9+s22+$0x0] =	vst.idx.add.s32.msk $0xffff, v1  }
0x107: {  	v8 =	vshrl.u32 v35, $0x10;
	v49 =	vand.u32 $0xFF80, v37;
	v50 =	vor.u32 v48, v47;
	[tilespmem:v4+s22+$0x0] =	vst.idx.add.s32.msk $0xffff, v1  }
0x108: {  	v53 =	vand.u32 $0x7F, v37;
	v51 =	vadd.s32 v2, v8;
	v52 =	vadd.s32 v2, v49;
	[tilespmem:v12+s22+$0x0] =	vst.idx.add.s32.msk $0xffff, v1  }
0x109: {  	v11 =	vshrl.u32 v37, $0x10;
	v54 =	vand.u32 $0xFF80, v39;
	v55 =	vor.u32 v53, v52;
	[tilespmem:v5+s22+$0x0] =	vst.idx.add.s32.msk $0xffff, v1  }
0x10a: {  	v56 =	vadd.s32 v2, v11;
	v57 =	vadd.s32 v2, v54;
	[tilespmem:v3+s22+$0x0] =	vst.idx.add.s32.msk $0xffff, v1;
	v3 =	vand.u32 $0x7F, v39  }
0x10b: {  	v10 =	vshrl.u32 v39, $0x10;
	v58 =	vand.u32 $0xFF80, v41;
	[tilespmem:v46+s22+$0x0] =	vst.idx.add.s32.msk $0xffff, v1;
	v3 =	vor.u32 v3, v57  }
0x10c: {  	v61 =	vand.u32 $0x7F, v41;
	v59 =	vadd.s32 v2, v10;
	v60 =	vadd.s32 v2, v58;
	[tilespmem:v50+s22+$0x0] =	vst.idx.add.s32.msk $0xffff, v1  }
0x10d: {  	v62 =	vshrl.u32 v41, $0x10;
	v4 =	vor.u32 v61, v60;
	[tilespmem:v51+s22+$0x0] =	vst.idx.add.s32.msk $0xffff, v1  }
0x10e: {  	p1 =	sne.s32 s18, $0xFFFFFE00;
	v63 =	vadd.s32 v2, v62;
	[tilespmem:v55+s22+$0x0] =	vst.idx.add.s32.msk $0xffff, v1  }
.Ltmp4:
0x10f: {  	[tilespmem:v56+s22+$0x0] =	vst.idx.add.s32.msk $0xffff, v1;
	(pc) =	sbr.rel @p1 .LBB2_7-.Ltmp4, $4  }
0x110: {  	[tilespmem:v3+s22+$0x0] =	vst.idx.add.s32.msk $0xffff, v1  }
0x111: {  	[tilespmem:v59+s22+$0x0] =	vst.idx.add.s32.msk $0xffff, v1  }
0x112: {  	[tilespmem:v4+s22+$0x0] =	vst.idx.add.s32.msk $0xffff, v1  }
0x113: {  	s18 =	sadd.s32 $0x200, s18;
	[tilespmem:v63+s22+$0x0] =	vst.idx.add.s32.msk $0xffff, v1  }
0x114: {  	s18 =	sadd.s32 s0, s12  }
0x115: {  	s26 =	smulhi.u32 $0x6BCA1AF3, s18  }
0x116: {  	s19 =	sadd.s32 @!p0 s1, s11  }
0x117: {  	s28 =	simm.s32 @!p0 $0x0;
	s19 =	sshll.u32 @!p0 s19, $0x9;
	s26 =	sshrl.u32 s26, $0x8  }
0x118: {  	s6 =	simm.s32 @!p0 $0x1000;
	s19 =	sadd.s32 @!p0 s3, s19;
	s26 =	smul.u32 $0x260, s26  }
0x119: {  	[tilespmem:s6], [sflag:$0x2] =	stream.linear.gather @!p0 [hbm4b:s19+s28], $0x1000, $0x38;
	[tilespmem:$0x17000] =	vst v63  }
0x11a: {  	s28 =	ssub.s32 s18, s26  }
0x11b: {  	_ =	swait.ge [sflag:s24], $0x1000;
	s6 =	sshll.u32 s28, $0x7  }
0x11c: {  	[sflag:s24] =	ssyncset.done $0x0;
	s6 =	sand.u32 $0x1F000, s6  }
0x11d: {  	[sflag:s24] =	ssyncadd.s32 $0xFFFFF000;
	s18 =	simm.s32 $0xFFFFF000;
	v2 =	vmov s6  }
.LBB2_9:
0x11e: {  	s19 =	sshra.s32 s18, $0x2  }
0x11f: {  	v3 =	vld [tilespmem:s19+$0x2400];
	_ =	sdelay $0x1  }
0x120: {  	v4 =	vld [tilespmem:s19+$0x2410];
	_ =	sdelay $0x1  }
0x121: {  	v5 =	vld [tilespmem:s19+$0x2420]  }
0x122: {  	v6 =	vand.u32 $0xFF80, v3  }
0x123: {  	v7 =	vld [tilespmem:s19+$0x2430];
	v8 =	vand.u32 $0x7F, v3;
	v6 =	vadd.s32 v2, v6  }
0x124: {  	v3 =	vshrl.u32 v3, $0x10;
	v9 =	vand.u32 $0xFF80, v4;
	v6 =	vor.u32 v8, v6  }
0x125: {  	v45 =	vld [tilespmem:s19+$0x2440];
	v10 =	vand.u32 $0x7F, v4;
	v3 =	vadd.s32 v2, v3;
	v9 =	vadd.s32 v2, v9  }
0x126: {  	v11 =	vld [tilespmem:s19+$0x2450];
	v4 =	vshrl.u32 v4, $0x10;
	v12 =	vand.u32 $0xFF80, v5;
	v9 =	vor.u32 v10, v9  }
0x127: {  	v46 =	vld [tilespmem:s19+$0x2460];
	v13 =	vand.u32 $0x7F, v5;
	v4 =	vadd.s32 v2, v4;
	v12 =	vadd.s32 v2, v12  }
0x128: {  	v14 =	vld [tilespmem:s19+$0x2470];
	v5 =	vshrl.u32 v5, $0x10;
	v15 =	vand.u32 $0xFF80, v7;
	v12 =	vor.u32 v13, v12  }
0x129: {  	v48 =	vand.u32 $0x7F, v7;
	v5 =	vadd.s32 v2, v5;
	v47 =	vadd.s32 v2, v15;
	[tilespmem:v6+s22+$0x0] =	vst.idx.add.s32.msk $0xffff, v1  }
0x12a: {  	v7 =	vshrl.u32 v7, $0x10;
	v49 =	vand.u32 $0xFF80, v45;
	[tilespmem:v3+s22+$0x0] =	vst.idx.add.s32.msk $0xffff, v1;
	v3 =	vor.u32 v48, v47  }
0x12b: {  	v52 =	vand.u32 $0x7F, v45;
	v50 =	vadd.s32 v2, v7;
	v51 =	vadd.s32 v2, v49;
	[tilespmem:v9+s22+$0x0] =	vst.idx.add.s32.msk $0xffff, v1  }
0x12c: {  	v53 =	vand.u32 $0xFF80, v11;
	v8 =	vshrl.u32 v45, $0x10;
	v54 =	vor.u32 v52, v51;
	[tilespmem:v4+s22+$0x0] =	vst.idx.add.s32.msk $0xffff, v1  }
0x12d: {  	v57 =	vand.u32 $0x7F, v11;
	v56 =	vadd.s32 v2, v53;
	v55 =	vadd.s32 v2, v8;
	[tilespmem:v12+s22+$0x0] =	vst.idx.add.s32.msk $0xffff, v1  }
0x12e: {  	v11 =	vshrl.u32 v11, $0x10;
	v58 =	vand.u32 $0xFF80, v46;
	v59 =	vor.u32 v57, v56;
	[tilespmem:v5+s22+$0x0] =	vst.idx.add.s32.msk $0xffff, v1  }
0x12f: {  	v60 =	vadd.s32 v2, v11;
	v61 =	vadd.s32 v2, v58;
	[tilespmem:v3+s22+$0x0] =	vst.idx.add.s32.msk $0xffff, v1;
	v3 =	vand.u32 $0x7F, v46  }
0x130: {  	v62 =	vand.u32 $0xFF80, v14;
	v10 =	vshrl.u32 v46, $0x10;
	[tilespmem:v50+s22+$0x0] =	vst.idx.add.s32.msk $0xffff, v1;
	v3 =	vor.u32 v3, v61  }
0x131: {  	v13 =	vand.u32 $0x7F, v14;
	v63 =	vadd.s32 v2, v10;
	v12 =	vadd.s32 v2, v62;
	[tilespmem:v54+s22+$0x0] =	vst.idx.add.s32.msk $0xffff, v1  }
0x132: {  	v14 =	vshrl.u32 v14, $0x10;
	v4 =	vor.u32 v13, v12;
	[tilespmem:v55+s22+$0x0] =	vst.idx.add.s32.msk $0xffff, v1  }
0x133: {  	v15 =	vadd.s32 v2, v14;
	[tilespmem:v59+s22+$0x0] =	vst.idx.add.s32.msk $0xffff, v1  }
0x134: {  	[tilespmem:v60+s22+$0x0] =	vst.idx.add.s32.msk $0xffff, v1  }
0x135: {  	[tilespmem:v3+s22+$0x0] =	vst.idx.add.s32.msk $0xffff, v1  }
0x136: {  	[tilespmem:v63+s22+$0x0] =	vst.idx.add.s32.msk $0xffff, v1  }
0x137: {  	[tilespmem:v4+s22+$0x0] =	vst.idx.add.s32.msk $0xffff, v1  }
0x138: {  	[tilespmem:v15+s22+$0x0] =	vst.idx.add.s32.msk $0xffff, v1  }
0x139: {  	v3 =	vld [tilespmem:s19+$0x2800];
	_ =	sdelay $0x1  }
0x13a: {  	v4 =	vld [tilespmem:s19+$0x2810];
	_ =	sdelay $0x1  }
0x13b: {  	v5 =	vld [tilespmem:s19+$0x2820]  }
0x13c: {  	v16 =	vand.u32 $0xFF80, v3  }
0x13d: {  	v7 =	vld [tilespmem:s19+$0x2830];
	v17 =	vand.u32 $0x7F, v3;
	v6 =	vadd.s32 v2, v16  }
0x13e: {  	v3 =	vshrl.u32 v3, $0x10;
	v18 =	vand.u32 $0xFF80, v4;
	v6 =	vor.u32 v17, v6  }
0x13f: {  	v19 =	vld [tilespmem:s19+$0x2840];
	v20 =	vand.u32 $0x7F, v4;
	v3 =	vadd.s32 v2, v3;
	v9 =	vadd.s32 v2, v18  }
0x140: {  	v21 =	vld [tilespmem:s19+$0x2850];
	v4 =	vshrl.u32 v4, $0x10;
	v22 =	vand.u32 $0xFF80, v5;
	v9 =	vor.u32 v20, v9  }
0x141: {  	v23 =	vld [tilespmem:s19+$0x2860];
	v24 =	vand.u32 $0x7F, v5;
	v4 =	vadd.s32 v2, v4;
	v12 =	vadd.s32 v2, v22  }
0x142: {  	v25 =	vld [tilespmem:s19+$0x2870];
	v5 =	vshrl.u32 v5, $0x10;
	v26 =	vand.u32 $0xFF80, v7;
	v12 =	vor.u32 v24, v12  }
0x143: {  	v28 =	vand.u32 $0x7F, v7;
	v5 =	vadd.s32 v2, v5;
	v27 =	vadd.s32 v2, v26;
	[tilespmem:v6+s22+$0x0] =	vst.idx.add.s32.msk $0xffff, v1  }
0x144: {  	v7 =	vshrl.u32 v7, $0x10;
	v29 =	vand.u32 $0xFF80, v19;
	[tilespmem:v3+s22+$0x0] =	vst.idx.add.s32.msk $0xffff, v1;
	v3 =	vor.u32 v28, v27  }
0x145: {  	v32 =	vand.u32 $0x7F, v19;
	v30 =	vadd.s32 v2, v7;
	v31 =	vadd.s32 v2, v29;
	[tilespmem:v9+s22+$0x0] =	vst.idx.add.s32.msk $0xffff, v1  }
0x146: {  	v8 =	vshrl.u32 v19, $0x10;
	v33 =	vand.u32 $0xFF80, v21;
	v34 =	vor.u32 v32, v31;
	[tilespmem:v4+s22+$0x0] =	vst.idx.add.s32.msk $0xffff, v1  }
0x147: {  	v37 =	vand.u32 $0x7F, v21;
	v35 =	vadd.s32 v2, v8;
	v36 =	vadd.s32 v2, v33;
	[tilespmem:v12+s22+$0x0] =	vst.idx.add.s32.msk $0xffff, v1  }
0x148: {  	v11 =	vshrl.u32 v21, $0x10;
	v38 =	vand.u32 $0xFF80, v23;
	v39 =	vor.u32 v37, v36;
	[tilespmem:v5+s22+$0x0] =	vst.idx.add.s32.msk $0xffff, v1  }
0x149: {  	v40 =	vadd.s32 v2, v11;
	v41 =	vadd.s32 v2, v38;
	[tilespmem:v3+s22+$0x0] =	vst.idx.add.s32.msk $0xffff, v1;
	v3 =	vand.u32 $0x7F, v23  }
0x14a: {  	v10 =	vshrl.u32 v23, $0x10;
	v42 =	vand.u32 $0xFF80, v25;
	[tilespmem:v30+s22+$0x0] =	vst.idx.add.s32.msk $0xffff, v1;
	v3 =	vor.u32 v3, v41  }
0x14b: {  	v45 =	vand.u32 $0x7F, v25;
	v43 =	vadd.s32 v2, v10;
	v44 =	vadd.s32 v2, v42;
	[tilespmem:v34+s22+$0x0] =	vst.idx.add.s32.msk $0xffff, v1  }
0x14c: {  	v46 =	vshrl.u32 v25, $0x10;
	v4 =	vor.u32 v45, v44;
	[tilespmem:v35+s22+$0x0] =	vst.idx.add.s32.msk $0xffff, v1  }
0x14d: {  	v47 =	vadd.s32 v2, v46;
	[tilespmem:v39+s22+$0x0] =	vst.idx.add.s32.msk $0xffff, v1  }
0x14e: {  	[tilespmem:v40+s22+$0x0] =	vst.idx.add.s32.msk $0xffff, v1  }
0x14f: {  	[tilespmem:v3+s22+$0x0] =	vst.idx.add.s32.msk $0xffff, v1  }
0x150: {  	[tilespmem:v43+s22+$0x0] =	vst.idx.add.s32.msk $0xffff, v1  }
0x151: {  	[tilespmem:v4+s22+$0x0] =	vst.idx.add.s32.msk $0xffff, v1  }
0x152: {  	[tilespmem:v47+s22+$0x0] =	vst.idx.add.s32.msk $0xffff, v1  }
0x153: {  	v3 =	vld [tilespmem:s19+$0x2C00];
	_ =	sdelay $0x1  }
0x154: {  	v4 =	vld [tilespmem:s19+$0x2C10];
	_ =	sdelay $0x1  }
0x155: {  	v5 =	vld [tilespmem:s19+$0x2C20]  }
0x156: {  	v48 =	vand.u32 $0xFF80, v3  }
0x157: {  	v7 =	vld [tilespmem:s19+$0x2C30];
	v49 =	vand.u32 $0x7F, v3;
	v6 =	vadd.s32 v2, v48  }
0x158: {  	v3 =	vshrl.u32 v3, $0x10;
	v50 =	vand.u32 $0xFF80, v4;
	v6 =	vor.u32 v49, v6  }
0x159: {  	v51 =	vld [tilespmem:s19+$0x2C40];
	v52 =	vand.u32 $0x7F, v4;
	v3 =	vadd.s32 v2, v3;
	v9 =	vadd.s32 v2, v50  }
0x15a: {  	v53 =	vld [tilespmem:s19+$0x2C50];
	v4 =	vshrl.u32 v4, $0x10;
	v54 =	vand.u32 $0xFF80, v5;
	v9 =	vor.u32 v52, v9  }
0x15b: {  	v55 =	vld [tilespmem:s19+$0x2C60];
	v56 =	vand.u32 $0x7F, v5;
	v4 =	vadd.s32 v2, v4;
	v12 =	vadd.s32 v2, v54  }
0x15c: {  	v57 =	vld [tilespmem:s19+$0x2C70];
	v5 =	vshrl.u32 v5, $0x10;
	v58 =	vand.u32 $0xFF80, v7;
	v12 =	vor.u32 v56, v12  }
0x15d: {  	v60 =	vand.u32 $0x7F, v7;
	v5 =	vadd.s32 v2, v5;
	v59 =	vadd.s32 v2, v58;
	[tilespmem:v6+s22+$0x0] =	vst.idx.add.s32.msk $0xffff, v1  }
0x15e: {  	v7 =	vshrl.u32 v7, $0x10;
	v61 =	vand.u32 $0xFF80, v51;
	[tilespmem:v3+s22+$0x0] =	vst.idx.add.s32.msk $0xffff, v1;
	v3 =	vor.u32 v60, v59  }
0x15f: {  	v16 =	vand.u32 $0x7F, v51;
	v62 =	vadd.s32 v2, v7;
	v63 =	vadd.s32 v2, v61;
	[tilespmem:v9+s22+$0x0] =	vst.idx.add.s32.msk $0xffff, v1  }
0x160: {  	v8 =	vshrl.u32 v51, $0x10;
	v17 =	vand.u32 $0xFF80, v53;
	v18 =	vor.u32 v16, v63;
	[tilespmem:v4+s22+$0x0] =	vst.idx.add.s32.msk $0xffff, v1  }
0x161: {  	v21 =	vand.u32 $0x7F, v53;
	v19 =	vadd.s32 v2, v8;
	v20 =	vadd.s32 v2, v17;
	[tilespmem:v12+s22+$0x0] =	vst.idx.add.s32.msk $0xffff, v1  }
0x162: {  	v11 =	vshrl.u32 v53, $0x10;
	v22 =	vand.u32 $0xFF80, v55;
	v23 =	vor.u32 v21, v20;
	[tilespmem:v5+s22+$0x0] =	vst.idx.add.s32.msk $0xffff, v1  }
0x163: {  	v24 =	vadd.s32 v2, v11;
	v25 =	vadd.s32 v2, v22;
	[tilespmem:v3+s22+$0x0] =	vst.idx.add.s32.msk $0xffff, v1;
	v3 =	vand.u32 $0x7F, v55  }
0x164: {  	v10 =	vshrl.u32 v55, $0x10;
	v26 =	vand.u32 $0xFF80, v57;
	[tilespmem:v62+s22+$0x0] =	vst.idx.add.s32.msk $0xffff, v1;
	v3 =	vor.u32 v3, v25  }
0x165: {  	v29 =	vand.u32 $0x7F, v57;
	v27 =	vadd.s32 v2, v10;
	v28 =	vadd.s32 v2, v26;
	[tilespmem:v18+s22+$0x0] =	vst.idx.add.s32.msk $0xffff, v1  }
0x166: {  	v30 =	vshrl.u32 v57, $0x10;
	v4 =	vor.u32 v29, v28;
	[tilespmem:v19+s22+$0x0] =	vst.idx.add.s32.msk $0xffff, v1  }
0x167: {  	v31 =	vadd.s32 v2, v30;
	[tilespmem:v23+s22+$0x0] =	vst.idx.add.s32.msk $0xffff, v1  }
0x168: {  	[tilespmem:v24+s22+$0x0] =	vst.idx.add.s32.msk $0xffff, v1  }
0x169: {  	[tilespmem:v3+s22+$0x0] =	vst.idx.add.s32.msk $0xffff, v1  }
0x16a: {  	[tilespmem:v27+s22+$0x0] =	vst.idx.add.s32.msk $0xffff, v1  }
0x16b: {  	[tilespmem:v4+s22+$0x0] =	vst.idx.add.s32.msk $0xffff, v1  }
0x16c: {  	[tilespmem:v31+s22+$0x0] =	vst.idx.add.s32.msk $0xffff, v1  }
0x16d: {  	v3 =	vld [tilespmem:s19+$0x3000];
	_ =	sdelay $0x1  }
0x16e: {  	v4 =	vld [tilespmem:s19+$0x3010];
	_ =	sdelay $0x1  }
0x16f: {  	v5 =	vld [tilespmem:s19+$0x3020]  }
0x170: {  	v32 =	vand.u32 $0xFF80, v3  }
0x171: {  	v7 =	vld [tilespmem:s19+$0x3030];
	v33 =	vand.u32 $0x7F, v3;
	v6 =	vadd.s32 v2, v32  }
0x172: {  	v3 =	vshrl.u32 v3, $0x10;
	v34 =	vand.u32 $0xFF80, v4;
	v6 =	vor.u32 v33, v6  }
0x173: {  	v35 =	vld [tilespmem:s19+$0x3040];
	v36 =	vand.u32 $0x7F, v4;
	v3 =	vadd.s32 v2, v3;
	v9 =	vadd.s32 v2, v34  }
0x174: {  	v37 =	vld [tilespmem:s19+$0x3050];
	v4 =	vshrl.u32 v4, $0x10;
	v38 =	vand.u32 $0xFF80, v5;
	v9 =	vor.u32 v36, v9  }
0x175: {  	v39 =	vld [tilespmem:s19+$0x3060];
	v40 =	vand.u32 $0x7F, v5;
	v4 =	vadd.s32 v2, v4;
	v12 =	vadd.s32 v2, v38  }
0x176: {  	v41 =	vld [tilespmem:s19+$0x3070];
	v5 =	vshrl.u32 v5, $0x10;
	v42 =	vand.u32 $0xFF80, v7;
	v12 =	vor.u32 v40, v12  }
0x177: {  	v44 =	vand.u32 $0x7F, v7;
	v5 =	vadd.s32 v2, v5;
	v43 =	vadd.s32 v2, v42;
	[tilespmem:v6+s22+$0x0] =	vst.idx.add.s32.msk $0xffff, v1  }
0x178: {  	v7 =	vshrl.u32 v7, $0x10;
	v45 =	vand.u32 $0xFF80, v35;
	[tilespmem:v3+s22+$0x0] =	vst.idx.add.s32.msk $0xffff, v1;
	v3 =	vor.u32 v44, v43  }
0x179: {  	v48 =	vand.u32 $0x7F, v35;
	v46 =	vadd.s32 v2, v7;
	v47 =	vadd.s32 v2, v45;
	[tilespmem:v9+s22+$0x0] =	vst.idx.add.s32.msk $0xffff, v1  }
0x17a: {  	v8 =	vshrl.u32 v35, $0x10;
	v49 =	vand.u32 $0xFF80, v37;
	v50 =	vor.u32 v48, v47;
	[tilespmem:v4+s22+$0x0] =	vst.idx.add.s32.msk $0xffff, v1  }
0x17b: {  	v53 =	vand.u32 $0x7F, v37;
	v51 =	vadd.s32 v2, v8;
	v52 =	vadd.s32 v2, v49;
	[tilespmem:v12+s22+$0x0] =	vst.idx.add.s32.msk $0xffff, v1  }
0x17c: {  	v11 =	vshrl.u32 v37, $0x10;
	v54 =	vand.u32 $0xFF80, v39;
	v55 =	vor.u32 v53, v52;
	[tilespmem:v5+s22+$0x0] =	vst.idx.add.s32.msk $0xffff, v1  }
0x17d: {  	v56 =	vadd.s32 v2, v11;
	v57 =	vadd.s32 v2, v54;
	[tilespmem:v3+s22+$0x0] =	vst.idx.add.s32.msk $0xffff, v1;
	v3 =	vand.u32 $0x7F, v39  }
0x17e: {  	v10 =	vshrl.u32 v39, $0x10;
	v58 =	vand.u32 $0xFF80, v41;
	[tilespmem:v46+s22+$0x0] =	vst.idx.add.s32.msk $0xffff, v1;
	v3 =	vor.u32 v3, v57  }
0x17f: {  	v61 =	vand.u32 $0x7F, v41;
	v59 =	vadd.s32 v2, v10;
	v60 =	vadd.s32 v2, v58;
	[tilespmem:v50+s22+$0x0] =	vst.idx.add.s32.msk $0xffff, v1  }
0x180: {  	v62 =	vshrl.u32 v41, $0x10;
	v4 =	vor.u32 v61, v60;
	[tilespmem:v51+s22+$0x0] =	vst.idx.add.s32.msk $0xffff, v1  }
0x181: {  	p1 =	sne.s32 s18, $0xFFFFFE00;
	v63 =	vadd.s32 v2, v62;
	[tilespmem:v55+s22+$0x0] =	vst.idx.add.s32.msk $0xffff, v1  }
.Ltmp5:
0x182: {  	[tilespmem:v56+s22+$0x0] =	vst.idx.add.s32.msk $0xffff, v1;
	(pc) =	sbr.rel @p1 .LBB2_9-.Ltmp5, $4  }
0x183: {  	[tilespmem:v3+s22+$0x0] =	vst.idx.add.s32.msk $0xffff, v1  }
0x184: {  	[tilespmem:v59+s22+$0x0] =	vst.idx.add.s32.msk $0xffff, v1  }
0x185: {  	[tilespmem:v4+s22+$0x0] =	vst.idx.add.s32.msk $0xffff, v1  }
0x186: {  	s18 =	sadd.s32 $0x200, s18;
	[tilespmem:v63+s22+$0x0] =	vst.idx.add.s32.msk $0xffff, v1  }
0x187: {  	s0 =	sadd.s32 s0, s14  }
0x188: {  	s6 =	sadd.s32 @!p0 s1, s13;
	s18 =	smulhi.u32 $0x6BCA1AF3, s0  }
0x189: {  	s6 =	sshll.u32 @!p0 s6, $0x9  }
0x18a: {  	s19 =	simm.s32 @!p0 $0x0;
	s6 =	sand.u32 @!p0 $0x1FFFFC00, s6;
	s18 =	sshrl.u32 s18, $0x8  }
0x18b: {  	s26 =	simm.s32 @!p0 $0x2000;
	s6 =	sadd.s32 @!p0 s3, s6;
	s18 =	smul.u32 $0x260, s18  }
0x18c: {  	[tilespmem:s26], [sflag:$0x3] =	stream.linear.gather @!p0 [hbm4b:s6+s19], $0x1000, $0x38;
	[tilespmem:$0x17000] =	vst v63  }
0x18d: {  	s0 =	ssub.s32 s0, s18  }
0x18e: {  	_ =	swait.ge [sflag:s25], $0x1000;
	s0 =	sshll.u32 s0, $0x7  }
0x18f: {  	[sflag:s25] =	ssyncset.done $0x0;
	s0 =	sand.u32 $0x1F000, s0  }
0x190: {  	[sflag:s25] =	ssyncadd.s32 $0xFFFFF000;
	v2 =	vmov s0;
	s0 =	simm.s32 $0xFFFFF000  }
.LBB2_11:
0x191: {  	s18 =	sshra.s32 s0, $0x2  }
0x192: {  	v3 =	vld [tilespmem:s18+$0x3400];
	_ =	sdelay $0x1  }
0x193: {  	v4 =	vld [tilespmem:s18+$0x3410];
	_ =	sdelay $0x1  }
0x194: {  	v5 =	vld [tilespmem:s18+$0x3420]  }
0x195: {  	v6 =	vand.u32 $0xFF80, v3  }
0x196: {  	v7 =	vld [tilespmem:s18+$0x3430];
	v8 =	vand.u32 $0x7F, v3;
	v6 =	vadd.s32 v2, v6  }
0x197: {  	v3 =	vshrl.u32 v3, $0x10;
	v9 =	vand.u32 $0xFF80, v4;
	v6 =	vor.u32 v8, v6  }
0x198: {  	v45 =	vld [tilespmem:s18+$0x3440];
	v10 =	vand.u32 $0x7F, v4;
	v3 =	vadd.s32 v2, v3;
	v9 =	vadd.s32 v2, v9  }
0x199: {  	v11 =	vld [tilespmem:s18+$0x3450];
	v4 =	vshrl.u32 v4, $0x10;
	v12 =	vand.u32 $0xFF80, v5;
	v9 =	vor.u32 v10, v9  }
0x19a: {  	v46 =	vld [tilespmem:s18+$0x3460];
	v13 =	vand.u32 $0x7F, v5;
	v4 =	vadd.s32 v2, v4;
	v12 =	vadd.s32 v2, v12  }
0x19b: {  	v14 =	vld [tilespmem:s18+$0x3470];
	v5 =	vshrl.u32 v5, $0x10;
	v15 =	vand.u32 $0xFF80, v7;
	v12 =	vor.u32 v13, v12  }
0x19c: {  	v48 =	vand.u32 $0x7F, v7;
	v5 =	vadd.s32 v2, v5;
	v47 =	vadd.s32 v2, v15;
	[tilespmem:v6+s22+$0x0] =	vst.idx.add.s32.msk $0xffff, v1  }
0x19d: {  	v7 =	vshrl.u32 v7, $0x10;
	v49 =	vand.u32 $0xFF80, v45;
	[tilespmem:v3+s22+$0x0] =	vst.idx.add.s32.msk $0xffff, v1;
	v3 =	vor.u32 v48, v47  }
0x19e: {  	v52 =	vand.u32 $0x7F, v45;
	v50 =	vadd.s32 v2, v7;
	v51 =	vadd.s32 v2, v49;
	[tilespmem:v9+s22+$0x0] =	vst.idx.add.s32.msk $0xffff, v1  }
0x19f: {  	v53 =	vand.u32 $0xFF80, v11;
	v8 =	vshrl.u32 v45, $0x10;
	v54 =	vor.u32 v52, v51;
	[tilespmem:v4+s22+$0x0] =	vst.idx.add.s32.msk $0xffff, v1  }
0x1a0: {  	v57 =	vand.u32 $0x7F, v11;
	v56 =	vadd.s32 v2, v53;
	v55 =	vadd.s32 v2, v8;
	[tilespmem:v12+s22+$0x0] =	vst.idx.add.s32.msk $0xffff, v1  }
0x1a1: {  	v11 =	vshrl.u32 v11, $0x10;
	v58 =	vand.u32 $0xFF80, v46;
	v59 =	vor.u32 v57, v56;
	[tilespmem:v5+s22+$0x0] =	vst.idx.add.s32.msk $0xffff, v1  }
0x1a2: {  	v60 =	vadd.s32 v2, v11;
	v61 =	vadd.s32 v2, v58;
	[tilespmem:v3+s22+$0x0] =	vst.idx.add.s32.msk $0xffff, v1;
	v3 =	vand.u32 $0x7F, v46  }
0x1a3: {  	v62 =	vand.u32 $0xFF80, v14;
	v10 =	vshrl.u32 v46, $0x10;
	[tilespmem:v50+s22+$0x0] =	vst.idx.add.s32.msk $0xffff, v1;
	v3 =	vor.u32 v3, v61  }
0x1a4: {  	v13 =	vand.u32 $0x7F, v14;
	v63 =	vadd.s32 v2, v10;
	v12 =	vadd.s32 v2, v62;
	[tilespmem:v54+s22+$0x0] =	vst.idx.add.s32.msk $0xffff, v1  }
0x1a5: {  	v14 =	vshrl.u32 v14, $0x10;
	v4 =	vor.u32 v13, v12;
	[tilespmem:v55+s22+$0x0] =	vst.idx.add.s32.msk $0xffff, v1  }
0x1a6: {  	v15 =	vadd.s32 v2, v14;
	[tilespmem:v59+s22+$0x0] =	vst.idx.add.s32.msk $0xffff, v1  }
0x1a7: {  	[tilespmem:v60+s22+$0x0] =	vst.idx.add.s32.msk $0xffff, v1  }
0x1a8: {  	[tilespmem:v3+s22+$0x0] =	vst.idx.add.s32.msk $0xffff, v1  }
0x1a9: {  	[tilespmem:v63+s22+$0x0] =	vst.idx.add.s32.msk $0xffff, v1  }
0x1aa: {  	[tilespmem:v4+s22+$0x0] =	vst.idx.add.s32.msk $0xffff, v1  }
0x1ab: {  	[tilespmem:v15+s22+$0x0] =	vst.idx.add.s32.msk $0xffff, v1  }
0x1ac: {  	v3 =	vld [tilespmem:s18+$0x3800];
	_ =	sdelay $0x1  }
0x1ad: {  	v4 =	vld [tilespmem:s18+$0x3810];
	_ =	sdelay $0x1  }
0x1ae: {  	v5 =	vld [tilespmem:s18+$0x3820]  }
0x1af: {  	v16 =	vand.u32 $0xFF80, v3  }
0x1b0: {  	v7 =	vld [tilespmem:s18+$0x3830];
	v17 =	vand.u32 $0x7F, v3;
	v6 =	vadd.s32 v2, v16  }
0x1b1: {  	v3 =	vshrl.u32 v3, $0x10;
	v18 =	vand.u32 $0xFF80, v4;
	v6 =	vor.u32 v17, v6  }
0x1b2: {  	v19 =	vld [tilespmem:s18+$0x3840];
	v20 =	vand.u32 $0x7F, v4;
	v3 =	vadd.s32 v2, v3;
	v9 =	vadd.s32 v2, v18  }
0x1b3: {  	v21 =	vld [tilespmem:s18+$0x3850];
	v4 =	vshrl.u32 v4, $0x10;
	v22 =	vand.u32 $0xFF80, v5;
	v9 =	vor.u32 v20, v9  }
0x1b4: {  	v23 =	vld [tilespmem:s18+$0x3860];
	v24 =	vand.u32 $0x7F, v5;
	v4 =	vadd.s32 v2, v4;
	v12 =	vadd.s32 v2, v22  }
0x1b5: {  	v25 =	vld [tilespmem:s18+$0x3870];
	v5 =	vshrl.u32 v5, $0x10;
	v26 =	vand.u32 $0xFF80, v7;
	v12 =	vor.u32 v24, v12  }
0x1b6: {  	v28 =	vand.u32 $0x7F, v7;
	v5 =	vadd.s32 v2, v5;
	v27 =	vadd.s32 v2, v26;
	[tilespmem:v6+s22+$0x0] =	vst.idx.add.s32.msk $0xffff, v1  }
0x1b7: {  	v7 =	vshrl.u32 v7, $0x10;
	v29 =	vand.u32 $0xFF80, v19;
	[tilespmem:v3+s22+$0x0] =	vst.idx.add.s32.msk $0xffff, v1;
	v3 =	vor.u32 v28, v27  }
0x1b8: {  	v32 =	vand.u32 $0x7F, v19;
	v30 =	vadd.s32 v2, v7;
	v31 =	vadd.s32 v2, v29;
	[tilespmem:v9+s22+$0x0] =	vst.idx.add.s32.msk $0xffff, v1  }
0x1b9: {  	v8 =	vshrl.u32 v19, $0x10;
	v33 =	vand.u32 $0xFF80, v21;
	v34 =	vor.u32 v32, v31;
	[tilespmem:v4+s22+$0x0] =	vst.idx.add.s32.msk $0xffff, v1  }
0x1ba: {  	v37 =	vand.u32 $0x7F, v21;
	v35 =	vadd.s32 v2, v8;
	v36 =	vadd.s32 v2, v33;
	[tilespmem:v12+s22+$0x0] =	vst.idx.add.s32.msk $0xffff, v1  }
0x1bb: {  	v11 =	vshrl.u32 v21, $0x10;
	v38 =	vand.u32 $0xFF80, v23;
	v39 =	vor.u32 v37, v36;
	[tilespmem:v5+s22+$0x0] =	vst.idx.add.s32.msk $0xffff, v1  }
0x1bc: {  	v40 =	vadd.s32 v2, v11;
	v41 =	vadd.s32 v2, v38;
	[tilespmem:v3+s22+$0x0] =	vst.idx.add.s32.msk $0xffff, v1;
	v3 =	vand.u32 $0x7F, v23  }
0x1bd: {  	v10 =	vshrl.u32 v23, $0x10;
	v42 =	vand.u32 $0xFF80, v25;
	[tilespmem:v30+s22+$0x0] =	vst.idx.add.s32.msk $0xffff, v1;
	v3 =	vor.u32 v3, v41  }
0x1be: {  	v45 =	vand.u32 $0x7F, v25;
	v43 =	vadd.s32 v2, v10;
	v44 =	vadd.s32 v2, v42;
	[tilespmem:v34+s22+$0x0] =	vst.idx.add.s32.msk $0xffff, v1  }
0x1bf: {  	v46 =	vshrl.u32 v25, $0x10;
	v4 =	vor.u32 v45, v44;
	[tilespmem:v35+s22+$0x0] =	vst.idx.add.s32.msk $0xffff, v1  }
0x1c0: {  	v47 =	vadd.s32 v2, v46;
	[tilespmem:v39+s22+$0x0] =	vst.idx.add.s32.msk $0xffff, v1  }
0x1c1: {  	[tilespmem:v40+s22+$0x0] =	vst.idx.add.s32.msk $0xffff, v1  }
0x1c2: {  	[tilespmem:v3+s22+$0x0] =	vst.idx.add.s32.msk $0xffff, v1  }
0x1c3: {  	[tilespmem:v43+s22+$0x0] =	vst.idx.add.s32.msk $0xffff, v1  }
0x1c4: {  	[tilespmem:v4+s22+$0x0] =	vst.idx.add.s32.msk $0xffff, v1  }
0x1c5: {  	[tilespmem:v47+s22+$0x0] =	vst.idx.add.s32.msk $0xffff, v1  }
0x1c6: {  	v3 =	vld [tilespmem:s18+$0x3C00];
	_ =	sdelay $0x1  }
0x1c7: {  	v4 =	vld [tilespmem:s18+$0x3C10];
	_ =	sdelay $0x1  }
0x1c8: {  	v5 =	vld [tilespmem:s18+$0x3C20]  }
0x1c9: {  	v48 =	vand.u32 $0xFF80, v3  }
0x1ca: {  	v7 =	vld [tilespmem:s18+$0x3C30];
	v49 =	vand.u32 $0x7F, v3;
	v6 =	vadd.s32 v2, v48  }
0x1cb: {  	v3 =	vshrl.u32 v3, $0x10;
	v50 =	vand.u32 $0xFF80, v4;
	v6 =	vor.u32 v49, v6  }
0x1cc: {  	v51 =	vld [tilespmem:s18+$0x3C40];
	v52 =	vand.u32 $0x7F, v4;
	v3 =	vadd.s32 v2, v3;
	v9 =	vadd.s32 v2, v50  }
0x1cd: {  	v53 =	vld [tilespmem:s18+$0x3C50];
	v4 =	vshrl.u32 v4, $0x10;
	v54 =	vand.u32 $0xFF80, v5;
	v9 =	vor.u32 v52, v9  }
0x1ce: {  	v55 =	vld [tilespmem:s18+$0x3C60];
	v56 =	vand.u32 $0x7F, v5;
	v4 =	vadd.s32 v2, v4;
	v12 =	vadd.s32 v2, v54  }
0x1cf: {  	v57 =	vld [tilespmem:s18+$0x3C70];
	v5 =	vshrl.u32 v5, $0x10;
	v58 =	vand.u32 $0xFF80, v7;
	v12 =	vor.u32 v56, v12  }
0x1d0: {  	v60 =	vand.u32 $0x7F, v7;
	v5 =	vadd.s32 v2, v5;
	v59 =	vadd.s32 v2, v58;
	[tilespmem:v6+s22+$0x0] =	vst.idx.add.s32.msk $0xffff, v1  }
0x1d1: {  	v7 =	vshrl.u32 v7, $0x10;
	v61 =	vand.u32 $0xFF80, v51;
	[tilespmem:v3+s22+$0x0] =	vst.idx.add.s32.msk $0xffff, v1;
	v3 =	vor.u32 v60, v59  }
0x1d2: {  	v16 =	vand.u32 $0x7F, v51;
	v62 =	vadd.s32 v2, v7;
	v63 =	vadd.s32 v2, v61;
	[tilespmem:v9+s22+$0x0] =	vst.idx.add.s32.msk $0xffff, v1  }
0x1d3: {  	v8 =	vshrl.u32 v51, $0x10;
	v17 =	vand.u32 $0xFF80, v53;
	v18 =	vor.u32 v16, v63;
	[tilespmem:v4+s22+$0x0] =	vst.idx.add.s32.msk $0xffff, v1  }
0x1d4: {  	v21 =	vand.u32 $0x7F, v53;
	v19 =	vadd.s32 v2, v8;
	v20 =	vadd.s32 v2, v17;
	[tilespmem:v12+s22+$0x0] =	vst.idx.add.s32.msk $0xffff, v1  }
0x1d5: {  	v11 =	vshrl.u32 v53, $0x10;
	v22 =	vand.u32 $0xFF80, v55;
	v23 =	vor.u32 v21, v20;
	[tilespmem:v5+s22+$0x0] =	vst.idx.add.s32.msk $0xffff, v1  }
0x1d6: {  	v24 =	vadd.s32 v2, v11;
	v25 =	vadd.s32 v2, v22;
	[tilespmem:v3+s22+$0x0] =	vst.idx.add.s32.msk $0xffff, v1;
	v3 =	vand.u32 $0x7F, v55  }
0x1d7: {  	v10 =	vshrl.u32 v55, $0x10;
	v26 =	vand.u32 $0xFF80, v57;
	[tilespmem:v62+s22+$0x0] =	vst.idx.add.s32.msk $0xffff, v1;
	v3 =	vor.u32 v3, v25  }
0x1d8: {  	v29 =	vand.u32 $0x7F, v57;
	v27 =	vadd.s32 v2, v10;
	v28 =	vadd.s32 v2, v26;
	[tilespmem:v18+s22+$0x0] =	vst.idx.add.s32.msk $0xffff, v1  }
0x1d9: {  	v30 =	vshrl.u32 v57, $0x10;
	v4 =	vor.u32 v29, v28;
	[tilespmem:v19+s22+$0x0] =	vst.idx.add.s32.msk $0xffff, v1  }
0x1da: {  	v31 =	vadd.s32 v2, v30;
	[tilespmem:v23+s22+$0x0] =	vst.idx.add.s32.msk $0xffff, v1  }
0x1db: {  	[tilespmem:v24+s22+$0x0] =	vst.idx.add.s32.msk $0xffff, v1  }
0x1dc: {  	[tilespmem:v3+s22+$0x0] =	vst.idx.add.s32.msk $0xffff, v1  }
0x1dd: {  	[tilespmem:v27+s22+$0x0] =	vst.idx.add.s32.msk $0xffff, v1  }
0x1de: {  	[tilespmem:v4+s22+$0x0] =	vst.idx.add.s32.msk $0xffff, v1  }
0x1df: {  	[tilespmem:v31+s22+$0x0] =	vst.idx.add.s32.msk $0xffff, v1  }
0x1e0: {  	v3 =	vld [tilespmem:s18+$0x4000];
	_ =	sdelay $0x1  }
0x1e1: {  	v4 =	vld [tilespmem:s18+$0x4010];
	_ =	sdelay $0x1  }
0x1e2: {  	v5 =	vld [tilespmem:s18+$0x4020]  }
0x1e3: {  	v32 =	vand.u32 $0xFF80, v3  }
0x1e4: {  	v7 =	vld [tilespmem:s18+$0x4030];
	v33 =	vand.u32 $0x7F, v3;
	v6 =	vadd.s32 v2, v32  }
0x1e5: {  	v3 =	vshrl.u32 v3, $0x10;
	v34 =	vand.u32 $0xFF80, v4;
	v6 =	vor.u32 v33, v6  }
0x1e6: {  	v35 =	vld [tilespmem:s18+$0x4040];
	v36 =	vand.u32 $0x7F, v4;
	v3 =	vadd.s32 v2, v3;
	v9 =	vadd.s32 v2, v34  }
0x1e7: {  	v37 =	vld [tilespmem:s18+$0x4050];
	v4 =	vshrl.u32 v4, $0x10;
	v38 =	vand.u32 $0xFF80, v5;
	v9 =	vor.u32 v36, v9  }
0x1e8: {  	v39 =	vld [tilespmem:s18+$0x4060];
	v40 =	vand.u32 $0x7F, v5;
	v4 =	vadd.s32 v2, v4;
	v12 =	vadd.s32 v2, v38  }
0x1e9: {  	v41 =	vld [tilespmem:s18+$0x4070];
	v5 =	vshrl.u32 v5, $0x10;
	v42 =	vand.u32 $0xFF80, v7;
	v12 =	vor.u32 v40, v12  }
0x1ea: {  	v44 =	vand.u32 $0x7F, v7;
	v5 =	vadd.s32 v2, v5;
	v43 =	vadd.s32 v2, v42;
	[tilespmem:v6+s22+$0x0] =	vst.idx.add.s32.msk $0xffff, v1  }
0x1eb: {  	v7 =	vshrl.u32 v7, $0x10;
	v45 =	vand.u32 $0xFF80, v35;
	[tilespmem:v3+s22+$0x0] =	vst.idx.add.s32.msk $0xffff, v1;
	v3 =	vor.u32 v44, v43  }
0x1ec: {  	v48 =	vand.u32 $0x7F, v35;
	v46 =	vadd.s32 v2, v7;
	v47 =	vadd.s32 v2, v45;
	[tilespmem:v9+s22+$0x0] =	vst.idx.add.s32.msk $0xffff, v1  }
0x1ed: {  	v8 =	vshrl.u32 v35, $0x10;
	v49 =	vand.u32 $0xFF80, v37;
	v50 =	vor.u32 v48, v47;
	[tilespmem:v4+s22+$0x0] =	vst.idx.add.s32.msk $0xffff, v1  }
0x1ee: {  	v53 =	vand.u32 $0x7F, v37;
	v51 =	vadd.s32 v2, v8;
	v52 =	vadd.s32 v2, v49;
	[tilespmem:v12+s22+$0x0] =	vst.idx.add.s32.msk $0xffff, v1  }
0x1ef: {  	v11 =	vshrl.u32 v37, $0x10;
	v54 =	vand.u32 $0xFF80, v39;
	v55 =	vor.u32 v53, v52;
	[tilespmem:v5+s22+$0x0] =	vst.idx.add.s32.msk $0xffff, v1  }
0x1f0: {  	v56 =	vadd.s32 v2, v11;
	v57 =	vadd.s32 v2, v54;
	[tilespmem:v3+s22+$0x0] =	vst.idx.add.s32.msk $0xffff, v1;
	v3 =	vand.u32 $0x7F, v39  }
0x1f1: {  	v10 =	vshrl.u32 v39, $0x10;
	v58 =	vand.u32 $0xFF80, v41;
	[tilespmem:v46+s22+$0x0] =	vst.idx.add.s32.msk $0xffff, v1;
	v3 =	vor.u32 v3, v57  }
0x1f2: {  	v61 =	vand.u32 $0x7F, v41;
	v59 =	vadd.s32 v2, v10;
	v60 =	vadd.s32 v2, v58;
	[tilespmem:v50+s22+$0x0] =	vst.idx.add.s32.msk $0xffff, v1  }
0x1f3: {  	v62 =	vshrl.u32 v41, $0x10;
	v4 =	vor.u32 v61, v60;
	[tilespmem:v51+s22+$0x0] =	vst.idx.add.s32.msk $0xffff, v1  }
0x1f4: {  	p1 =	sne.s32 s0, $0xFFFFFE00;
	v63 =	vadd.s32 v2, v62;
	[tilespmem:v55+s22+$0x0] =	vst.idx.add.s32.msk $0xffff, v1  }
.Ltmp6:
0x1f5: {  	[tilespmem:v56+s22+$0x0] =	vst.idx.add.s32.msk $0xffff, v1;
	(pc) =	sbr.rel @p1 .LBB2_11-.Ltmp6, $4  }
0x1f6: {  	[tilespmem:v3+s22+$0x0] =	vst.idx.add.s32.msk $0xffff, v1  }
0x1f7: {  	[tilespmem:v59+s22+$0x0] =	vst.idx.add.s32.msk $0xffff, v1  }
0x1f8: {  	[tilespmem:v4+s22+$0x0] =	vst.idx.add.s32.msk $0xffff, v1  }
0x1f9: {  	s0 =	sadd.s32 $0x200, s0;
	[tilespmem:v63+s22+$0x0] =	vst.idx.add.s32.msk $0xffff, v1  }
.Ltmp7:
0x1fa: {  	(pc) =	sbr.rel @p0 .LBB2_14-.Ltmp7, $1  }
0x1fb: {  	_ =	sdelay $0x3  }
.Ltmp8:
0x1fc: {  	(pc) =	sbr.rel .LBB2_4-.Ltmp8, $4  }
0x1fd: {  	s0 =	sadd.s32 s1, s15  }
0x1fe: {  	s0 =	sshll.u32 s0, $0x9  }
0x1ff: {  	s31 =	sadd.s32 $0x1, s31;
	s0 =	sadd.s32 s3, s0  }
0x200: {  	[tilespmem:s20], [sflag:$0x4] =	stream.linear.gather [hbm4b:s0+s2], $0x1000, $0x38;
	[tilespmem:$0x17000] =	vst v63  }
.LBB2_15:
0x201: {  	_ =	sfence.sel $0x180000  }
0x202: {  	[bflag:$0x0] =	sbarrier.arrive $0xFFFF  }
0x203: {  	_ =	strace $0x90000047  }
0x204: {  	s0 =	stileid.u32;
	[bflag:$0x2] =	sbarrier.arrive $0xFFFF  }
0x205: {  	p0 =	sne.s32 s0, $0x0;
	s0 =	rddreg [dreg:$0x1]  }
0x206: {  	s0 =	sadd.s32 @!p0 $0x100000, s0  }
0x207: {  	[sflag:s0] =	ssyncadd.tile.s32 @!p0 $0x1;
	_ =	shalt  }
.Lfunc_end2:
_tile_overlayer_lowered:
.L_overlay_start_2:
0x208: {  	(tag) =	ssettag $0x2  }
0x209: {  	s0 =	rddreg [dreg:$0x0];
	s2 =	stileid.u32  }
0x20a: {  	s1 =	rddreg [dreg:$0x1];
	p0 =	sne.s32 s2, $0x0  }
0x20b: {  	s3 =	rddreg [dreg:$0x2];
	[bflag:$0x3] =	sbarrier.arrive $0xFFFF;
	s2 =	simm.s32 @!p0 $0x1C05  }
0x20c: {  	[timem:s3], [sflag:s2] =	dma.local @!p0 [hbm:s0], s1  }
0x20d: {  	s0 =	simm.s32 @!p0 $0x5  }
0x20e: {  	_ =	swait.ge @!p0 [sflag:s0], s1  }
0x20f: {  	s1 =	ssub.s32 @!p0 $0x0, s1;
	[sflag:s0] =	ssyncset.done @!p0 $0x0  }
0x210: {  	[sflag:s0] =	ssyncadd.s32 @!p0 s1  }
0x211: {  	[bflag:$0x3] =	sbarrier.arrive $0xFFFF  }
0x212: {  	_ =	shalt  }

</sc_bundles>
